<compile_context>
chip_gen: v7x
topology: tpu7x:2x2x1
jax: 0.10.2.dev20260603
libtpu: 0.0.44.dev20260713+nightly
codegen_flags: <defaults>
</compile_context>

<pallas_src>
import functools

import jax
import jax.numpy as jnp
from jax import lax
from jax.experimental import pallas as pl
from jax.experimental.pallas import tpu as pltpu
from jax.experimental.pallas import tpu_sc as plsc

N = 10000
NPAD = 10240
E = 320000
D = 128

NC = 2
NS = 16
NW = NC * NS
EPW = E // NW
CPT = D // NW
CH = 6400
NCH = E // CH
UNROLL = 8

_MESH = plsc.VectorSubcoreMesh(core_axis_name="c", subcore_axis_name="s")
_SC_PARAMS = pltpu.CompilerParams(needs_layout_passes=False)


@functools.partial(
    pl.kernel,
    out_type=jax.ShapeDtypeStruct((NW, 2, NPAD), jnp.float32),
    mesh=_MESH,
    compiler_params=_SC_PARAMS,
    scratch_types=[
        pltpu.VMEM((EPW,), jnp.int32),
        pltpu.VMEM((EPW,), jnp.int32),
        pltpu.VMEM((2, NPAD), jnp.float32),
    ],
)
def _deg_kernel(src_hbm, dst_hbm, out_hbm, sidx, didx, odid):
    c = lax.axis_index("c")
    s = lax.axis_index("s")
    wid = c * NS + s
    base = wid * EPW
    pltpu.sync_copy(src_hbm.at[pl.ds(base, EPW)], sidx)
    pltpu.sync_copy(dst_hbm.at[pl.ds(base, EPW)], didx)

    zero16 = jnp.zeros((16,), jnp.float32)

    def zbody(i, _):
        odid[0, pl.ds(i * 16, 16)] = zero16
        odid[1, pl.ds(i * 16, 16)] = zero16
        return ()

    lax.fori_loop(0, NPAD // 16, zbody, ())

    ones16 = jnp.ones((16,), jnp.float32)
    row0 = jnp.zeros((16,), jnp.int32)
    row1 = jnp.ones((16,), jnp.int32)

    def body(i, _):
        s16 = sidx[pl.ds(i * 16, 16)]
        d16 = didx[pl.ds(i * 16, 16)]
        plsc.addupdate_scatter(odid, [row0, s16], ones16)
        plsc.addupdate_scatter(odid, [row1, d16], ones16)
        return ()

    lax.fori_loop(0, EPW // 16, body, ())
    pltpu.sync_copy(odid, out_hbm.at[wid])


@functools.partial(
    pl.kernel,
    out_type=jax.ShapeDtypeStruct((NW, CPT * NPAD), jnp.float32),
    mesh=_MESH,
    compiler_params=_SC_PARAMS,
    scratch_types=[
        pltpu.VMEM((CH,), jnp.int32),
        pltpu.VMEM((CH,), jnp.int32),
        pltpu.VMEM((CH,), jnp.int32),
        pltpu.VMEM((CH,), jnp.int32),
        pltpu.VMEM((CPT * NPAD,), jnp.float32),
        pltpu.VMEM((CPT * NPAD,), jnp.float32),
        pltpu.SemaphoreType.DMA,
        pltpu.SemaphoreType.DMA,
        pltpu.SemaphoreType.DMA,
        pltpu.SemaphoreType.DMA,
    ],
)
def _agg_kernel(ht_hbm, src_hbm, dst_hbm, out_hbm,
                sidx0, sidx1, didx0, didx1, tab, acc,
                sem_s0, sem_s1, sem_d0, sem_d1):
    c = lax.axis_index("c")
    s = lax.axis_index("s")
    wid = c * NS + s
    pltpu.sync_copy(ht_hbm.at[wid], tab)

    zero16 = jnp.zeros((16,), jnp.float32)

    def zbody(i, _):
        for j in range(CPT):
            acc[pl.ds(i * 64 + j * 16, 16)] = zero16
        return ()

    lax.fori_loop(0, CPT * NPAD // 64, zbody, ())

    def start(k, sbuf, dbuf, ssem, dsem):
        pltpu.async_copy(src_hbm.at[pl.ds(k * CH, CH)], sbuf, ssem)
        pltpu.async_copy(dst_hbm.at[pl.ds(k * CH, CH)], dbuf, dsem)

    def wait(sbuf, dbuf, ssem, dsem):
        pltpu.make_async_copy(src_hbm.at[pl.ds(0, CH)], sbuf, ssem).wait()
        pltpu.make_async_copy(dst_hbm.at[pl.ds(0, CH)], dbuf, dsem).wait()

    def process(sbuf, dbuf):
        def body(i, _):
            sa, da = [], []
            for u in range(UNROLL):
                off = i * (16 * UNROLL) + u * 16
                sa.append(sbuf[pl.ds(off, 16)])
                da.append(dbuf[pl.ds(off, 16)])
            vals = [plsc.load_gather(tab, [sa[u] + (j * NPAD)])
                    for u in range(UNROLL) for j in range(CPT)]
            k = 0
            for u in range(UNROLL):
                for j in range(CPT):
                    plsc.addupdate_scatter(acc, [da[u] + (j * NPAD)], vals[k])
                    k += 1
            return ()

        lax.fori_loop(0, CH // (16 * UNROLL), body, ())

    start(0, sidx0, didx0, sem_s0, sem_d0)
    start(1, sidx1, didx1, sem_s1, sem_d1)

    def chunk2_body(kk, _):
        k = kk * 2
        wait(sidx0, didx0, sem_s0, sem_d0)
        process(sidx0, didx0)

        @pl.when(k + 2 < NCH)
        def _p0():
            start(k + 2, sidx0, didx0, sem_s0, sem_d0)

        wait(sidx1, didx1, sem_s1, sem_d1)
        process(sidx1, didx1)

        @pl.when(k + 3 < NCH)
        def _p1():
            start(k + 3, sidx1, didx1, sem_s1, sem_d1)

        return ()

    lax.fori_loop(0, NCH // 2, chunk2_body, ())
    pltpu.sync_copy(acc, out_hbm.at[wid])


_R = 1024


def _prep_body(ft_ref, deg_ref, o_ref):
    deg = jnp.sum(deg_ref[...], axis=0)
    ns = lax.rsqrt(jnp.maximum(deg[0:1, :], 1.0))
    o_ref[...] = ft_ref[...] * ns


def _tc_prep(ft, degP):
    return pl.pallas_call(
        _prep_body,
        out_shape=jax.ShapeDtypeStruct((D, NPAD), jnp.float32),
        grid=(NPAD // _R,),
        in_specs=[
            pl.BlockSpec((D, _R), lambda i: (0, i)),
            pl.BlockSpec((NW, 2, _R), lambda i: (0, 0, i)),
        ],
        out_specs=pl.BlockSpec((D, _R), lambda i: (0, i)),
    )(ft, degP)


def _dense_body(apply_src_norm, aggt_ref, deg_ref, w_ref, b_ref, o_ref):
    deg = jnp.sum(deg_ref[...], axis=0)
    nd = lax.rsqrt(jnp.maximum(deg[1:2, :], 1.0))
    x = aggt_ref[...] * nd
    y = lax.dot_general(w_ref[...], x, (((0,), (0,)), ((), ())),
                        preferred_element_type=jnp.float32)
    y = y + b_ref[:, 0:1]
    y = jnp.maximum(y, 0.0)
    if apply_src_norm:
        ns = lax.rsqrt(jnp.maximum(deg[0:1, :], 1.0))
        y = y * ns
    o_ref[...] = y


def _tc_dense(aggT, degP, W, b_bc, apply_src_norm):
    return pl.pallas_call(
        functools.partial(_dense_body, apply_src_norm),
        out_shape=jax.ShapeDtypeStruct((D, NPAD), jnp.float32),
        grid=(NPAD // _R,),
        in_specs=[
            pl.BlockSpec((D, _R), lambda i: (0, i)),
            pl.BlockSpec((NW, 2, _R), lambda i: (0, 0, i)),
            pl.BlockSpec((D, D), lambda i: (0, 0)),
            pl.BlockSpec((D, D), lambda i: (0, 0)),
        ],
        out_specs=pl.BlockSpec((D, _R), lambda i: (0, i)),
    )(aggT, degP, W, b_bc)


def kernel(features, edge_index, W1, b1, W2, b2):
    src = edge_index[0]
    dst = edge_index[1]

    degP = _deg_kernel(src, dst)

    ft = jnp.zeros((D, NPAD), jnp.float32).at[:, :N].set(features.T)
    hT0 = _tc_prep(ft, degP)

    b1_bc = jnp.broadcast_to(b1.reshape(D, 1), (D, D))
    b2_bc = jnp.broadcast_to(b2.reshape(D, 1), (D, D))

    def to_sc(hT):
        return hT.reshape(NW, CPT * NPAD)

    def from_sc(agg):
        return agg.reshape(D, NPAD)

    agg1 = _agg_kernel(to_sc(hT0), src, dst)
    h1T = _tc_dense(from_sc(agg1), degP, W1, b1_bc, True)

    agg2 = _agg_kernel(to_sc(h1T), src, dst)
    o2T = _tc_dense(from_sc(agg2), degP, W2, b2_bc, False)
    return o2T[:, :N].T

# --- scband reference (transcript-rebuilt; emitter-appended) ---
"""Pipeline reference for scband-encoder-68161130987918 (READ-ONLY COPY).

The authoritative reference and input builder live on the scoring server;
editing this copy changes nothing except your own understanding.
"""

import jax, jax.numpy as jnp
import numpy as np

N = 10000
E = 320000
D = 128
H = 128


def setup_inputs(seed: int = 0) -> dict:
    key = jax.random.key(seed)
    k1, k2, k3, k4, k5, k6 = jax.random.split(key, 6)
    features = jax.random.normal(k1, (N, D), dtype=jnp.float32)
    edge_index = jax.random.randint(k2, (2, E), 0, N, dtype=jnp.int32)
    W1 = jax.random.normal(k3, (D, H), dtype=jnp.float32) * 0.05
    b1 = jnp.zeros((H,), dtype=jnp.float32)
    W2 = jax.random.normal(k4, (H, H), dtype=jnp.float32) * 0.05
    b2 = jnp.zeros((H,), dtype=jnp.float32)
    return {"features": features, "edge_index": edge_index, "W1": W1, "b1": b1, "W2": W2, "b2": b2}


def _graph_conv(x, src, dst, W, b):
    # DGL GraphConv with norm='both': D_dst^{-1/2} A D_src^{-1/2} X W + b
    ones = jnp.ones((src.shape[0],), dtype=x.dtype)
    out_deg = jnp.zeros((N,), dtype=x.dtype).at[src].add(ones)
    in_deg = jnp.zeros((N,), dtype=x.dtype).at[dst].add(ones)
    norm_src = jax.lax.rsqrt(jnp.clip(out_deg, 1.0, None))
    norm_dst = jax.lax.rsqrt(jnp.clip(in_deg, 1.0, None))
    h = x * norm_src[:, None]
    msg = jnp.take(h, src, axis=0)
    agg = jnp.zeros((N, h.shape[1]), dtype=x.dtype).at[dst].add(msg)
    h = agg * norm_dst[:, None]
    return h @ W + b


def reference(features, edge_index, W1, b1, W2, b2):
    src = edge_index[0]
    dst = edge_index[1]
    x = _graph_conv(features, src, dst, W1, b1)
    x = jax.nn.relu(x)
    x = _graph_conv(x, src, dst, W2, b2)
    x = jax.nn.relu(x)
    return x

if __name__ == "__main__":
    import jax
    _d = setup_inputs()
    print(jax.jit(kernel)(*tuple(_d.values())))

</pallas_src>

<mosaic_0001>
#map = affine_map<(d0, d1) -> (0, 0)>
#map1 = affine_map<(d0, d1) -> (0)>
module attributes {stable_mosaic.version = 14 : i64} {
  func.func @_agg_kernel(%arg0: i32, %arg1: i32, %arg2: memref<32x40960xf32, #tpu.memory_space<hbm>>, %arg3: memref<320000xi32, #tpu.memory_space<hbm>>, %arg4: memref<320000xi32, #tpu.memory_space<hbm>>, %arg5: memref<32x40960xf32, #tpu.memory_space<hbm>>, %arg6: memref<6400xi32, #tpu.memory_space<vmem>>, %arg7: memref<6400xi32, #tpu.memory_space<vmem>>, %arg8: memref<6400xi32, #tpu.memory_space<vmem>>, %arg9: memref<6400xi32, #tpu.memory_space<vmem>>, %arg10: memref<40960xf32, #tpu.memory_space<vmem>>, %arg11: memref<40960xf32, #tpu.memory_space<vmem>>, %arg12: memref<!tpu.dma_semaphore, #tpu.memory_space<semaphore_mem>>, %arg13: memref<!tpu.dma_semaphore, #tpu.memory_space<semaphore_mem>>, %arg14: memref<!tpu.dma_semaphore, #tpu.memory_space<semaphore_mem>>, %arg15: memref<!tpu.dma_semaphore, #tpu.memory_space<semaphore_mem>>) attributes {dimension_semantics = [#tpu.dimension_semantics<core_parallel>, #tpu.dimension_semantics<subcore_parallel>], iteration_bounds = array<i64: 2, 16>, scalar_prefetch = 0 : i64, scratch_operands = 10 : i64, tpu.core_type = #tpu.core_type<sc_vector_subcore>, window_params = [{transform_indices = #map}, {transform_indices = #map1}, {transform_indices = #map1}, {transform_indices = #map}]} {
    %mul3A = arith.constant 16 : i32
    %mul3A_0 = arith.muli %arg0, %mul3A : i32
    %add3A = arith.addi %mul3A_0, %arg1 : i32
    "tpu.region"() ({
      %run_scoped3A = tpu.sem_alloc : memref<!tpu.dma_semaphore, #tpu.memory_space<semaphore_mem>>
      %dma_start3A_26 = arith.constant 0 : i32
      %dma_start3A_27 = tpu.memref_slice %arg2[%add3A, %dma_start3A_26] : memref<32x40960xf32, #tpu.memory_space<hbm>> -> memref<1x40960xf32, #tpu.memory_space<hbm>>
      %dma_start3A_28 = tpu.memref_squeeze %dma_start3A_27 : memref<1x40960xf32, #tpu.memory_space<hbm>> -> memref<40960xf32, #tpu.memory_space<hbm>>
      %dma_start3A_29 = arith.constant 0 : i32
      %dma_start3A_30 = tpu.memref_slice %arg2[%add3A, %dma_start3A_29] : memref<32x40960xf32, #tpu.memory_space<hbm>> -> memref<1x40960xf32, #tpu.memory_space<hbm>>
      %dma_start3A_31 = tpu.memref_squeeze %dma_start3A_30 : memref<1x40960xf32, #tpu.memory_space<hbm>> -> memref<40960xf32, #tpu.memory_space<hbm>>
      tpu.enqueue_dma source(%dma_start3A_31 : memref<40960xf32, #tpu.memory_space<hbm>>) target(%arg10 : memref<40960xf32, #tpu.memory_space<vmem>>) target_semaphore(%run_scoped3A : memref<!tpu.dma_semaphore, #tpu.memory_space<semaphore_mem>>)
      %dma_wait3A = arith.constant 0 : i32
      %dma_wait3A_32 = tpu.memref_slice %arg2[%add3A, %dma_wait3A] : memref<32x40960xf32, #tpu.memory_space<hbm>> -> memref<1x40960xf32, #tpu.memory_space<hbm>>
      %dma_wait3A_33 = tpu.memref_squeeze %dma_wait3A_32 : memref<1x40960xf32, #tpu.memory_space<hbm>> -> memref<40960xf32, #tpu.memory_space<hbm>>
      %dma_wait3A_34 = arith.constant 0 : i32
      %dma_wait3A_35 = tpu.memref_slice %arg2[%add3A, %dma_wait3A_34] : memref<32x40960xf32, #tpu.memory_space<hbm>> -> memref<1x40960xf32, #tpu.memory_space<hbm>>
      %dma_wait3A_36 = tpu.memref_squeeze %dma_wait3A_35 : memref<1x40960xf32, #tpu.memory_space<hbm>> -> memref<40960xf32, #tpu.memory_space<hbm>>
      tpu.wait_dma2 semaphore(%run_scoped3A : memref<!tpu.dma_semaphore, #tpu.memory_space<semaphore_mem>>) src(%dma_wait3A_36 : memref<40960xf32, #tpu.memory_space<hbm>>) dst(%arg10 : memref<40960xf32, #tpu.memory_space<vmem>>)
      tpu.yield
    }) : () -> ()
    %broadcast_in_dim3A = arith.constant 0.000000e+00 : f32
    %broadcast_in_dim3A_1 = vector.broadcast %broadcast_in_dim3A : f32 to vector<16xf32>
    %scan3A = arith.constant 0 : i32
    %scan3A_2 = arith.constant 640 : i32
    %scan3A_3 = arith.addi %scan3A, %scan3A_2 : i32
    %scan3A_4 = arith.constant 1 : i32
    scf.for %scan3A_26 = %scan3A to %scan3A_3 step %scan3A_4  : i32 {
      %mul3A_27 = arith.constant 64 : i32
      %mul3A_28 = arith.muli %scan3A_26, %mul3A_27 : i32
      %add3A_29 = arith.constant 0 : i32
      %add3A_30 = arith.addi %mul3A_28, %add3A_29 : i32
      %swap3A = arith.index_cast %add3A_30 : i32 to index
      %swap3A_31 = tpu.vector_load %arg11[%swap3A] {strides = array<i32>} : memref<40960xf32, #tpu.memory_space<vmem>>, vector<16xf32>,
      tpu.vector_store %arg11[%swap3A], %broadcast_in_dim3A_1 {strides = array<i32>} : memref<40960xf32, #tpu.memory_space<vmem>>, vector<16xf32>,
      %mul3A_32 = arith.constant 64 : i32
      %mul3A_33 = arith.muli %scan3A_26, %mul3A_32 : i32
      %add3A_34 = arith.constant 16 : i32
      %add3A_35 = arith.addi %mul3A_33, %add3A_34 : i32
      %swap3A_36 = arith.index_cast %add3A_35 : i32 to index
      %swap3A_37 = tpu.vector_load %arg11[%swap3A_36] {strides = array<i32>} : memref<40960xf32, #tpu.memory_space<vmem>>, vector<16xf32>,
      tpu.vector_store %arg11[%swap3A_36], %broadcast_in_dim3A_1 {strides = array<i32>} : memref<40960xf32, #tpu.memory_space<vmem>>, vector<16xf32>,
      %mul3A_38 = arith.constant 64 : i32
      %mul3A_39 = arith.muli %scan3A_26, %mul3A_38 : i32
      %add3A_40 = arith.constant 32 : i32
      %add3A_41 = arith.addi %mul3A_39, %add3A_40 : i32
      %swap3A_42 = arith.index_cast %add3A_41 : i32 to index
      %swap3A_43 = tpu.vector_load %arg11[%swap3A_42] {strides = array<i32>} : memref<40960xf32, #tpu.memory_space<vmem>>, vector<16xf32>,
      tpu.vector_store %arg11[%swap3A_42], %broadcast_in_dim3A_1 {strides = array<i32>} : memref<40960xf32, #tpu.memory_space<vmem>>, vector<16xf32>,
      %mul3A_44 = arith.constant 64 : i32
      %mul3A_45 = arith.muli %scan3A_26, %mul3A_44 : i32
      %add3A_46 = arith.constant 48 : i32
      %add3A_47 = arith.addi %mul3A_45, %add3A_46 : i32
      %swap3A_48 = arith.index_cast %add3A_47 : i32 to index
      %swap3A_49 = tpu.vector_load %arg11[%swap3A_48] {strides = array<i32>} : memref<40960xf32, #tpu.memory_space<vmem>>, vector<16xf32>,
      tpu.vector_store %arg11[%swap3A_48], %broadcast_in_dim3A_1 {strides = array<i32>} : memref<40960xf32, #tpu.memory_space<vmem>>, vector<16xf32>,
    }
    %scan3A_5 = arith.constant 640 : i32
    %dma_start3A = arith.constant 0 : i32
    %dma_start3A_6 = tpu.memref_slice %arg3[%dma_start3A] : memref<320000xi32, #tpu.memory_space<hbm>> -> memref<6400xi32, #tpu.memory_space<hbm>>
    %dma_start3A_7 = arith.constant 0 : i32
    %dma_start3A_8 = tpu.memref_slice %arg3[%dma_start3A_7] : memref<320000xi32, #tpu.memory_space<hbm>> -> memref<6400xi32, #tpu.memory_space<hbm>>
    tpu.enqueue_dma source(%dma_start3A_8 : memref<6400xi32, #tpu.memory_space<hbm>>) target(%arg6 : memref<6400xi32, #tpu.memory_space<vmem>>) target_semaphore(%arg12 : memref<!tpu.dma_semaphore, #tpu.memory_space<semaphore_mem>>)
    %dma_start3A_9 = arith.constant 0 : i32
    %dma_start3A_10 = tpu.memref_slice %arg4[%dma_start3A_9] : memref<320000xi32, #tpu.memory_space<hbm>> -> memref<6400xi32, #tpu.memory_space<hbm>>
    %dma_start3A_11 = arith.constant 0 : i32
    %dma_start3A_12 = tpu.memref_slice %arg4[%dma_start3A_11] : memref<320000xi32, #tpu.memory_space<hbm>> -> memref<6400xi32, #tpu.memory_space<hbm>>
    tpu.enqueue_dma source(%dma_start3A_12 : memref<6400xi32, #tpu.memory_space<hbm>>) target(%arg8 : memref<6400xi32, #tpu.memory_space<vmem>>) target_semaphore(%arg14 : memref<!tpu.dma_semaphore, #tpu.memory_space<semaphore_mem>>)
    %dma_start3A_13 = arith.constant 6400 : i32
    %dma_start3A_14 = tpu.memref_slice %arg3[%dma_start3A_13] : memref<320000xi32, #tpu.memory_space<hbm>> -> memref<6400xi32, #tpu.memory_space<hbm>>
    %dma_start3A_15 = arith.constant 6400 : i32
    %dma_start3A_16 = tpu.memref_slice %arg3[%dma_start3A_15] : memref<320000xi32, #tpu.memory_space<hbm>> -> memref<6400xi32, #tpu.memory_space<hbm>>
    tpu.enqueue_dma source(%dma_start3A_16 : memref<6400xi32, #tpu.memory_space<hbm>>) target(%arg7 : memref<6400xi32, #tpu.memory_space<vmem>>) target_semaphore(%arg13 : memref<!tpu.dma_semaphore, #tpu.memory_space<semaphore_mem>>)
    %dma_start3A_17 = arith.constant 6400 : i32
    %dma_start3A_18 = tpu.memref_slice %arg4[%dma_start3A_17] : memref<320000xi32, #tpu.memory_space<hbm>> -> memref<6400xi32, #tpu.memory_space<hbm>>
    %dma_start3A_19 = arith.constant 6400 : i32
    %dma_start3A_20 = tpu.memref_slice %arg4[%dma_start3A_19] : memref<320000xi32, #tpu.memory_space<hbm>> -> memref<6400xi32, #tpu.memory_space<hbm>>
    tpu.enqueue_dma source(%dma_start3A_20 : memref<6400xi32, #tpu.memory_space<hbm>>) target(%arg9 : memref<6400xi32, #tpu.memory_space<vmem>>) target_semaphore(%arg15 : memref<!tpu.dma_semaphore, #tpu.memory_space<semaphore_mem>>)
    %scan3A_21 = arith.constant 0 : i32
    %scan3A_22 = arith.constant 25 : i32
    %scan3A_23 = arith.addi %scan3A_21, %scan3A_22 : i32
    %scan3A_24 = arith.constant 1 : i32
    scf.for %scan3A_26 = %scan3A_21 to %scan3A_23 step %scan3A_24  : i32 {
      %mul3A_27 = arith.constant 2 : i32
      %mul3A_28 = arith.muli %scan3A_26, %mul3A_27 : i32
      %dma_wait3A = arith.constant 0 : i32
      %dma_wait3A_29 = tpu.memref_slice %arg3[%dma_wait3A] : memref<320000xi32, #tpu.memory_space<hbm>> -> memref<6400xi32, #tpu.memory_space<hbm>>
      %dma_wait3A_30 = arith.constant 0 : i32
      %dma_wait3A_31 = tpu.memref_slice %arg3[%dma_wait3A_30] : memref<320000xi32, #tpu.memory_space<hbm>> -> memref<6400xi32, #tpu.memory_space<hbm>>
      tpu.wait_dma2 semaphore(%arg12 : memref<!tpu.dma_semaphore, #tpu.memory_space<semaphore_mem>>) src(%dma_wait3A_31 : memref<6400xi32, #tpu.memory_space<hbm>>) dst(%arg6 : memref<6400xi32, #tpu.memory_space<vmem>>)
      %dma_wait3A_32 = arith.constant 0 : i32
      %dma_wait3A_33 = tpu.memref_slice %arg4[%dma_wait3A_32] : memref<320000xi32, #tpu.memory_space<hbm>> -> memref<6400xi32, #tpu.memory_space<hbm>>
      %dma_wait3A_34 = arith.constant 0 : i32
      %dma_wait3A_35 = tpu.memref_slice %arg4[%dma_wait3A_34] : memref<320000xi32, #tpu.memory_space<hbm>> -> memref<6400xi32, #tpu.memory_space<hbm>>
      tpu.wait_dma2 semaphore(%arg14 : memref<!tpu.dma_semaphore, #tpu.memory_space<semaphore_mem>>) src(%dma_wait3A_35 : memref<6400xi32, #tpu.memory_space<hbm>>) dst(%arg8 : memref<6400xi32, #tpu.memory_space<vmem>>)
      %scan3A_36 = arith.constant 0 : i32
      %scan3A_37 = arith.constant 50 : i32
      %scan3A_38 = arith.addi %scan3A_36, %scan3A_37 : i32
      %scan3A_39 = arith.constant 1 : i32
      scf.for %scan3A_65 = %scan3A_36 to %scan3A_38 step %scan3A_39  : i32 {
        %mul3A_66 = arith.constant 128 : i32
        %mul3A_67 = arith.muli %scan3A_65, %mul3A_66 : i32
        %add3A_68 = arith.constant 0 : i32
        %add3A_69 = arith.addi %mul3A_67, %add3A_68 : i32
        %get3A = arith.index_cast %add3A_69 : i32 to index
        %get3A_70 = tpu.vector_load %arg6[%get3A] {strides = array<i32>} : memref<6400xi32, #tpu.memory_space<vmem>>, vector<16xi32>,
        %get3A_71 = arith.index_cast %add3A_69 : i32 to index
        %get3A_72 = tpu.vector_load %arg8[%get3A_71] {strides = array<i32>} : memref<6400xi32, #tpu.memory_space<vmem>>, vector<16xi32>,
        %mul3A_73 = arith.constant 128 : i32
        %mul3A_74 = arith.muli %scan3A_65, %mul3A_73 : i32
        %add3A_75 = arith.constant 16 : i32
        %add3A_76 = arith.addi %mul3A_74, %add3A_75 : i32
        %get3A_77 = arith.index_cast %add3A_76 : i32 to index
        %get3A_78 = tpu.vector_load %arg6[%get3A_77] {strides = array<i32>} : memref<6400xi32, #tpu.memory_space<vmem>>, vector<16xi32>,
        %get3A_79 = arith.index_cast %add3A_76 : i32 to index
        %get3A_80 = tpu.vector_load %arg8[%get3A_79] {strides = array<i32>} : memref<6400xi32, #tpu.memory_space<vmem>>, vector<16xi32>,
        %mul3A_81 = arith.constant 128 : i32
        %mul3A_82 = arith.muli %scan3A_65, %mul3A_81 : i32
        %add3A_83 = arith.constant 32 : i32
        %add3A_84 = arith.addi %mul3A_82, %add3A_83 : i32
        %get3A_85 = arith.index_cast %add3A_84 : i32 to index
        %get3A_86 = tpu.vector_load %arg6[%get3A_85] {strides = array<i32>} : memref<6400xi32, #tpu.memory_space<vmem>>, vector<16xi32>,
        %get3A_87 = arith.index_cast %add3A_84 : i32 to index
        %get3A_88 = tpu.vector_load %arg8[%get3A_87] {strides = array<i32>} : memref<6400xi32, #tpu.memory_space<vmem>>, vector<16xi32>,
        %mul3A_89 = arith.constant 128 : i32
        %mul3A_90 = arith.muli %scan3A_65, %mul3A_89 : i32
        %add3A_91 = arith.constant 48 : i32
        %add3A_92 = arith.addi %mul3A_90, %add3A_91 : i32
        %get3A_93 = arith.index_cast %add3A_92 : i32 to index
        %get3A_94 = tpu.vector_load %arg6[%get3A_93] {strides = array<i32>} : memref<6400xi32, #tpu.memory_space<vmem>>, vector<16xi32>,
        %get3A_95 = arith.index_cast %add3A_92 : i32 to index
        %get3A_96 = tpu.vector_load %arg8[%get3A_95] {strides = array<i32>} : memref<6400xi32, #tpu.memory_space<vmem>>, vector<16xi32>,
        %mul3A_97 = arith.constant 128 : i32
        %mul3A_98 = arith.muli %scan3A_65, %mul3A_97 : i32
        %add3A_99 = arith.constant 64 : i32
        %add3A_100 = arith.addi %mul3A_98, %add3A_99 : i32
        %get3A_101 = arith.index_cast %add3A_100 : i32 to index
        %get3A_102 = tpu.vector_load %arg6[%get3A_101] {strides = array<i32>} : memref<6400xi32, #tpu.memory_space<vmem>>, vector<16xi32>,
        %get3A_103 = arith.index_cast %add3A_100 : i32 to index
        %get3A_104 = tpu.vector_load %arg8[%get3A_103] {strides = array<i32>} : memref<6400xi32, #tpu.memory_space<vmem>>, vector<16xi32>,
        %mul3A_105 = arith.constant 128 : i32
        %mul3A_106 = arith.muli %scan3A_65, %mul3A_105 : i32
        %add3A_107 = arith.constant 80 : i32
        %add3A_108 = arith.addi %mul3A_106, %add3A_107 : i32
        %get3A_109 = arith.index_cast %add3A_108 : i32 to index
        %get3A_110 = tpu.vector_load %arg6[%get3A_109] {strides = array<i32>} : memref<6400xi32, #tpu.memory_space<vmem>>, vector<16xi32>,
        %get3A_111 = arith.index_cast %add3A_108 : i32 to index
        %get3A_112 = tpu.vector_load %arg8[%get3A_111] {strides = array<i32>} : memref<6400xi32, #tpu.memory_space<vmem>>, vector<16xi32>,
        %mul3A_113 = arith.constant 128 : i32
        %mul3A_114 = arith.muli %scan3A_65, %mul3A_113 : i32
        %add3A_115 = arith.constant 96 : i32
        %add3A_116 = arith.addi %mul3A_114, %add3A_115 : i32
        %get3A_117 = arith.index_cast %add3A_116 : i32 to index
        %get3A_118 = tpu.vector_load %arg6[%get3A_117] {strides = array<i32>} : memref<6400xi32, #tpu.memory_space<vmem>>, vector<16xi32>,
        %get3A_119 = arith.index_cast %add3A_116 : i32 to index
        %get3A_120 = tpu.vector_load %arg8[%get3A_119] {strides = array<i32>} : memref<6400xi32, #tpu.memory_space<vmem>>, vector<16xi32>,
        %mul3A_121 = arith.constant 128 : i32
        %mul3A_122 = arith.muli %scan3A_65, %mul3A_121 : i32
        %add3A_123 = arith.constant 112 : i32
        %add3A_124 = arith.addi %mul3A_122, %add3A_123 : i32
        %get3A_125 = arith.index_cast %add3A_124 : i32 to index
        %get3A_126 = tpu.vector_load %arg6[%get3A_125] {strides = array<i32>} : memref<6400xi32, #tpu.memory_space<vmem>>, vector<16xi32>,
        %get3A_127 = arith.index_cast %add3A_124 : i32 to index
        %get3A_128 = tpu.vector_load %arg8[%get3A_127] {strides = array<i32>} : memref<6400xi32, #tpu.memory_space<vmem>>, vector<16xi32>,
        %add3A_129 = arith.constant 0 : i32
        %add3A_130 = vector.broadcast %add3A_129 : i32 to vector<16xi32>
        %add3A_131 = arith.addi %get3A_70, %add3A_130 : vector<16xi32>
        %gather3A = tpu.vector_load_idx %arg10[%add3A_131] : memref<40960xf32, #tpu.memory_space<vmem>>[vector<16xi32>], vector<16xf32>,
        %add3A_132 = arith.constant 10240 : i32
        %add3A_133 = vector.broadcast %add3A_132 : i32 to vector<16xi32>
        %add3A_134 = arith.addi %get3A_70, %add3A_133 : vector<16xi32>
        %gather3A_135 = tpu.vector_load_idx %arg10[%add3A_134] : memref<40960xf32, #tpu.memory_space<vmem>>[vector<16xi32>], vector<16xf32>,
        %add3A_136 = arith.constant 20480 : i32
        %add3A_137 = vector.broadcast %add3A_136 : i32 to vector<16xi32>
        %add3A_138 = arith.addi %get3A_70, %add3A_137 : vector<16xi32>
        %gather3A_139 = tpu.vector_load_idx %arg10[%add3A_138] : memref<40960xf32, #tpu.memory_space<vmem>>[vector<16xi32>], vector<16xf32>,
        %add3A_140 = arith.constant 30720 : i32
        %add3A_141 = vector.broadcast %add3A_140 : i32 to vector<16xi32>
        %add3A_142 = arith.addi %get3A_70, %add3A_141 : vector<16xi32>
        %gather3A_143 = tpu.vector_load_idx %arg10[%add3A_142] : memref<40960xf32, #tpu.memory_space<vmem>>[vector<16xi32>], vector<16xf32>,
        %add3A_144 = arith.constant 0 : i32
        %add3A_145 = vector.broadcast %add3A_144 : i32 to vector<16xi32>
        %add3A_146 = arith.addi %get3A_78, %add3A_145 : vector<16xi32>
        %gather3A_147 = tpu.vector_load_idx %arg10[%add3A_146] : memref<40960xf32, #tpu.memory_space<vmem>>[vector<16xi32>], vector<16xf32>,
        %add3A_148 = arith.constant 10240 : i32
        %add3A_149 = vector.broadcast %add3A_148 : i32 to vector<16xi32>
        %add3A_150 = arith.addi %get3A_78, %add3A_149 : vector<16xi32>
        %gather3A_151 = tpu.vector_load_idx %arg10[%add3A_150] : memref<40960xf32, #tpu.memory_space<vmem>>[vector<16xi32>], vector<16xf32>,
        %add3A_152 = arith.constant 20480 : i32
        %add3A_153 = vector.broadcast %add3A_152 : i32 to vector<16xi32>
        %add3A_154 = arith.addi %get3A_78, %add3A_153 : vector<16xi32>
        %gather3A_155 = tpu.vector_load_idx %arg10[%add3A_154] : memref<40960xf32, #tpu.memory_space<vmem>>[vector<16xi32>], vector<16xf32>,
        %add3A_156 = arith.constant 30720 : i32
        %add3A_157 = vector.broadcast %add3A_156 : i32 to vector<16xi32>
        %add3A_158 = arith.addi %get3A_78, %add3A_157 : vector<16xi32>
        %gather3A_159 = tpu.vector_load_idx %arg10[%add3A_158] : memref<40960xf32, #tpu.memory_space<vmem>>[vector<16xi32>], vector<16xf32>,
        %add3A_160 = arith.constant 0 : i32
        %add3A_161 = vector.broadcast %add3A_160 : i32 to vector<16xi32>
        %add3A_162 = arith.addi %get3A_86, %add3A_161 : vector<16xi32>
        %gather3A_163 = tpu.vector_load_idx %arg10[%add3A_162] : memref<40960xf32, #tpu.memory_space<vmem>>[vector<16xi32>], vector<16xf32>,
        %add3A_164 = arith.constant 10240 : i32
        %add3A_165 = vector.broadcast %add3A_164 : i32 to vector<16xi32>
        %add3A_166 = arith.addi %get3A_86, %add3A_165 : vector<16xi32>
        %gather3A_167 = tpu.vector_load_idx %arg10[%add3A_166] : memref<40960xf32, #tpu.memory_space<vmem>>[vector<16xi32>], vector<16xf32>,
        %add3A_168 = arith.constant 20480 : i32
        %add3A_169 = vector.broadcast %add3A_168 : i32 to vector<16xi32>
        %add3A_170 = arith.addi %get3A_86, %add3A_169 : vector<16xi32>
        %gather3A_171 = tpu.vector_load_idx %arg10[%add3A_170] : memref<40960xf32, #tpu.memory_space<vmem>>[vector<16xi32>], vector<16xf32>,
        %add3A_172 = arith.constant 30720 : i32
        %add3A_173 = vector.broadcast %add3A_172 : i32 to vector<16xi32>
        %add3A_174 = arith.addi %get3A_86, %add3A_173 : vector<16xi32>
        %gather3A_175 = tpu.vector_load_idx %arg10[%add3A_174] : memref<40960xf32, #tpu.memory_space<vmem>>[vector<16xi32>], vector<16xf32>,
        %add3A_176 = arith.constant 0 : i32
        %add3A_177 = vector.broadcast %add3A_176 : i32 to vector<16xi32>
        %add3A_178 = arith.addi %get3A_94, %add3A_177 : vector<16xi32>
        %gather3A_179 = tpu.vector_load_idx %arg10[%add3A_178] : memref<40960xf32, #tpu.memory_space<vmem>>[vector<16xi32>], vector<16xf32>,
        %add3A_180 = arith.constant 10240 : i32
        %add3A_181 = vector.broadcast %add3A_180 : i32 to vector<16xi32>
        %add3A_182 = arith.addi %get3A_94, %add3A_181 : vector<16xi32>
        %gather3A_183 = tpu.vector_load_idx %arg10[%add3A_182] : memref<40960xf32, #tpu.memory_space<vmem>>[vector<16xi32>], vector<16xf32>,
        %add3A_184 = arith.constant 20480 : i32
        %add3A_185 = vector.broadcast %add3A_184 : i32 to vector<16xi32>
        %add3A_186 = arith.addi %get3A_94, %add3A_185 : vector<16xi32>
        %gather3A_187 = tpu.vector_load_idx %arg10[%add3A_186] : memref<40960xf32, #tpu.memory_space<vmem>>[vector<16xi32>], vector<16xf32>,
        %add3A_188 = arith.constant 30720 : i32
        %add3A_189 = vector.broadcast %add3A_188 : i32 to vector<16xi32>
        %add3A_190 = arith.addi %get3A_94, %add3A_189 : vector<16xi32>
        %gather3A_191 = tpu.vector_load_idx %arg10[%add3A_190] : memref<40960xf32, #tpu.memory_space<vmem>>[vector<16xi32>], vector<16xf32>,
        %add3A_192 = arith.constant 0 : i32
        %add3A_193 = vector.broadcast %add3A_192 : i32 to vector<16xi32>
        %add3A_194 = arith.addi %get3A_102, %add3A_193 : vector<16xi32>
        %gather3A_195 = tpu.vector_load_idx %arg10[%add3A_194] : memref<40960xf32, #tpu.memory_space<vmem>>[vector<16xi32>], vector<16xf32>,
        %add3A_196 = arith.constant 10240 : i32
        %add3A_197 = vector.broadcast %add3A_196 : i32 to vector<16xi32>
        %add3A_198 = arith.addi %get3A_102, %add3A_197 : vector<16xi32>
        %gather3A_199 = tpu.vector_load_idx %arg10[%add3A_198] : memref<40960xf32, #tpu.memory_space<vmem>>[vector<16xi32>], vector<16xf32>,
        %add3A_200 = arith.constant 20480 : i32
        %add3A_201 = vector.broadcast %add3A_200 : i32 to vector<16xi32>
        %add3A_202 = arith.addi %get3A_102, %add3A_201 : vector<16xi32>
        %gather3A_203 = tpu.vector_load_idx %arg10[%add3A_202] : memref<40960xf32, #tpu.memory_space<vmem>>[vector<16xi32>], vector<16xf32>,
        %add3A_204 = arith.constant 30720 : i32
        %add3A_205 = vector.broadcast %add3A_204 : i32 to vector<16xi32>
        %add3A_206 = arith.addi %get3A_102, %add3A_205 : vector<16xi32>
        %gather3A_207 = tpu.vector_load_idx %arg10[%add3A_206] : memref<40960xf32, #tpu.memory_space<vmem>>[vector<16xi32>], vector<16xf32>,
        %add3A_208 = arith.constant 0 : i32
        %add3A_209 = vector.broadcast %add3A_208 : i32 to vector<16xi32>
        %add3A_210 = arith.addi %get3A_110, %add3A_209 : vector<16xi32>
        %gather3A_211 = tpu.vector_load_idx %arg10[%add3A_210] : memref<40960xf32, #tpu.memory_space<vmem>>[vector<16xi32>], vector<16xf32>,
        %add3A_212 = arith.constant 10240 : i32
        %add3A_213 = vector.broadcast %add3A_212 : i32 to vector<16xi32>
        %add3A_214 = arith.addi %get3A_110, %add3A_213 : vector<16xi32>
        %gather3A_215 = tpu.vector_load_idx %arg10[%add3A_214] : memref<40960xf32, #tpu.memory_space<vmem>>[vector<16xi32>], vector<16xf32>,
        %add3A_216 = arith.constant 20480 : i32
        %add3A_217 = vector.broadcast %add3A_216 : i32 to vector<16xi32>
        %add3A_218 = arith.addi %get3A_110, %add3A_217 : vector<16xi32>
        %gather3A_219 = tpu.vector_load_idx %arg10[%add3A_218] : memref<40960xf32, #tpu.memory_space<vmem>>[vector<16xi32>], vector<16xf32>,
        %add3A_220 = arith.constant 30720 : i32
        %add3A_221 = vector.broadcast %add3A_220 : i32 to vector<16xi32>
        %add3A_222 = arith.addi %get3A_110, %add3A_221 : vector<16xi32>
        %gather3A_223 = tpu.vector_load_idx %arg10[%add3A_222] : memref<40960xf32, #tpu.memory_space<vmem>>[vector<16xi32>], vector<16xf32>,
        %add3A_224 = arith.constant 0 : i32
        %add3A_225 = vector.broadcast %add3A_224 : i32 to vector<16xi32>
        %add3A_226 = arith.addi %get3A_118, %add3A_225 : vector<16xi32>
        %gather3A_227 = tpu.vector_load_idx %arg10[%add3A_226] : memref<40960xf32, #tpu.memory_space<vmem>>[vector<16xi32>], vector<16xf32>,
        %add3A_228 = arith.constant 10240 : i32
        %add3A_229 = vector.broadcast %add3A_228 : i32 to vector<16xi32>
        %add3A_230 = arith.addi %get3A_118, %add3A_229 : vector<16xi32>
        %gather3A_231 = tpu.vector_load_idx %arg10[%add3A_230] : memref<40960xf32, #tpu.memory_space<vmem>>[vector<16xi32>], vector<16xf32>,
        %add3A_232 = arith.constant 20480 : i32
        %add3A_233 = vector.broadcast %add3A_232 : i32 to vector<16xi32>
        %add3A_234 = arith.addi %get3A_118, %add3A_233 : vector<16xi32>
        %gather3A_235 = tpu.vector_load_idx %arg10[%add3A_234] : memref<40960xf32, #tpu.memory_space<vmem>>[vector<16xi32>], vector<16xf32>,
        %add3A_236 = arith.constant 30720 : i32
        %add3A_237 = vector.broadcast %add3A_236 : i32 to vector<16xi32>
        %add3A_238 = arith.addi %get3A_118, %add3A_237 : vector<16xi32>
        %gather3A_239 = tpu.vector_load_idx %arg10[%add3A_238] : memref<40960xf32, #tpu.memory_space<vmem>>[vector<16xi32>], vector<16xf32>,
        %add3A_240 = arith.constant 0 : i32
        %add3A_241 = vector.broadcast %add3A_240 : i32 to vector<16xi32>
        %add3A_242 = arith.addi %get3A_126, %add3A_241 : vector<16xi32>
        %gather3A_243 = tpu.vector_load_idx %arg10[%add3A_242] : memref<40960xf32, #tpu.memory_space<vmem>>[vector<16xi32>], vector<16xf32>,
        %add3A_244 = arith.constant 10240 : i32
        %add3A_245 = vector.broadcast %add3A_244 : i32 to vector<16xi32>
        %add3A_246 = arith.addi %get3A_126, %add3A_245 : vector<16xi32>
        %gather3A_247 = tpu.vector_load_idx %arg10[%add3A_246] : memref<40960xf32, #tpu.memory_space<vmem>>[vector<16xi32>], vector<16xf32>,
        %add3A_248 = arith.constant 20480 : i32
        %add3A_249 = vector.broadcast %add3A_248 : i32 to vector<16xi32>
        %add3A_250 = arith.addi %get3A_126, %add3A_249 : vector<16xi32>
        %gather3A_251 = tpu.vector_load_idx %arg10[%add3A_250] : memref<40960xf32, #tpu.memory_space<vmem>>[vector<16xi32>], vector<16xf32>,
        %add3A_252 = arith.constant 30720 : i32
        %add3A_253 = vector.broadcast %add3A_252 : i32 to vector<16xi32>
        %add3A_254 = arith.addi %get3A_126, %add3A_253 : vector<16xi32>
        %gather3A_255 = tpu.vector_load_idx %arg10[%add3A_254] : memref<40960xf32, #tpu.memory_space<vmem>>[vector<16xi32>], vector<16xf32>,
        %add3A_256 = arith.constant 0 : i32
        %add3A_257 = vector.broadcast %add3A_256 : i32 to vector<16xi32>
        %add3A_258 = arith.addi %get3A_72, %add3A_257 : vector<16xi32>
        tpu.vector_store_idx %arg11[%add3A_258], %gather3A {add = true} : memref<40960xf32, #tpu.memory_space<vmem>>[vector<16xi32>], vector<16xf32>,
        %add3A_259 = arith.constant 10240 : i32
        %add3A_260 = vector.broadcast %add3A_259 : i32 to vector<16xi32>
        %add3A_261 = arith.addi %get3A_72, %add3A_260 : vector<16xi32>
        tpu.vector_store_idx %arg11[%add3A_261], %gather3A_135 {add = true} : memref<40960xf32, #tpu.memory_space<vmem>>[vector<16xi32>], vector<16xf32>,
        %add3A_262 = arith.constant 20480 : i32
        %add3A_263 = vector.broadcast %add3A_262 : i32 to vector<16xi32>
        %add3A_264 = arith.addi %get3A_72, %add3A_263 : vector<16xi32>
        tpu.vector_store_idx %arg11[%add3A_264], %gather3A_139 {add = true} : memref<40960xf32, #tpu.memory_space<vmem>>[vector<16xi32>], vector<16xf32>,
        %add3A_265 = arith.constant 30720 : i32
        %add3A_266 = vector.broadcast %add3A_265 : i32 to vector<16xi32>
        %add3A_267 = arith.addi %get3A_72, %add3A_266 : vector<16xi32>
        tpu.vector_store_idx %arg11[%add3A_267], %gather3A_143 {add = true} : memref<40960xf32, #tpu.memory_space<vmem>>[vector<16xi32>], vector<16xf32>,
        %add3A_268 = arith.constant 0 : i32
        %add3A_269 = vector.broadcast %add3A_268 : i32 to vector<16xi32>
        %add3A_270 = arith.addi %get3A_80, %add3A_269 : vector<16xi32>
        tpu.vector_store_idx %arg11[%add3A_270], %gather3A_147 {add = true} : memref<40960xf32, #tpu.memory_space<vmem>>[vector<16xi32>], vector<16xf32>,
        %add3A_271 = arith.constant 10240 : i32
        %add3A_272 = vector.broadcast %add3A_271 : i32 to vector<16xi32>
        %add3A_273 = arith.addi %get3A_80, %add3A_272 : vector<16xi32>
        tpu.vector_store_idx %arg11[%add3A_273], %gather3A_151 {add = true} : memref<40960xf32, #tpu.memory_space<vmem>>[vector<16xi32>], vector<16xf32>,
        %add3A_274 = arith.constant 20480 : i32
        %add3A_275 = vector.broadcast %add3A_274 : i32 to vector<16xi32>
        %add3A_276 = arith.addi %get3A_80, %add3A_275 : vector<16xi32>
        tpu.vector_store_idx %arg11[%add3A_276], %gather3A_155 {add = true} : memref<40960xf32, #tpu.memory_space<vmem>>[vector<16xi32>], vector<16xf32>,
        %add3A_277 = arith.constant 30720 : i32
        %add3A_278 = vector.broadcast %add3A_277 : i32 to vector<16xi32>
        %add3A_279 = arith.addi %get3A_80, %add3A_278 : vector<16xi32>
        tpu.vector_store_idx %arg11[%add3A_279], %gather3A_159 {add = true} : memref<40960xf32, #tpu.memory_space<vmem>>[vector<16xi32>], vector<16xf32>,
        %add3A_280 = arith.constant 0 : i32
        %add3A_281 = vector.broadcast %add3A_280 : i32 to vector<16xi32>
        %add3A_282 = arith.addi %get3A_88, %add3A_281 : vector<16xi32>
        tpu.vector_store_idx %arg11[%add3A_282], %gather3A_163 {add = true} : memref<40960xf32, #tpu.memory_space<vmem>>[vector<16xi32>], vector<16xf32>,
        %add3A_283 = arith.constant 10240 : i32
        %add3A_284 = vector.broadcast %add3A_283 : i32 to vector<16xi32>
        %add3A_285 = arith.addi %get3A_88, %add3A_284 : vector<16xi32>
        tpu.vector_store_idx %arg11[%add3A_285], %gather3A_167 {add = true} : memref<40960xf32, #tpu.memory_space<vmem>>[vector<16xi32>], vector<16xf32>,
        %add3A_286 = arith.constant 20480 : i32
        %add3A_287 = vector.broadcast %add3A_286 : i32 to vector<16xi32>
        %add3A_288 = arith.addi %get3A_88, %add3A_287 : vector<16xi32>
        tpu.vector_store_idx %arg11[%add3A_288], %gather3A_171 {add = true} : memref<40960xf32, #tpu.memory_space<vmem>>[vector<16xi32>], vector<16xf32>,
        %add3A_289 = arith.constant 30720 : i32
        %add3A_290 = vector.broadcast %add3A_289 : i32 to vector<16xi32>
        %add3A_291 = arith.addi %get3A_88, %add3A_290 : vector<16xi32>
        tpu.vector_store_idx %arg11[%add3A_291], %gather3A_175 {add = true} : memref<40960xf32, #tpu.memory_space<vmem>>[vector<16xi32>], vector<16xf32>,
        %add3A_292 = arith.constant 0 : i32
        %add3A_293 = vector.broadcast %add3A_292 : i32 to vector<16xi32>
        %add3A_294 = arith.addi %get3A_96, %add3A_293 : vector<16xi32>
        tpu.vector_store_idx %arg11[%add3A_294], %gather3A_179 {add = true} : memref<40960xf32, #tpu.memory_space<vmem>>[vector<16xi32>], vector<16xf32>,
        %add3A_295 = arith.constant 10240 : i32
        %add3A_296 = vector.broadcast %add3A_295 : i32 to vector<16xi32>
        %add3A_297 = arith.addi %get3A_96, %add3A_296 : vector<16xi32>
        tpu.vector_store_idx %arg11[%add3A_297], %gather3A_183 {add = true} : memref<40960xf32, #tpu.memory_space<vmem>>[vector<16xi32>], vector<16xf32>,
        %add3A_298 = arith.constant 20480 : i32
        %add3A_299 = vector.broadcast %add3A_298 : i32 to vector<16xi32>
        %add3A_300 = arith.addi %get3A_96, %add3A_299 : vector<16xi32>
        tpu.vector_store_idx %arg11[%add3A_300], %gather3A_187 {add = true} : memref<40960xf32, #tpu.memory_space<vmem>>[vector<16xi32>], vector<16xf32>,
        %add3A_301 = arith.constant 30720 : i32
        %add3A_302 = vector.broadcast %add3A_301 : i32 to vector<16xi32>
        %add3A_303 = arith.addi %get3A_96, %add3A_302 : vector<16xi32>
        tpu.vector_store_idx %arg11[%add3A_303], %gather3A_191 {add = true} : memref<40960xf32, #tpu.memory_space<vmem>>[vector<16xi32>], vector<16xf32>,
        %add3A_304 = arith.constant 0 : i32
        %add3A_305 = vector.broadcast %add3A_304 : i32 to vector<16xi32>
        %add3A_306 = arith.addi %get3A_104, %add3A_305 : vector<16xi32>
        tpu.vector_store_idx %arg11[%add3A_306], %gather3A_195 {add = true} : memref<40960xf32, #tpu.memory_space<vmem>>[vector<16xi32>], vector<16xf32>,
        %add3A_307 = arith.constant 10240 : i32
        %add3A_308 = vector.broadcast %add3A_307 : i32 to vector<16xi32>
        %add3A_309 = arith.addi %get3A_104, %add3A_308 : vector<16xi32>
        tpu.vector_store_idx %arg11[%add3A_309], %gather3A_199 {add = true} : memref<40960xf32, #tpu.memory_space<vmem>>[vector<16xi32>], vector<16xf32>,
        %add3A_310 = arith.constant 20480 : i32
        %add3A_311 = vector.broadcast %add3A_310 : i32 to vector<16xi32>
        %add3A_312 = arith.addi %get3A_104, %add3A_311 : vector<16xi32>
        tpu.vector_store_idx %arg11[%add3A_312], %gather3A_203 {add = true} : memref<40960xf32, #tpu.memory_space<vmem>>[vector<16xi32>], vector<16xf32>,
        %add3A_313 = arith.constant 30720 : i32
        %add3A_314 = vector.broadcast %add3A_313 : i32 to vector<16xi32>
        %add3A_315 = arith.addi %get3A_104, %add3A_314 : vector<16xi32>
        tpu.vector_store_idx %arg11[%add3A_315], %gather3A_207 {add = true} : memref<40960xf32, #tpu.memory_space<vmem>>[vector<16xi32>], vector<16xf32>,
        %add3A_316 = arith.constant 0 : i32
        %add3A_317 = vector.broadcast %add3A_316 : i32 to vector<16xi32>
        %add3A_318 = arith.addi %get3A_112, %add3A_317 : vector<16xi32>
        tpu.vector_store_idx %arg11[%add3A_318], %gather3A_211 {add = true} : memref<40960xf32, #tpu.memory_space<vmem>>[vector<16xi32>], vector<16xf32>,
        %add3A_319 = arith.constant 10240 : i32
        %add3A_320 = vector.broadcast %add3A_319 : i32 to vector<16xi32>
        %add3A_321 = arith.addi %get3A_112, %add3A_320 : vector<16xi32>
        tpu.vector_store_idx %arg11[%add3A_321], %gather3A_215 {add = true} : memref<40960xf32, #tpu.memory_space<vmem>>[vector<16xi32>], vector<16xf32>,
        %add3A_322 = arith.constant 20480 : i32
        %add3A_323 = vector.broadcast %add3A_322 : i32 to vector<16xi32>
        %add3A_324 = arith.addi %get3A_112, %add3A_323 : vector<16xi32>
        tpu.vector_store_idx %arg11[%add3A_324], %gather3A_219 {add = true} : memref<40960xf32, #tpu.memory_space<vmem>>[vector<16xi32>], vector<16xf32>,
        %add3A_325 = arith.constant 30720 : i32
        %add3A_326 = vector.broadcast %add3A_325 : i32 to vector<16xi32>
        %add3A_327 = arith.addi %get3A_112, %add3A_326 : vector<16xi32>
        tpu.vector_store_idx %arg11[%add3A_327], %gather3A_223 {add = true} : memref<40960xf32, #tpu.memory_space<vmem>>[vector<16xi32>], vector<16xf32>,
        %add3A_328 = arith.constant 0 : i32
        %add3A_329 = vector.broadcast %add3A_328 : i32 to vector<16xi32>
        %add3A_330 = arith.addi %get3A_120, %add3A_329 : vector<16xi32>
        tpu.vector_store_idx %arg11[%add3A_330], %gather3A_227 {add = true} : memref<40960xf32, #tpu.memory_space<vmem>>[vector<16xi32>], vector<16xf32>,
        %add3A_331 = arith.constant 10240 : i32
        %add3A_332 = vector.broadcast %add3A_331 : i32 to vector<16xi32>
        %add3A_333 = arith.addi %get3A_120, %add3A_332 : vector<16xi32>
        tpu.vector_store_idx %arg11[%add3A_333], %gather3A_231 {add = true} : memref<40960xf32, #tpu.memory_space<vmem>>[vector<16xi32>], vector<16xf32>,
        %add3A_334 = arith.constant 20480 : i32
        %add3A_335 = vector.broadcast %add3A_334 : i32 to vector<16xi32>
        %add3A_336 = arith.addi %get3A_120, %add3A_335 : vector<16xi32>
        tpu.vector_store_idx %arg11[%add3A_336], %gather3A_235 {add = true} : memref<40960xf32, #tpu.memory_space<vmem>>[vector<16xi32>], vector<16xf32>,
        %add3A_337 = arith.constant 30720 : i32
        %add3A_338 = vector.broadcast %add3A_337 : i32 to vector<16xi32>
        %add3A_339 = arith.addi %get3A_120, %add3A_338 : vector<16xi32>
        tpu.vector_store_idx %arg11[%add3A_339], %gather3A_239 {add = true} : memref<40960xf32, #tpu.memory_space<vmem>>[vector<16xi32>], vector<16xf32>,
        %add3A_340 = arith.constant 0 : i32
        %add3A_341 = vector.broadcast %add3A_340 : i32 to vector<16xi32>
        %add3A_342 = arith.addi %get3A_128, %add3A_341 : vector<16xi32>
        tpu.vector_store_idx %arg11[%add3A_342], %gather3A_243 {add = true} : memref<40960xf32, #tpu.memory_space<vmem>>[vector<16xi32>], vector<16xf32>,
        %add3A_343 = arith.constant 10240 : i32
        %add3A_344 = vector.broadcast %add3A_343 : i32 to vector<16xi32>
        %add3A_345 = arith.addi %get3A_128, %add3A_344 : vector<16xi32>
        tpu.vector_store_idx %arg11[%add3A_345], %gather3A_247 {add = true} : memref<40960xf32, #tpu.memory_space<vmem>>[vector<16xi32>], vector<16xf32>,
        %add3A_346 = arith.constant 20480 : i32
        %add3A_347 = vector.broadcast %add3A_346 : i32 to vector<16xi32>
        %add3A_348 = arith.addi %get3A_128, %add3A_347 : vector<16xi32>
        tpu.vector_store_idx %arg11[%add3A_348], %gather3A_251 {add = true} : memref<40960xf32, #tpu.memory_space<vmem>>[vector<16xi32>], vector<16xf32>,
        %add3A_349 = arith.constant 30720 : i32
        %add3A_350 = vector.broadcast %add3A_349 : i32 to vector<16xi32>
        %add3A_351 = arith.addi %get3A_128, %add3A_350 : vector<16xi32>
        tpu.vector_store_idx %arg11[%add3A_351], %gather3A_255 {add = true} : memref<40960xf32, #tpu.memory_space<vmem>>[vector<16xi32>], vector<16xf32>,
      }
      %scan3A_40 = arith.constant 50 : i32
      %add3A_41 = arith.constant 2 : i32
      %add3A_42 = arith.addi %mul3A_28, %add3A_41 : i32
      %lt3A = arith.constant 50 : i32
      %lt3A_43 = arith.cmpi slt, %add3A_42, %lt3A : i32
      %convert_element_type3A = arith.extui %lt3A_43 : i1 to i32
      %cond3A = arith.constant 0 : i32
      %cond3A_44 = arith.cmpi ne, %convert_element_type3A, %cond3A : i32
      scf.if %cond3A_44 {
        %add3A_65 = arith.constant 2 : i32
        %add3A_66 = arith.addi %mul3A_28, %add3A_65 : i32
        %mul3A_67 = arith.constant 6400 : i32
        %mul3A_68 = arith.muli %add3A_66, %mul3A_67 : i32
        %dma_start3A_69 = tpu.memref_slice %arg3[%mul3A_68] : memref<320000xi32, #tpu.memory_space<hbm>> -> memref<6400xi32, #tpu.memory_space<hbm>>
        %dma_start3A_70 = tpu.memref_slice %arg3[%mul3A_68] : memref<320000xi32, #tpu.memory_space<hbm>> -> memref<6400xi32, #tpu.memory_space<hbm>>
        tpu.enqueue_dma source(%dma_start3A_70 : memref<6400xi32, #tpu.memory_space<hbm>>) target(%arg6 : memref<6400xi32, #tpu.memory_space<vmem>>) target_semaphore(%arg12 : memref<!tpu.dma_semaphore, #tpu.memory_space<semaphore_mem>>)
        %mul3A_71 = arith.constant 6400 : i32
        %mul3A_72 = arith.muli %add3A_66, %mul3A_71 : i32
        %dma_start3A_73 = tpu.memref_slice %arg4[%mul3A_72] : memref<320000xi32, #tpu.memory_space<hbm>> -> memref<6400xi32, #tpu.memory_space<hbm>>
        %dma_start3A_74 = tpu.memref_slice %arg4[%mul3A_72] : memref<320000xi32, #tpu.memory_space<hbm>> -> memref<6400xi32, #tpu.memory_space<hbm>>
        tpu.enqueue_dma source(%dma_start3A_74 : memref<6400xi32, #tpu.memory_space<hbm>>) target(%arg8 : memref<6400xi32, #tpu.memory_space<vmem>>) target_semaphore(%arg14 : memref<!tpu.dma_semaphore, #tpu.memory_space<semaphore_mem>>)
      } else {
      }
      %dma_wait3A_45 = arith.constant 0 : i32
      %dma_wait3A_46 = tpu.memref_slice %arg3[%dma_wait3A_45] : memref<320000xi32, #tpu.memory_space<hbm>> -> memref<6400xi32, #tpu.memory_space<hbm>>
      %dma_wait3A_47 = arith.constant 0 : i32
      %dma_wait3A_48 = tpu.memref_slice %arg3[%dma_wait3A_47] : memref<320000xi32, #tpu.memory_space<hbm>> -> memref<6400xi32, #tpu.memory_space<hbm>>
      tpu.wait_dma2 semaphore(%arg13 : memref<!tpu.dma_semaphore, #tpu.memory_space<semaphore_mem>>) src(%dma_wait3A_48 : memref<6400xi32, #tpu.memory_space<hbm>>) dst(%arg7 : memref<6400xi32, #tpu.memory_space<vmem>>)
      %dma_wait3A_49 = arith.constant 0 : i32
      %dma_wait3A_50 = tpu.memref_slice %arg4[%dma_wait3A_49] : memref<320000xi32, #tpu.memory_space<hbm>> -> memref<6400xi32, #tpu.memory_space<hbm>>
      %dma_wait3A_51 = arith.constant 0 : i32
      %dma_wait3A_52 = tpu.memref_slice %arg4[%dma_wait3A_51] : memref<320000xi32, #tpu.memory_space<hbm>> -> memref<6400xi32, #tpu.memory_space<hbm>>
      tpu.wait_dma2 semaphore(%arg15 : memref<!tpu.dma_semaphore, #tpu.memory_space<semaphore_mem>>) src(%dma_wait3A_52 : memref<6400xi32, #tpu.memory_space<hbm>>) dst(%arg9 : memref<6400xi32, #tpu.memory_space<vmem>>)
      %scan3A_53 = arith.constant 0 : i32
      %scan3A_54 = arith.constant 50 : i32
      %scan3A_55 = arith.addi %scan3A_53, %scan3A_54 : i32
      %scan3A_56 = arith.constant 1 : i32
      scf.for %scan3A_65 = %scan3A_53 to %scan3A_55 step %scan3A_56  : i32 {
        %mul3A_66 = arith.constant 128 : i32
        %mul3A_67 = arith.muli %scan3A_65, %mul3A_66 : i32
        %add3A_68 = arith.constant 0 : i32
        %add3A_69 = arith.addi %mul3A_67, %add3A_68 : i32
        %get3A = arith.index_cast %add3A_69 : i32 to index
        %get3A_70 = tpu.vector_load %arg7[%get3A] {strides = array<i32>} : memref<6400xi32, #tpu.memory_space<vmem>>, vector<16xi32>,
        %get3A_71 = arith.index_cast %add3A_69 : i32 to index
        %get3A_72 = tpu.vector_load %arg9[%get3A_71] {strides = array<i32>} : memref<6400xi32, #tpu.memory_space<vmem>>, vector<16xi32>,
        %mul3A_73 = arith.constant 128 : i32
        %mul3A_74 = arith.muli %scan3A_65, %mul3A_73 : i32
        %add3A_75 = arith.constant 16 : i32
        %add3A_76 = arith.addi %mul3A_74, %add3A_75 : i32
        %get3A_77 = arith.index_cast %add3A_76 : i32 to index
        %get3A_78 = tpu.vector_load %arg7[%get3A_77] {strides = array<i32>} : memref<6400xi32, #tpu.memory_space<vmem>>, vector<16xi32>,
        %get3A_79 = arith.index_cast %add3A_76 : i32 to index
        %get3A_80 = tpu.vector_load %arg9[%get3A_79] {strides = array<i32>} : memref<6400xi32, #tpu.memory_space<vmem>>, vector<16xi32>,
        %mul3A_81 = arith.constant 128 : i32
        %mul3A_82 = arith.muli %scan3A_65, %mul3A_81 : i32
        %add3A_83 = arith.constant 32 : i32
        %add3A_84 = arith.addi %mul3A_82, %add3A_83 : i32
        %get3A_85 = arith.index_cast %add3A_84 : i32 to index
        %get3A_86 = tpu.vector_load %arg7[%get3A_85] {strides = array<i32>} : memref<6400xi32, #tpu.memory_space<vmem>>, vector<16xi32>,
        %get3A_87 = arith.index_cast %add3A_84 : i32 to index
        %get3A_88 = tpu.vector_load %arg9[%get3A_87] {strides = array<i32>} : memref<6400xi32, #tpu.memory_space<vmem>>, vector<16xi32>,
        %mul3A_89 = arith.constant 128 : i32
        %mul3A_90 = arith.muli %scan3A_65, %mul3A_89 : i32
        %add3A_91 = arith.constant 48 : i32
        %add3A_92 = arith.addi %mul3A_90, %add3A_91 : i32
        %get3A_93 = arith.index_cast %add3A_92 : i32 to index
        %get3A_94 = tpu.vector_load %arg7[%get3A_93] {strides = array<i32>} : memref<6400xi32, #tpu.memory_space<vmem>>, vector<16xi32>,
        %get3A_95 = arith.index_cast %add3A_92 : i32 to index
        %get3A_96 = tpu.vector_load %arg9[%get3A_95] {strides = array<i32>} : memref<6400xi32, #tpu.memory_space<vmem>>, vector<16xi32>,
        %mul3A_97 = arith.constant 128 : i32
        %mul3A_98 = arith.muli %scan3A_65, %mul3A_97 : i32
        %add3A_99 = arith.constant 64 : i32
        %add3A_100 = arith.addi %mul3A_98, %add3A_99 : i32
        %get3A_101 = arith.index_cast %add3A_100 : i32 to index
        %get3A_102 = tpu.vector_load %arg7[%get3A_101] {strides = array<i32>} : memref<6400xi32, #tpu.memory_space<vmem>>, vector<16xi32>,
        %get3A_103 = arith.index_cast %add3A_100 : i32 to index
        %get3A_104 = tpu.vector_load %arg9[%get3A_103] {strides = array<i32>} : memref<6400xi32, #tpu.memory_space<vmem>>, vector<16xi32>,
        %mul3A_105 = arith.constant 128 : i32
        %mul3A_106 = arith.muli %scan3A_65, %mul3A_105 : i32
        %add3A_107 = arith.constant 80 : i32
        %add3A_108 = arith.addi %mul3A_106, %add3A_107 : i32
        %get3A_109 = arith.index_cast %add3A_108 : i32 to index
        %get3A_110 = tpu.vector_load %arg7[%get3A_109] {strides = array<i32>} : memref<6400xi32, #tpu.memory_space<vmem>>, vector<16xi32>,
        %get3A_111 = arith.index_cast %add3A_108 : i32 to index
        %get3A_112 = tpu.vector_load %arg9[%get3A_111] {strides = array<i32>} : memref<6400xi32, #tpu.memory_space<vmem>>, vector<16xi32>,
        %mul3A_113 = arith.constant 128 : i32
        %mul3A_114 = arith.muli %scan3A_65, %mul3A_113 : i32
        %add3A_115 = arith.constant 96 : i32
        %add3A_116 = arith.addi %mul3A_114, %add3A_115 : i32
        %get3A_117 = arith.index_cast %add3A_116 : i32 to index
        %get3A_118 = tpu.vector_load %arg7[%get3A_117] {strides = array<i32>} : memref<6400xi32, #tpu.memory_space<vmem>>, vector<16xi32>,
        %get3A_119 = arith.index_cast %add3A_116 : i32 to index
        %get3A_120 = tpu.vector_load %arg9[%get3A_119] {strides = array<i32>} : memref<6400xi32, #tpu.memory_space<vmem>>, vector<16xi32>,
        %mul3A_121 = arith.constant 128 : i32
        %mul3A_122 = arith.muli %scan3A_65, %mul3A_121 : i32
        %add3A_123 = arith.constant 112 : i32
        %add3A_124 = arith.addi %mul3A_122, %add3A_123 : i32
        %get3A_125 = arith.index_cast %add3A_124 : i32 to index
        %get3A_126 = tpu.vector_load %arg7[%get3A_125] {strides = array<i32>} : memref<6400xi32, #tpu.memory_space<vmem>>, vector<16xi32>,
        %get3A_127 = arith.index_cast %add3A_124 : i32 to index
        %get3A_128 = tpu.vector_load %arg9[%get3A_127] {strides = array<i32>} : memref<6400xi32, #tpu.memory_space<vmem>>, vector<16xi32>,
        %add3A_129 = arith.constant 0 : i32
        %add3A_130 = vector.broadcast %add3A_129 : i32 to vector<16xi32>
        %add3A_131 = arith.addi %get3A_70, %add3A_130 : vector<16xi32>
        %gather3A = tpu.vector_load_idx %arg10[%add3A_131] : memref<40960xf32, #tpu.memory_space<vmem>>[vector<16xi32>], vector<16xf32>,
        %add3A_132 = arith.constant 10240 : i32
        %add3A_133 = vector.broadcast %add3A_132 : i32 to vector<16xi32>
        %add3A_134 = arith.addi %get3A_70, %add3A_133 : vector<16xi32>
        %gather3A_135 = tpu.vector_load_idx %arg10[%add3A_134] : memref<40960xf32, #tpu.memory_space<vmem>>[vector<16xi32>], vector<16xf32>,
        %add3A_136 = arith.constant 20480 : i32
        %add3A_137 = vector.broadcast %add3A_136 : i32 to vector<16xi32>
        %add3A_138 = arith.addi %get3A_70, %add3A_137 : vector<16xi32>
        %gather3A_139 = tpu.vector_load_idx %arg10[%add3A_138] : memref<40960xf32, #tpu.memory_space<vmem>>[vector<16xi32>], vector<16xf32>,
        %add3A_140 = arith.constant 30720 : i32
        %add3A_141 = vector.broadcast %add3A_140 : i32 to vector<16xi32>
        %add3A_142 = arith.addi %get3A_70, %add3A_141 : vector<16xi32>
        %gather3A_143 = tpu.vector_load_idx %arg10[%add3A_142] : memref<40960xf32, #tpu.memory_space<vmem>>[vector<16xi32>], vector<16xf32>,
        %add3A_144 = arith.constant 0 : i32
        %add3A_145 = vector.broadcast %add3A_144 : i32 to vector<16xi32>
        %add3A_146 = arith.addi %get3A_78, %add3A_145 : vector<16xi32>
        %gather3A_147 = tpu.vector_load_idx %arg10[%add3A_146] : memref<40960xf32, #tpu.memory_space<vmem>>[vector<16xi32>], vector<16xf32>,
        %add3A_148 = arith.constant 10240 : i32
        %add3A_149 = vector.broadcast %add3A_148 : i32 to vector<16xi32>
        %add3A_150 = arith.addi %get3A_78, %add3A_149 : vector<16xi32>
        %gather3A_151 = tpu.vector_load_idx %arg10[%add3A_150] : memref<40960xf32, #tpu.memory_space<vmem>>[vector<16xi32>], vector<16xf32>,
        %add3A_152 = arith.constant 20480 : i32
        %add3A_153 = vector.broadcast %add3A_152 : i32 to vector<16xi32>
        %add3A_154 = arith.addi %get3A_78, %add3A_153 : vector<16xi32>
        %gather3A_155 = tpu.vector_load_idx %arg10[%add3A_154] : memref<40960xf32, #tpu.memory_space<vmem>>[vector<16xi32>], vector<16xf32>,
        %add3A_156 = arith.constant 30720 : i32
        %add3A_157 = vector.broadcast %add3A_156 : i32 to vector<16xi32>
        %add3A_158 = arith.addi %get3A_78, %add3A_157 : vector<16xi32>
        %gather3A_159 = tpu.vector_load_idx %arg10[%add3A_158] : memref<40960xf32, #tpu.memory_space<vmem>>[vector<16xi32>], vector<16xf32>,
        %add3A_160 = arith.constant 0 : i32
        %add3A_161 = vector.broadcast %add3A_160 : i32 to vector<16xi32>
        %add3A_162 = arith.addi %get3A_86, %add3A_161 : vector<16xi32>
        %gather3A_163 = tpu.vector_load_idx %arg10[%add3A_162] : memref<40960xf32, #tpu.memory_space<vmem>>[vector<16xi32>], vector<16xf32>,
        %add3A_164 = arith.constant 10240 : i32
        %add3A_165 = vector.broadcast %add3A_164 : i32 to vector<16xi32>
        %add3A_166 = arith.addi %get3A_86, %add3A_165 : vector<16xi32>
        %gather3A_167 = tpu.vector_load_idx %arg10[%add3A_166] : memref<40960xf32, #tpu.memory_space<vmem>>[vector<16xi32>], vector<16xf32>,
        %add3A_168 = arith.constant 20480 : i32
        %add3A_169 = vector.broadcast %add3A_168 : i32 to vector<16xi32>
        %add3A_170 = arith.addi %get3A_86, %add3A_169 : vector<16xi32>
        %gather3A_171 = tpu.vector_load_idx %arg10[%add3A_170] : memref<40960xf32, #tpu.memory_space<vmem>>[vector<16xi32>], vector<16xf32>,
        %add3A_172 = arith.constant 30720 : i32
        %add3A_173 = vector.broadcast %add3A_172 : i32 to vector<16xi32>
        %add3A_174 = arith.addi %get3A_86, %add3A_173 : vector<16xi32>
        %gather3A_175 = tpu.vector_load_idx %arg10[%add3A_174] : memref<40960xf32, #tpu.memory_space<vmem>>[vector<16xi32>], vector<16xf32>,
        %add3A_176 = arith.constant 0 : i32
        %add3A_177 = vector.broadcast %add3A_176 : i32 to vector<16xi32>
        %add3A_178 = arith.addi %get3A_94, %add3A_177 : vector<16xi32>
        %gather3A_179 = tpu.vector_load_idx %arg10[%add3A_178] : memref<40960xf32, #tpu.memory_space<vmem>>[vector<16xi32>], vector<16xf32>,
        %add3A_180 = arith.constant 10240 : i32
        %add3A_181 = vector.broadcast %add3A_180 : i32 to vector<16xi32>
        %add3A_182 = arith.addi %get3A_94, %add3A_181 : vector<16xi32>
        %gather3A_183 = tpu.vector_load_idx %arg10[%add3A_182] : memref<40960xf32, #tpu.memory_space<vmem>>[vector<16xi32>], vector<16xf32>,
        %add3A_184 = arith.constant 20480 : i32
        %add3A_185 = vector.broadcast %add3A_184 : i32 to vector<16xi32>
        %add3A_186 = arith.addi %get3A_94, %add3A_185 : vector<16xi32>
        %gather3A_187 = tpu.vector_load_idx %arg10[%add3A_186] : memref<40960xf32, #tpu.memory_space<vmem>>[vector<16xi32>], vector<16xf32>,
        %add3A_188 = arith.constant 30720 : i32
        %add3A_189 = vector.broadcast %add3A_188 : i32 to vector<16xi32>
        %add3A_190 = arith.addi %get3A_94, %add3A_189 : vector<16xi32>
        %gather3A_191 = tpu.vector_load_idx %arg10[%add3A_190] : memref<40960xf32, #tpu.memory_space<vmem>>[vector<16xi32>], vector<16xf32>,
        %add3A_192 = arith.constant 0 : i32
        %add3A_193 = vector.broadcast %add3A_192 : i32 to vector<16xi32>
        %add3A_194 = arith.addi %get3A_102, %add3A_193 : vector<16xi32>
        %gather3A_195 = tpu.vector_load_idx %arg10[%add3A_194] : memref<40960xf32, #tpu.memory_space<vmem>>[vector<16xi32>], vector<16xf32>,
        %add3A_196 = arith.constant 10240 : i32
        %add3A_197 = vector.broadcast %add3A_196 : i32 to vector<16xi32>
        %add3A_198 = arith.addi %get3A_102, %add3A_197 : vector<16xi32>
        %gather3A_199 = tpu.vector_load_idx %arg10[%add3A_198] : memref<40960xf32, #tpu.memory_space<vmem>>[vector<16xi32>], vector<16xf32>,
        %add3A_200 = arith.constant 20480 : i32
        %add3A_201 = vector.broadcast %add3A_200 : i32 to vector<16xi32>
        %add3A_202 = arith.addi %get3A_102, %add3A_201 : vector<16xi32>
        %gather3A_203 = tpu.vector_load_idx %arg10[%add3A_202] : memref<40960xf32, #tpu.memory_space<vmem>>[vector<16xi32>], vector<16xf32>,
        %add3A_204 = arith.constant 30720 : i32
        %add3A_205 = vector.broadcast %add3A_204 : i32 to vector<16xi32>
        %add3A_206 = arith.addi %get3A_102, %add3A_205 : vector<16xi32>
        %gather3A_207 = tpu.vector_load_idx %arg10[%add3A_206] : memref<40960xf32, #tpu.memory_space<vmem>>[vector<16xi32>], vector<16xf32>,
        %add3A_208 = arith.constant 0 : i32
        %add3A_209 = vector.broadcast %add3A_208 : i32 to vector<16xi32>
        %add3A_210 = arith.addi %get3A_110, %add3A_209 : vector<16xi32>
        %gather3A_211 = tpu.vector_load_idx %arg10[%add3A_210] : memref<40960xf32, #tpu.memory_space<vmem>>[vector<16xi32>], vector<16xf32>,
        %add3A_212 = arith.constant 10240 : i32
        %add3A_213 = vector.broadcast %add3A_212 : i32 to vector<16xi32>
        %add3A_214 = arith.addi %get3A_110, %add3A_213 : vector<16xi32>
        %gather3A_215 = tpu.vector_load_idx %arg10[%add3A_214] : memref<40960xf32, #tpu.memory_space<vmem>>[vector<16xi32>], vector<16xf32>,
        %add3A_216 = arith.constant 20480 : i32
        %add3A_217 = vector.broadcast %add3A_216 : i32 to vector<16xi32>
        %add3A_218 = arith.addi %get3A_110, %add3A_217 : vector<16xi32>
        %gather3A_219 = tpu.vector_load_idx %arg10[%add3A_218] : memref<40960xf32, #tpu.memory_space<vmem>>[vector<16xi32>], vector<16xf32>,
        %add3A_220 = arith.constant 30720 : i32
        %add3A_221 = vector.broadcast %add3A_220 : i32 to vector<16xi32>
        %add3A_222 = arith.addi %get3A_110, %add3A_221 : vector<16xi32>
        %gather3A_223 = tpu.vector_load_idx %arg10[%add3A_222] : memref<40960xf32, #tpu.memory_space<vmem>>[vector<16xi32>], vector<16xf32>,
        %add3A_224 = arith.constant 0 : i32
        %add3A_225 = vector.broadcast %add3A_224 : i32 to vector<16xi32>
        %add3A_226 = arith.addi %get3A_118, %add3A_225 : vector<16xi32>
        %gather3A_227 = tpu.vector_load_idx %arg10[%add3A_226] : memref<40960xf32, #tpu.memory_space<vmem>>[vector<16xi32>], vector<16xf32>,
        %add3A_228 = arith.constant 10240 : i32
        %add3A_229 = vector.broadcast %add3A_228 : i32 to vector<16xi32>
        %add3A_230 = arith.addi %get3A_118, %add3A_229 : vector<16xi32>
        %gather3A_231 = tpu.vector_load_idx %arg10[%add3A_230] : memref<40960xf32, #tpu.memory_space<vmem>>[vector<16xi32>], vector<16xf32>,
        %add3A_232 = arith.constant 20480 : i32
        %add3A_233 = vector.broadcast %add3A_232 : i32 to vector<16xi32>
        %add3A_234 = arith.addi %get3A_118, %add3A_233 : vector<16xi32>
        %gather3A_235 = tpu.vector_load_idx %arg10[%add3A_234] : memref<40960xf32, #tpu.memory_space<vmem>>[vector<16xi32>], vector<16xf32>,
        %add3A_236 = arith.constant 30720 : i32
        %add3A_237 = vector.broadcast %add3A_236 : i32 to vector<16xi32>
        %add3A_238 = arith.addi %get3A_118, %add3A_237 : vector<16xi32>
        %gather3A_239 = tpu.vector_load_idx %arg10[%add3A_238] : memref<40960xf32, #tpu.memory_space<vmem>>[vector<16xi32>], vector<16xf32>,
        %add3A_240 = arith.constant 0 : i32
        %add3A_241 = vector.broadcast %add3A_240 : i32 to vector<16xi32>
        %add3A_242 = arith.addi %get3A_126, %add3A_241 : vector<16xi32>
        %gather3A_243 = tpu.vector_load_idx %arg10[%add3A_242] : memref<40960xf32, #tpu.memory_space<vmem>>[vector<16xi32>], vector<16xf32>,
        %add3A_244 = arith.constant 10240 : i32
        %add3A_245 = vector.broadcast %add3A_244 : i32 to vector<16xi32>
        %add3A_246 = arith.addi %get3A_126, %add3A_245 : vector<16xi32>
        %gather3A_247 = tpu.vector_load_idx %arg10[%add3A_246] : memref<40960xf32, #tpu.memory_space<vmem>>[vector<16xi32>], vector<16xf32>,
        %add3A_248 = arith.constant 20480 : i32
        %add3A_249 = vector.broadcast %add3A_248 : i32 to vector<16xi32>
        %add3A_250 = arith.addi %get3A_126, %add3A_249 : vector<16xi32>
        %gather3A_251 = tpu.vector_load_idx %arg10[%add3A_250] : memref<40960xf32, #tpu.memory_space<vmem>>[vector<16xi32>], vector<16xf32>,
        %add3A_252 = arith.constant 30720 : i32
        %add3A_253 = vector.broadcast %add3A_252 : i32 to vector<16xi32>
        %add3A_254 = arith.addi %get3A_126, %add3A_253 : vector<16xi32>
        %gather3A_255 = tpu.vector_load_idx %arg10[%add3A_254] : memref<40960xf32, #tpu.memory_space<vmem>>[vector<16xi32>], vector<16xf32>,
        %add3A_256 = arith.constant 0 : i32
        %add3A_257 = vector.broadcast %add3A_256 : i32 to vector<16xi32>
        %add3A_258 = arith.addi %get3A_72, %add3A_257 : vector<16xi32>
        tpu.vector_store_idx %arg11[%add3A_258], %gather3A {add = true} : memref<40960xf32, #tpu.memory_space<vmem>>[vector<16xi32>], vector<16xf32>,
        %add3A_259 = arith.constant 10240 : i32
        %add3A_260 = vector.broadcast %add3A_259 : i32 to vector<16xi32>
        %add3A_261 = arith.addi %get3A_72, %add3A_260 : vector<16xi32>
        tpu.vector_store_idx %arg11[%add3A_261], %gather3A_135 {add = true} : memref<40960xf32, #tpu.memory_space<vmem>>[vector<16xi32>], vector<16xf32>,
        %add3A_262 = arith.constant 20480 : i32
        %add3A_263 = vector.broadcast %add3A_262 : i32 to vector<16xi32>
        %add3A_264 = arith.addi %get3A_72, %add3A_263 : vector<16xi32>
        tpu.vector_store_idx %arg11[%add3A_264], %gather3A_139 {add = true} : memref<40960xf32, #tpu.memory_space<vmem>>[vector<16xi32>], vector<16xf32>,
        %add3A_265 = arith.constant 30720 : i32
        %add3A_266 = vector.broadcast %add3A_265 : i32 to vector<16xi32>
        %add3A_267 = arith.addi %get3A_72, %add3A_266 : vector<16xi32>
        tpu.vector_store_idx %arg11[%add3A_267], %gather3A_143 {add = true} : memref<40960xf32, #tpu.memory_space<vmem>>[vector<16xi32>], vector<16xf32>,
        %add3A_268 = arith.constant 0 : i32
        %add3A_269 = vector.broadcast %add3A_268 : i32 to vector<16xi32>
        %add3A_270 = arith.addi %get3A_80, %add3A_269 : vector<16xi32>
        tpu.vector_store_idx %arg11[%add3A_270], %gather3A_147 {add = true} : memref<40960xf32, #tpu.memory_space<vmem>>[vector<16xi32>], vector<16xf32>,
        %add3A_271 = arith.constant 10240 : i32
        %add3A_272 = vector.broadcast %add3A_271 : i32 to vector<16xi32>
        %add3A_273 = arith.addi %get3A_80, %add3A_272 : vector<16xi32>
        tpu.vector_store_idx %arg11[%add3A_273], %gather3A_151 {add = true} : memref<40960xf32, #tpu.memory_space<vmem>>[vector<16xi32>], vector<16xf32>,
        %add3A_274 = arith.constant 20480 : i32
        %add3A_275 = vector.broadcast %add3A_274 : i32 to vector<16xi32>
        %add3A_276 = arith.addi %get3A_80, %add3A_275 : vector<16xi32>
        tpu.vector_store_idx %arg11[%add3A_276], %gather3A_155 {add = true} : memref<40960xf32, #tpu.memory_space<vmem>>[vector<16xi32>], vector<16xf32>,
        %add3A_277 = arith.constant 30720 : i32
        %add3A_278 = vector.broadcast %add3A_277 : i32 to vector<16xi32>
        %add3A_279 = arith.addi %get3A_80, %add3A_278 : vector<16xi32>
        tpu.vector_store_idx %arg11[%add3A_279], %gather3A_159 {add = true} : memref<40960xf32, #tpu.memory_space<vmem>>[vector<16xi32>], vector<16xf32>,
        %add3A_280 = arith.constant 0 : i32
        %add3A_281 = vector.broadcast %add3A_280 : i32 to vector<16xi32>
        %add3A_282 = arith.addi %get3A_88, %add3A_281 : vector<16xi32>
        tpu.vector_store_idx %arg11[%add3A_282], %gather3A_163 {add = true} : memref<40960xf32, #tpu.memory_space<vmem>>[vector<16xi32>], vector<16xf32>,
        %add3A_283 = arith.constant 10240 : i32
        %add3A_284 = vector.broadcast %add3A_283 : i32 to vector<16xi32>
        %add3A_285 = arith.addi %get3A_88, %add3A_284 : vector<16xi32>
        tpu.vector_store_idx %arg11[%add3A_285], %gather3A_167 {add = true} : memref<40960xf32, #tpu.memory_space<vmem>>[vector<16xi32>], vector<16xf32>,
        %add3A_286 = arith.constant 20480 : i32
        %add3A_287 = vector.broadcast %add3A_286 : i32 to vector<16xi32>
        %add3A_288 = arith.addi %get3A_88, %add3A_287 : vector<16xi32>
        tpu.vector_store_idx %arg11[%add3A_288], %gather3A_171 {add = true} : memref<40960xf32, #tpu.memory_space<vmem>>[vector<16xi32>], vector<16xf32>,
        %add3A_289 = arith.constant 30720 : i32
        %add3A_290 = vector.broadcast %add3A_289 : i32 to vector<16xi32>
        %add3A_291 = arith.addi %get3A_88, %add3A_290 : vector<16xi32>
        tpu.vector_store_idx %arg11[%add3A_291], %gather3A_175 {add = true} : memref<40960xf32, #tpu.memory_space<vmem>>[vector<16xi32>], vector<16xf32>,
        %add3A_292 = arith.constant 0 : i32
        %add3A_293 = vector.broadcast %add3A_292 : i32 to vector<16xi32>
        %add3A_294 = arith.addi %get3A_96, %add3A_293 : vector<16xi32>
        tpu.vector_store_idx %arg11[%add3A_294], %gather3A_179 {add = true} : memref<40960xf32, #tpu.memory_space<vmem>>[vector<16xi32>], vector<16xf32>,
        %add3A_295 = arith.constant 10240 : i32
        %add3A_296 = vector.broadcast %add3A_295 : i32 to vector<16xi32>
        %add3A_297 = arith.addi %get3A_96, %add3A_296 : vector<16xi32>
        tpu.vector_store_idx %arg11[%add3A_297], %gather3A_183 {add = true} : memref<40960xf32, #tpu.memory_space<vmem>>[vector<16xi32>], vector<16xf32>,
        %add3A_298 = arith.constant 20480 : i32
        %add3A_299 = vector.broadcast %add3A_298 : i32 to vector<16xi32>
        %add3A_300 = arith.addi %get3A_96, %add3A_299 : vector<16xi32>
        tpu.vector_store_idx %arg11[%add3A_300], %gather3A_187 {add = true} : memref<40960xf32, #tpu.memory_space<vmem>>[vector<16xi32>], vector<16xf32>,
        %add3A_301 = arith.constant 30720 : i32
        %add3A_302 = vector.broadcast %add3A_301 : i32 to vector<16xi32>
        %add3A_303 = arith.addi %get3A_96, %add3A_302 : vector<16xi32>
        tpu.vector_store_idx %arg11[%add3A_303], %gather3A_191 {add = true} : memref<40960xf32, #tpu.memory_space<vmem>>[vector<16xi32>], vector<16xf32>,
        %add3A_304 = arith.constant 0 : i32
        %add3A_305 = vector.broadcast %add3A_304 : i32 to vector<16xi32>
        %add3A_306 = arith.addi %get3A_104, %add3A_305 : vector<16xi32>
        tpu.vector_store_idx %arg11[%add3A_306], %gather3A_195 {add = true} : memref<40960xf32, #tpu.memory_space<vmem>>[vector<16xi32>], vector<16xf32>,
        %add3A_307 = arith.constant 10240 : i32
        %add3A_308 = vector.broadcast %add3A_307 : i32 to vector<16xi32>
        %add3A_309 = arith.addi %get3A_104, %add3A_308 : vector<16xi32>
        tpu.vector_store_idx %arg11[%add3A_309], %gather3A_199 {add = true} : memref<40960xf32, #tpu.memory_space<vmem>>[vector<16xi32>], vector<16xf32>,
        %add3A_310 = arith.constant 20480 : i32
        %add3A_311 = vector.broadcast %add3A_310 : i32 to vector<16xi32>
        %add3A_312 = arith.addi %get3A_104, %add3A_311 : vector<16xi32>
        tpu.vector_store_idx %arg11[%add3A_312], %gather3A_203 {add = true} : memref<40960xf32, #tpu.memory_space<vmem>>[vector<16xi32>], vector<16xf32>,
        %add3A_313 = arith.constant 30720 : i32
        %add3A_314 = vector.broadcast %add3A_313 : i32 to vector<16xi32>
        %add3A_315 = arith.addi %get3A_104, %add3A_314 : vector<16xi32>
        tpu.vector_store_idx %arg11[%add3A_315], %gather3A_207 {add = true} : memref<40960xf32, #tpu.memory_space<vmem>>[vector<16xi32>], vector<16xf32>,
        %add3A_316 = arith.constant 0 : i32
        %add3A_317 = vector.broadcast %add3A_316 : i32 to vector<16xi32>
        %add3A_318 = arith.addi %get3A_112, %add3A_317 : vector<16xi32>
        tpu.vector_store_idx %arg11[%add3A_318], %gather3A_211 {add = true} : memref<40960xf32, #tpu.memory_space<vmem>>[vector<16xi32>], vector<16xf32>,
        %add3A_319 = arith.constant 10240 : i32
        %add3A_320 = vector.broadcast %add3A_319 : i32 to vector<16xi32>
        %add3A_321 = arith.addi %get3A_112, %add3A_320 : vector<16xi32>
        tpu.vector_store_idx %arg11[%add3A_321], %gather3A_215 {add = true} : memref<40960xf32, #tpu.memory_space<vmem>>[vector<16xi32>], vector<16xf32>,
        %add3A_322 = arith.constant 20480 : i32
        %add3A_323 = vector.broadcast %add3A_322 : i32 to vector<16xi32>
        %add3A_324 = arith.addi %get3A_112, %add3A_323 : vector<16xi32>
        tpu.vector_store_idx %arg11[%add3A_324], %gather3A_219 {add = true} : memref<40960xf32, #tpu.memory_space<vmem>>[vector<16xi32>], vector<16xf32>,
        %add3A_325 = arith.constant 30720 : i32
        %add3A_326 = vector.broadcast %add3A_325 : i32 to vector<16xi32>
        %add3A_327 = arith.addi %get3A_112, %add3A_326 : vector<16xi32>
        tpu.vector_store_idx %arg11[%add3A_327], %gather3A_223 {add = true} : memref<40960xf32, #tpu.memory_space<vmem>>[vector<16xi32>], vector<16xf32>,
        %add3A_328 = arith.constant 0 : i32
        %add3A_329 = vector.broadcast %add3A_328 : i32 to vector<16xi32>
        %add3A_330 = arith.addi %get3A_120, %add3A_329 : vector<16xi32>
        tpu.vector_store_idx %arg11[%add3A_330], %gather3A_227 {add = true} : memref<40960xf32, #tpu.memory_space<vmem>>[vector<16xi32>], vector<16xf32>,
        %add3A_331 = arith.constant 10240 : i32
        %add3A_332 = vector.broadcast %add3A_331 : i32 to vector<16xi32>
        %add3A_333 = arith.addi %get3A_120, %add3A_332 : vector<16xi32>
        tpu.vector_store_idx %arg11[%add3A_333], %gather3A_231 {add = true} : memref<40960xf32, #tpu.memory_space<vmem>>[vector<16xi32>], vector<16xf32>,
        %add3A_334 = arith.constant 20480 : i32
        %add3A_335 = vector.broadcast %add3A_334 : i32 to vector<16xi32>
        %add3A_336 = arith.addi %get3A_120, %add3A_335 : vector<16xi32>
        tpu.vector_store_idx %arg11[%add3A_336], %gather3A_235 {add = true} : memref<40960xf32, #tpu.memory_space<vmem>>[vector<16xi32>], vector<16xf32>,
        %add3A_337 = arith.constant 30720 : i32
        %add3A_338 = vector.broadcast %add3A_337 : i32 to vector<16xi32>
        %add3A_339 = arith.addi %get3A_120, %add3A_338 : vector<16xi32>
        tpu.vector_store_idx %arg11[%add3A_339], %gather3A_239 {add = true} : memref<40960xf32, #tpu.memory_space<vmem>>[vector<16xi32>], vector<16xf32>,
        %add3A_340 = arith.constant 0 : i32
        %add3A_341 = vector.broadcast %add3A_340 : i32 to vector<16xi32>
        %add3A_342 = arith.addi %get3A_128, %add3A_341 : vector<16xi32>
        tpu.vector_store_idx %arg11[%add3A_342], %gather3A_243 {add = true} : memref<40960xf32, #tpu.memory_space<vmem>>[vector<16xi32>], vector<16xf32>,
        %add3A_343 = arith.constant 10240 : i32
        %add3A_344 = vector.broadcast %add3A_343 : i32 to vector<16xi32>
        %add3A_345 = arith.addi %get3A_128, %add3A_344 : vector<16xi32>
        tpu.vector_store_idx %arg11[%add3A_345], %gather3A_247 {add = true} : memref<40960xf32, #tpu.memory_space<vmem>>[vector<16xi32>], vector<16xf32>,
        %add3A_346 = arith.constant 20480 : i32
        %add3A_347 = vector.broadcast %add3A_346 : i32 to vector<16xi32>
        %add3A_348 = arith.addi %get3A_128, %add3A_347 : vector<16xi32>
        tpu.vector_store_idx %arg11[%add3A_348], %gather3A_251 {add = true} : memref<40960xf32, #tpu.memory_space<vmem>>[vector<16xi32>], vector<16xf32>,
        %add3A_349 = arith.constant 30720 : i32
        %add3A_350 = vector.broadcast %add3A_349 : i32 to vector<16xi32>
        %add3A_351 = arith.addi %get3A_128, %add3A_350 : vector<16xi32>
        tpu.vector_store_idx %arg11[%add3A_351], %gather3A_255 {add = true} : memref<40960xf32, #tpu.memory_space<vmem>>[vector<16xi32>], vector<16xf32>,
      }
      %scan3A_57 = arith.constant 50 : i32
      %add3A_58 = arith.constant 3 : i32
      %add3A_59 = arith.addi %mul3A_28, %add3A_58 : i32
      %lt3A_60 = arith.constant 50 : i32
      %lt3A_61 = arith.cmpi slt, %add3A_59, %lt3A_60 : i32
      %convert_element_type3A_62 = arith.extui %lt3A_61 : i1 to i32
      %cond3A_63 = arith.constant 0 : i32
      %cond3A_64 = arith.cmpi ne, %convert_element_type3A_62, %cond3A_63 : i32
      scf.if %cond3A_64 {
        %add3A_65 = arith.constant 3 : i32
        %add3A_66 = arith.addi %mul3A_28, %add3A_65 : i32
        %mul3A_67 = arith.constant 6400 : i32
        %mul3A_68 = arith.muli %add3A_66, %mul3A_67 : i32
        %dma_start3A_69 = tpu.memref_slice %arg3[%mul3A_68] : memref<320000xi32, #tpu.memory_space<hbm>> -> memref<6400xi32, #tpu.memory_space<hbm>>
        %dma_start3A_70 = tpu.memref_slice %arg3[%mul3A_68] : memref<320000xi32, #tpu.memory_space<hbm>> -> memref<6400xi32, #tpu.memory_space<hbm>>
        tpu.enqueue_dma source(%dma_start3A_70 : memref<6400xi32, #tpu.memory_space<hbm>>) target(%arg7 : memref<6400xi32, #tpu.memory_space<vmem>>) target_semaphore(%arg13 : memref<!tpu.dma_semaphore, #tpu.memory_space<semaphore_mem>>)
        %mul3A_71 = arith.constant 6400 : i32
        %mul3A_72 = arith.muli %add3A_66, %mul3A_71 : i32
        %dma_start3A_73 = tpu.memref_slice %arg4[%mul3A_72] : memref<320000xi32, #tpu.memory_space<hbm>> -> memref<6400xi32, #tpu.memory_space<hbm>>
        %dma_start3A_74 = tpu.memref_slice %arg4[%mul3A_72] : memref<320000xi32, #tpu.memory_space<hbm>> -> memref<6400xi32, #tpu.memory_space<hbm>>
        tpu.enqueue_dma source(%dma_start3A_74 : memref<6400xi32, #tpu.memory_space<hbm>>) target(%arg9 : memref<6400xi32, #tpu.memory_space<vmem>>) target_semaphore(%arg15 : memref<!tpu.dma_semaphore, #tpu.memory_space<semaphore_mem>>)
      } else {
      }
    }
    %scan3A_25 = arith.constant 25 : i32
    "tpu.region"() ({
      %run_scoped3A = tpu.sem_alloc : memref<!tpu.dma_semaphore, #tpu.memory_space<semaphore_mem>>
      %dma_start3A_26 = arith.constant 0 : i32
      %dma_start3A_27 = tpu.memref_slice %arg5[%add3A, %dma_start3A_26] : memref<32x40960xf32, #tpu.memory_space<hbm>> -> memref<1x40960xf32, #tpu.memory_space<hbm>>
      %dma_start3A_28 = tpu.memref_squeeze %dma_start3A_27 : memref<1x40960xf32, #tpu.memory_space<hbm>> -> memref<40960xf32, #tpu.memory_space<hbm>>
      %dma_start3A_29 = arith.constant 0 : i32
      %dma_start3A_30 = tpu.memref_slice %arg5[%add3A, %dma_start3A_29] : memref<32x40960xf32, #tpu.memory_space<hbm>> -> memref<1x40960xf32, #tpu.memory_space<hbm>>
      %dma_start3A_31 = tpu.memref_squeeze %dma_start3A_30 : memref<1x40960xf32, #tpu.memory_space<hbm>> -> memref<40960xf32, #tpu.memory_space<hbm>>
      tpu.enqueue_dma source(%arg11 : memref<40960xf32, #tpu.memory_space<vmem>>) target(%dma_start3A_31 : memref<40960xf32, #tpu.memory_space<hbm>>) target_semaphore(%run_scoped3A : memref<!tpu.dma_semaphore, #tpu.memory_space<semaphore_mem>>)
      %dma_wait3A = arith.constant 0 : i32
      %dma_wait3A_32 = tpu.memref_slice %arg5[%add3A, %dma_wait3A] : memref<32x40960xf32, #tpu.memory_space<hbm>> -> memref<1x40960xf32, #tpu.memory_space<hbm>>
      %dma_wait3A_33 = tpu.memref_squeeze %dma_wait3A_32 : memref<1x40960xf32, #tpu.memory_space<hbm>> -> memref<40960xf32, #tpu.memory_space<hbm>>
      %dma_wait3A_34 = arith.constant 0 : i32
      %dma_wait3A_35 = tpu.memref_slice %arg5[%add3A, %dma_wait3A_34] : memref<32x40960xf32, #tpu.memory_space<hbm>> -> memref<1x40960xf32, #tpu.memory_space<hbm>>
      %dma_wait3A_36 = tpu.memref_squeeze %dma_wait3A_35 : memref<1x40960xf32, #tpu.memory_space<hbm>> -> memref<40960xf32, #tpu.memory_space<hbm>>
      tpu.wait_dma2 semaphore(%run_scoped3A : memref<!tpu.dma_semaphore, #tpu.memory_space<semaphore_mem>>) src(%arg11 : memref<40960xf32, #tpu.memory_space<vmem>>) dst(%dma_wait3A_36 : memref<40960xf32, #tpu.memory_space<hbm>>)
      tpu.yield
    }) : () -> ()
    return
  }
}

#map = affine_map<(d0, d1) -> (0)>
#map1 = affine_map<(d0, d1) -> (0, 0, 0)>
module attributes {stable_mosaic.version = 14 : i64} {
  func.func @_deg_kernel(%arg0: i32, %arg1: i32, %arg2: memref<320000xi32, #tpu.memory_space<hbm>>, %arg3: memref<320000xi32, #tpu.memory_space<hbm>>, %arg4: memref<32x2x10240xf32, #tpu.memory_space<hbm>>, %arg5: memref<10000xi32, #tpu.memory_space<vmem>>, %arg6: memref<10000xi32, #tpu.memory_space<vmem>>, %arg7: memref<2x10240xf32, #tpu.memory_space<vmem>>) attributes {dimension_semantics = [#tpu.dimension_semantics<core_parallel>, #tpu.dimension_semantics<subcore_parallel>], iteration_bounds = array<i64: 2, 16>, scalar_prefetch = 0 : i64, scratch_operands = 3 : i64, tpu.core_type = #tpu.core_type<sc_vector_subcore>, window_params = [{transform_indices = #map}, {transform_indices = #map}, {transform_indices = #map1}]} {
    %mul3A = arith.constant 16 : i32
    %mul3A_0 = arith.muli %arg0, %mul3A : i32
    %add3A = arith.addi %mul3A_0, %arg1 : i32
    %mul3A_1 = arith.constant 10000 : i32
    %mul3A_2 = arith.muli %add3A, %mul3A_1 : i32
    "tpu.region"() ({
      %run_scoped3A = tpu.sem_alloc : memref<!tpu.dma_semaphore, #tpu.memory_space<semaphore_mem>>
      %dma_start3A = tpu.memref_slice %arg2[%mul3A_2] : memref<320000xi32, #tpu.memory_space<hbm>> -> memref<10000xi32, #tpu.memory_space<hbm>>
      %dma_start3A_19 = tpu.memref_slice %arg2[%mul3A_2] : memref<320000xi32, #tpu.memory_space<hbm>> -> memref<10000xi32, #tpu.memory_space<hbm>>
      tpu.enqueue_dma source(%dma_start3A_19 : memref<10000xi32, #tpu.memory_space<hbm>>) target(%arg5 : memref<10000xi32, #tpu.memory_space<vmem>>) target_semaphore(%run_scoped3A : memref<!tpu.dma_semaphore, #tpu.memory_space<semaphore_mem>>)
      %dma_wait3A = tpu.memref_slice %arg2[%mul3A_2] : memref<320000xi32, #tpu.memory_space<hbm>> -> memref<10000xi32, #tpu.memory_space<hbm>>
      %dma_wait3A_20 = tpu.memref_slice %arg2[%mul3A_2] : memref<320000xi32, #tpu.memory_space<hbm>> -> memref<10000xi32, #tpu.memory_space<hbm>>
      tpu.wait_dma2 semaphore(%run_scoped3A : memref<!tpu.dma_semaphore, #tpu.memory_space<semaphore_mem>>) src(%dma_wait3A_20 : memref<10000xi32, #tpu.memory_space<hbm>>) dst(%arg5 : memref<10000xi32, #tpu.memory_space<vmem>>)
      tpu.yield
    }) : () -> ()
    "tpu.region"() ({
      %run_scoped3A = tpu.sem_alloc : memref<!tpu.dma_semaphore, #tpu.memory_space<semaphore_mem>>
      %dma_start3A = tpu.memref_slice %arg3[%mul3A_2] : memref<320000xi32, #tpu.memory_space<hbm>> -> memref<10000xi32, #tpu.memory_space<hbm>>
      %dma_start3A_19 = tpu.memref_slice %arg3[%mul3A_2] : memref<320000xi32, #tpu.memory_space<hbm>> -> memref<10000xi32, #tpu.memory_space<hbm>>
      tpu.enqueue_dma source(%dma_start3A_19 : memref<10000xi32, #tpu.memory_space<hbm>>) target(%arg6 : memref<10000xi32, #tpu.memory_space<vmem>>) target_semaphore(%run_scoped3A : memref<!tpu.dma_semaphore, #tpu.memory_space<semaphore_mem>>)
      %dma_wait3A = tpu.memref_slice %arg3[%mul3A_2] : memref<320000xi32, #tpu.memory_space<hbm>> -> memref<10000xi32, #tpu.memory_space<hbm>>
      %dma_wait3A_20 = tpu.memref_slice %arg3[%mul3A_2] : memref<320000xi32, #tpu.memory_space<hbm>> -> memref<10000xi32, #tpu.memory_space<hbm>>
      tpu.wait_dma2 semaphore(%run_scoped3A : memref<!tpu.dma_semaphore, #tpu.memory_space<semaphore_mem>>) src(%dma_wait3A_20 : memref<10000xi32, #tpu.memory_space<hbm>>) dst(%arg6 : memref<10000xi32, #tpu.memory_space<vmem>>)
      tpu.yield
    }) : () -> ()
    %broadcast_in_dim3A = arith.constant 0.000000e+00 : f32
    %broadcast_in_dim3A_3 = vector.broadcast %broadcast_in_dim3A : f32 to vector<16xf32>
    %scan3A = arith.constant 0 : i32
    %scan3A_4 = arith.constant 640 : i32
    %scan3A_5 = arith.addi %scan3A, %scan3A_4 : i32
    %scan3A_6 = arith.constant 1 : i32
    scf.for %scan3A_19 = %scan3A to %scan3A_5 step %scan3A_6  : i32 {
      %mul3A_20 = arith.constant 16 : i32
      %mul3A_21 = arith.muli %scan3A_19, %mul3A_20 : i32
      %swap3A = arith.constant 0 : i32
      %swap3A_22 = arith.index_cast %swap3A : i32 to index
      %swap3A_23 = arith.index_cast %mul3A_21 : i32 to index
      %swap3A_24 = tpu.vector_load %arg7[%swap3A_22, %swap3A_23] {strides = array<i32>} : memref<2x10240xf32, #tpu.memory_space<vmem>>, vector<16xf32>,
      tpu.vector_store %arg7[%swap3A_22, %swap3A_23], %broadcast_in_dim3A_3 {strides = array<i32>} : memref<2x10240xf32, #tpu.memory_space<vmem>>, vector<16xf32>,
      %mul3A_25 = arith.constant 16 : i32
      %mul3A_26 = arith.muli %scan3A_19, %mul3A_25 : i32
      %swap3A_27 = arith.constant 1 : i32
      %swap3A_28 = arith.index_cast %swap3A_27 : i32 to index
      %swap3A_29 = arith.index_cast %mul3A_26 : i32 to index
      %swap3A_30 = tpu.vector_load %arg7[%swap3A_28, %swap3A_29] {strides = array<i32>} : memref<2x10240xf32, #tpu.memory_space<vmem>>, vector<16xf32>,
      tpu.vector_store %arg7[%swap3A_28, %swap3A_29], %broadcast_in_dim3A_3 {strides = array<i32>} : memref<2x10240xf32, #tpu.memory_space<vmem>>, vector<16xf32>,
    }
    %scan3A_7 = arith.constant 640 : i32
    %broadcast_in_dim3A_8 = arith.constant 1.000000e+00 : f32
    %broadcast_in_dim3A_9 = vector.broadcast %broadcast_in_dim3A_8 : f32 to vector<16xf32>
    %broadcast_in_dim3A_10 = arith.constant 0 : i32
    %broadcast_in_dim3A_11 = vector.broadcast %broadcast_in_dim3A_10 : i32 to vector<16xi32>
    %broadcast_in_dim3A_12 = arith.constant 1 : i32
    %broadcast_in_dim3A_13 = vector.broadcast %broadcast_in_dim3A_12 : i32 to vector<16xi32>
    %scan3A_14 = arith.constant 0 : i32
    %scan3A_15 = arith.constant 625 : i32
    %scan3A_16 = arith.addi %scan3A_14, %scan3A_15 : i32
    %scan3A_17 = arith.constant 1 : i32
    scf.for %scan3A_19 = %scan3A_14 to %scan3A_16 step %scan3A_17  : i32 {
      %mul3A_20 = arith.constant 16 : i32
      %mul3A_21 = arith.muli %scan3A_19, %mul3A_20 : i32
      %get3A = arith.index_cast %mul3A_21 : i32 to index
      %get3A_22 = tpu.vector_load %arg5[%get3A] {strides = array<i32>} : memref<10000xi32, #tpu.memory_space<vmem>>, vector<16xi32>,
      %mul3A_23 = arith.constant 16 : i32
      %mul3A_24 = arith.muli %scan3A_19, %mul3A_23 : i32
      %get3A_25 = arith.index_cast %mul3A_24 : i32 to index
      %get3A_26 = tpu.vector_load %arg6[%get3A_25] {strides = array<i32>} : memref<10000xi32, #tpu.memory_space<vmem>>, vector<16xi32>,
      tpu.vector_store_idx %arg7[%broadcast_in_dim3A_11, %get3A_22], %broadcast_in_dim3A_9 {add = true} : memref<2x10240xf32, #tpu.memory_space<vmem>>[vector<16xi32>, vector<16xi32>], vector<16xf32>,
      tpu.vector_store_idx %arg7[%broadcast_in_dim3A_13, %get3A_26], %broadcast_in_dim3A_9 {add = true} : memref<2x10240xf32, #tpu.memory_space<vmem>>[vector<16xi32>, vector<16xi32>], vector<16xf32>,
    }
    %scan3A_18 = arith.constant 625 : i32
    "tpu.region"() ({
      %run_scoped3A = tpu.sem_alloc : memref<!tpu.dma_semaphore, #tpu.memory_space<semaphore_mem>>
      %dma_start3A = arith.constant 0 : i32
      %dma_start3A_19 = arith.constant 0 : i32
      %dma_start3A_20 = tpu.memref_slice %arg4[%add3A, %dma_start3A, %dma_start3A_19] : memref<32x2x10240xf32, #tpu.memory_space<hbm>> -> memref<1x2x10240xf32, #tpu.memory_space<hbm>>
      %dma_start3A_21 = tpu.memref_squeeze %dma_start3A_20 : memref<1x2x10240xf32, #tpu.memory_space<hbm>> -> memref<2x10240xf32, #tpu.memory_space<hbm>>
      %dma_start3A_22 = arith.constant 0 : i32
      %dma_start3A_23 = arith.constant 0 : i32
      %dma_start3A_24 = tpu.memref_slice %arg4[%add3A, %dma_start3A_22, %dma_start3A_23] : memref<32x2x10240xf32, #tpu.memory_space<hbm>> -> memref<1x2x10240xf32, #tpu.memory_space<hbm>>
      %dma_start3A_25 = tpu.memref_squeeze %dma_start3A_24 : memref<1x2x10240xf32, #tpu.memory_space<hbm>> -> memref<2x10240xf32, #tpu.memory_space<hbm>>
      tpu.enqueue_dma source(%arg7 : memref<2x10240xf32, #tpu.memory_space<vmem>>) target(%dma_start3A_25 : memref<2x10240xf32, #tpu.memory_space<hbm>>) target_semaphore(%run_scoped3A : memref<!tpu.dma_semaphore, #tpu.memory_space<semaphore_mem>>)
      %dma_wait3A = arith.constant 0 : i32
      %dma_wait3A_26 = arith.constant 0 : i32
      %dma_wait3A_27 = tpu.memref_slice %arg4[%add3A, %dma_wait3A, %dma_wait3A_26] : memref<32x2x10240xf32, #tpu.memory_space<hbm>> -> memref<1x2x10240xf32, #tpu.memory_space<hbm>>
      %dma_wait3A_28 = tpu.memref_squeeze %dma_wait3A_27 : memref<1x2x10240xf32, #tpu.memory_space<hbm>> -> memref<2x10240xf32, #tpu.memory_space<hbm>>
      %dma_wait3A_29 = arith.constant 0 : i32
      %dma_wait3A_30 = arith.constant 0 : i32
      %dma_wait3A_31 = tpu.memref_slice %arg4[%add3A, %dma_wait3A_29, %dma_wait3A_30] : memref<32x2x10240xf32, #tpu.memory_space<hbm>> -> memref<1x2x10240xf32, #tpu.memory_space<hbm>>
      %dma_wait3A_32 = tpu.memref_squeeze %dma_wait3A_31 : memref<1x2x10240xf32, #tpu.memory_space<hbm>> -> memref<2x10240xf32, #tpu.memory_space<hbm>>
      tpu.wait_dma2 semaphore(%run_scoped3A : memref<!tpu.dma_semaphore, #tpu.memory_space<semaphore_mem>>) src(%arg7 : memref<2x10240xf32, #tpu.memory_space<vmem>>) dst(%dma_wait3A_32 : memref<2x10240xf32, #tpu.memory_space<hbm>>)
      tpu.yield
    }) : () -> ()
    return
  }
}

#map = affine_map<(d0, d1) -> (0, 0)>
#map1 = affine_map<(d0, d1) -> (0)>
module attributes {stable_mosaic.version = 14 : i64} {
  func.func @_agg_kernel(%arg0: i32, %arg1: i32, %arg2: memref<32x40960xf32, #tpu.memory_space<hbm>>, %arg3: memref<320000xi32, #tpu.memory_space<hbm>>, %arg4: memref<320000xi32, #tpu.memory_space<hbm>>, %arg5: memref<32x40960xf32, #tpu.memory_space<hbm>>, %arg6: memref<6400xi32, #tpu.memory_space<vmem>>, %arg7: memref<6400xi32, #tpu.memory_space<vmem>>, %arg8: memref<6400xi32, #tpu.memory_space<vmem>>, %arg9: memref<6400xi32, #tpu.memory_space<vmem>>, %arg10: memref<40960xf32, #tpu.memory_space<vmem>>, %arg11: memref<40960xf32, #tpu.memory_space<vmem>>, %arg12: memref<!tpu.dma_semaphore, #tpu.memory_space<semaphore_mem>>, %arg13: memref<!tpu.dma_semaphore, #tpu.memory_space<semaphore_mem>>, %arg14: memref<!tpu.dma_semaphore, #tpu.memory_space<semaphore_mem>>, %arg15: memref<!tpu.dma_semaphore, #tpu.memory_space<semaphore_mem>>) attributes {dimension_semantics = [#tpu.dimension_semantics<core_parallel>, #tpu.dimension_semantics<subcore_parallel>], iteration_bounds = array<i64: 2, 16>, scalar_prefetch = 0 : i64, scratch_operands = 10 : i64, tpu.core_type = #tpu.core_type<sc_vector_subcore>, window_params = [{transform_indices = #map}, {transform_indices = #map1}, {transform_indices = #map1}, {transform_indices = #map}]} {
    %mul3A = arith.constant 16 : i32
    %mul3A_0 = arith.muli %arg0, %mul3A : i32
    %add3A = arith.addi %mul3A_0, %arg1 : i32
    "tpu.region"() ({
      %run_scoped3A = tpu.sem_alloc : memref<!tpu.dma_semaphore, #tpu.memory_space<semaphore_mem>>
      %dma_start3A_26 = arith.constant 0 : i32
      %dma_start3A_27 = tpu.memref_slice %arg2[%add3A, %dma_start3A_26] : memref<32x40960xf32, #tpu.memory_space<hbm>> -> memref<1x40960xf32, #tpu.memory_space<hbm>>
      %dma_start3A_28 = tpu.memref_squeeze %dma_start3A_27 : memref<1x40960xf32, #tpu.memory_space<hbm>> -> memref<40960xf32, #tpu.memory_space<hbm>>
      %dma_start3A_29 = arith.constant 0 : i32
      %dma_start3A_30 = tpu.memref_slice %arg2[%add3A, %dma_start3A_29] : memref<32x40960xf32, #tpu.memory_space<hbm>> -> memref<1x40960xf32, #tpu.memory_space<hbm>>
      %dma_start3A_31 = tpu.memref_squeeze %dma_start3A_30 : memref<1x40960xf32, #tpu.memory_space<hbm>> -> memref<40960xf32, #tpu.memory_space<hbm>>
      tpu.enqueue_dma source(%dma_start3A_31 : memref<40960xf32, #tpu.memory_space<hbm>>) target(%arg10 : memref<40960xf32, #tpu.memory_space<vmem>>) target_semaphore(%run_scoped3A : memref<!tpu.dma_semaphore, #tpu.memory_space<semaphore_mem>>)
      %dma_wait3A = arith.constant 0 : i32
      %dma_wait3A_32 = tpu.memref_slice %arg2[%add3A, %dma_wait3A] : memref<32x40960xf32, #tpu.memory_space<hbm>> -> memref<1x40960xf32, #tpu.memory_space<hbm>>
      %dma_wait3A_33 = tpu.memref_squeeze %dma_wait3A_32 : memref<1x40960xf32, #tpu.memory_space<hbm>> -> memref<40960xf32, #tpu.memory_space<hbm>>
      %dma_wait3A_34 = arith.constant 0 : i32
      %dma_wait3A_35 = tpu.memref_slice %arg2[%add3A, %dma_wait3A_34] : memref<32x40960xf32, #tpu.memory_space<hbm>> -> memref<1x40960xf32, #tpu.memory_space<hbm>>
      %dma_wait3A_36 = tpu.memref_squeeze %dma_wait3A_35 : memref<1x40960xf32, #tpu.memory_space<hbm>> -> memref<40960xf32, #tpu.memory_space<hbm>>
      tpu.wait_dma2 semaphore(%run_scoped3A : memref<!tpu.dma_semaphore, #tpu.memory_space<semaphore_mem>>) src(%dma_wait3A_36 : memref<40960xf32, #tpu.memory_space<hbm>>) dst(%arg10 : memref<40960xf32, #tpu.memory_space<vmem>>)
      tpu.yield
    }) : () -> ()
    %broadcast_in_dim3A = arith.constant 0.000000e+00 : f32
    %broadcast_in_dim3A_1 = vector.broadcast %broadcast_in_dim3A : f32 to vector<16xf32>
    %scan3A = arith.constant 0 : i32
    %scan3A_2 = arith.constant 640 : i32
    %scan3A_3 = arith.addi %scan3A, %scan3A_2 : i32
    %scan3A_4 = arith.constant 1 : i32
    scf.for %scan3A_26 = %scan3A to %scan3A_3 step %scan3A_4  : i32 {
      %mul3A_27 = arith.constant 64 : i32
      %mul3A_28 = arith.muli %scan3A_26, %mul3A_27 : i32
      %add3A_29 = arith.constant 0 : i32
      %add3A_30 = arith.addi %mul3A_28, %add3A_29 : i32
      %swap3A = arith.index_cast %add3A_30 : i32 to index
      %swap3A_31 = tpu.vector_load %arg11[%swap3A] {strides = array<i32>} : memref<40960xf32, #tpu.memory_space<vmem>>, vector<16xf32>,
      tpu.vector_store %arg11[%swap3A], %broadcast_in_dim3A_1 {strides = array<i32>} : memref<40960xf32, #tpu.memory_space<vmem>>, vector<16xf32>,
      %mul3A_32 = arith.constant 64 : i32
      %mul3A_33 = arith.muli %scan3A_26, %mul3A_32 : i32
      %add3A_34 = arith.constant 16 : i32
      %add3A_35 = arith.addi %mul3A_33, %add3A_34 : i32
      %swap3A_36 = arith.index_cast %add3A_35 : i32 to index
      %swap3A_37 = tpu.vector_load %arg11[%swap3A_36] {strides = array<i32>} : memref<40960xf32, #tpu.memory_space<vmem>>, vector<16xf32>,
      tpu.vector_store %arg11[%swap3A_36], %broadcast_in_dim3A_1 {strides = array<i32>} : memref<40960xf32, #tpu.memory_space<vmem>>, vector<16xf32>,
      %mul3A_38 = arith.constant 64 : i32
      %mul3A_39 = arith.muli %scan3A_26, %mul3A_38 : i32
      %add3A_40 = arith.constant 32 : i32
      %add3A_41 = arith.addi %mul3A_39, %add3A_40 : i32
      %swap3A_42 = arith.index_cast %add3A_41 : i32 to index
      %swap3A_43 = tpu.vector_load %arg11[%swap3A_42] {strides = array<i32>} : memref<40960xf32, #tpu.memory_space<vmem>>, vector<16xf32>,
      tpu.vector_store %arg11[%swap3A_42], %broadcast_in_dim3A_1 {strides = array<i32>} : memref<40960xf32, #tpu.memory_space<vmem>>, vector<16xf32>,
      %mul3A_44 = arith.constant 64 : i32
      %mul3A_45 = arith.muli %scan3A_26, %mul3A_44 : i32
      %add3A_46 = arith.constant 48 : i32
      %add3A_47 = arith.addi %mul3A_45, %add3A_46 : i32
      %swap3A_48 = arith.index_cast %add3A_47 : i32 to index
      %swap3A_49 = tpu.vector_load %arg11[%swap3A_48] {strides = array<i32>} : memref<40960xf32, #tpu.memory_space<vmem>>, vector<16xf32>,
      tpu.vector_store %arg11[%swap3A_48], %broadcast_in_dim3A_1 {strides = array<i32>} : memref<40960xf32, #tpu.memory_space<vmem>>, vector<16xf32>,
    }
    %scan3A_5 = arith.constant 640 : i32
    %dma_start3A = arith.constant 0 : i32
    %dma_start3A_6 = tpu.memref_slice %arg3[%dma_start3A] : memref<320000xi32, #tpu.memory_space<hbm>> -> memref<6400xi32, #tpu.memory_space<hbm>>
    %dma_start3A_7 = arith.constant 0 : i32
    %dma_start3A_8 = tpu.memref_slice %arg3[%dma_start3A_7] : memref<320000xi32, #tpu.memory_space<hbm>> -> memref<6400xi32, #tpu.memory_space<hbm>>
    tpu.enqueue_dma source(%dma_start3A_8 : memref<6400xi32, #tpu.memory_space<hbm>>) target(%arg6 : memref<6400xi32, #tpu.memory_space<vmem>>) target_semaphore(%arg12 : memref<!tpu.dma_semaphore, #tpu.memory_space<semaphore_mem>>)
    %dma_start3A_9 = arith.constant 0 : i32
    %dma_start3A_10 = tpu.memref_slice %arg4[%dma_start3A_9] : memref<320000xi32, #tpu.memory_space<hbm>> -> memref<6400xi32, #tpu.memory_space<hbm>>
    %dma_start3A_11 = arith.constant 0 : i32
    %dma_start3A_12 = tpu.memref_slice %arg4[%dma_start3A_11] : memref<320000xi32, #tpu.memory_space<hbm>> -> memref<6400xi32, #tpu.memory_space<hbm>>
    tpu.enqueue_dma source(%dma_start3A_12 : memref<6400xi32, #tpu.memory_space<hbm>>) target(%arg8 : memref<6400xi32, #tpu.memory_space<vmem>>) target_semaphore(%arg14 : memref<!tpu.dma_semaphore, #tpu.memory_space<semaphore_mem>>)
    %dma_start3A_13 = arith.constant 6400 : i32
    %dma_start3A_14 = tpu.memref_slice %arg3[%dma_start3A_13] : memref<320000xi32, #tpu.memory_space<hbm>> -> memref<6400xi32, #tpu.memory_space<hbm>>
    %dma_start3A_15 = arith.constant 6400 : i32
    %dma_start3A_16 = tpu.memref_slice %arg3[%dma_start3A_15] : memref<320000xi32, #tpu.memory_space<hbm>> -> memref<6400xi32, #tpu.memory_space<hbm>>
    tpu.enqueue_dma source(%dma_start3A_16 : memref<6400xi32, #tpu.memory_space<hbm>>) target(%arg7 : memref<6400xi32, #tpu.memory_space<vmem>>) target_semaphore(%arg13 : memref<!tpu.dma_semaphore, #tpu.memory_space<semaphore_mem>>)
    %dma_start3A_17 = arith.constant 6400 : i32
    %dma_start3A_18 = tpu.memref_slice %arg4[%dma_start3A_17] : memref<320000xi32, #tpu.memory_space<hbm>> -> memref<6400xi32, #tpu.memory_space<hbm>>
    %dma_start3A_19 = arith.constant 6400 : i32
    %dma_start3A_20 = tpu.memref_slice %arg4[%dma_start3A_19] : memref<320000xi32, #tpu.memory_space<hbm>> -> memref<6400xi32, #tpu.memory_space<hbm>>
    tpu.enqueue_dma source(%dma_start3A_20 : memref<6400xi32, #tpu.memory_space<hbm>>) target(%arg9 : memref<6400xi32, #tpu.memory_space<vmem>>) target_semaphore(%arg15 : memref<!tpu.dma_semaphore, #tpu.memory_space<semaphore_mem>>)
    %scan3A_21 = arith.constant 0 : i32
    %scan3A_22 = arith.constant 25 : i32
    %scan3A_23 = arith.addi %scan3A_21, %scan3A_22 : i32
    %scan3A_24 = arith.constant 1 : i32
    scf.for %scan3A_26 = %scan3A_21 to %scan3A_23 step %scan3A_24  : i32 {
      %mul3A_27 = arith.constant 2 : i32
      %mul3A_28 = arith.muli %scan3A_26, %mul3A_27 : i32
      %dma_wait3A = arith.constant 0 : i32
      %dma_wait3A_29 = tpu.memref_slice %arg3[%dma_wait3A] : memref<320000xi32, #tpu.memory_space<hbm>> -> memref<6400xi32, #tpu.memory_space<hbm>>
      %dma_wait3A_30 = arith.constant 0 : i32
      %dma_wait3A_31 = tpu.memref_slice %arg3[%dma_wait3A_30] : memref<320000xi32, #tpu.memory_space<hbm>> -> memref<6400xi32, #tpu.memory_space<hbm>>
      tpu.wait_dma2 semaphore(%arg12 : memref<!tpu.dma_semaphore, #tpu.memory_space<semaphore_mem>>) src(%dma_wait3A_31 : memref<6400xi32, #tpu.memory_space<hbm>>) dst(%arg6 : memref<6400xi32, #tpu.memory_space<vmem>>)
      %dma_wait3A_32 = arith.constant 0 : i32
      %dma_wait3A_33 = tpu.memref_slice %arg4[%dma_wait3A_32] : memref<320000xi32, #tpu.memory_space<hbm>> -> memref<6400xi32, #tpu.memory_space<hbm>>
      %dma_wait3A_34 = arith.constant 0 : i32
      %dma_wait3A_35 = tpu.memref_slice %arg4[%dma_wait3A_34] : memref<320000xi32, #tpu.memory_space<hbm>> -> memref<6400xi32, #tpu.memory_space<hbm>>
      tpu.wait_dma2 semaphore(%arg14 : memref<!tpu.dma_semaphore, #tpu.memory_space<semaphore_mem>>) src(%dma_wait3A_35 : memref<6400xi32, #tpu.memory_space<hbm>>) dst(%arg8 : memref<6400xi32, #tpu.memory_space<vmem>>)
      %scan3A_36 = arith.constant 0 : i32
      %scan3A_37 = arith.constant 50 : i32
      %scan3A_38 = arith.addi %scan3A_36, %scan3A_37 : i32
      %scan3A_39 = arith.constant 1 : i32
      scf.for %scan3A_65 = %scan3A_36 to %scan3A_38 step %scan3A_39  : i32 {
        %mul3A_66 = arith.constant 128 : i32
        %mul3A_67 = arith.muli %scan3A_65, %mul3A_66 : i32
        %add3A_68 = arith.constant 0 : i32
        %add3A_69 = arith.addi %mul3A_67, %add3A_68 : i32
        %get3A = arith.index_cast %add3A_69 : i32 to index
        %get3A_70 = tpu.vector_load %arg6[%get3A] {strides = array<i32>} : memref<6400xi32, #tpu.memory_space<vmem>>, vector<16xi32>,
        %get3A_71 = arith.index_cast %add3A_69 : i32 to index
        %get3A_72 = tpu.vector_load %arg8[%get3A_71] {strides = array<i32>} : memref<6400xi32, #tpu.memory_space<vmem>>, vector<16xi32>,
        %mul3A_73 = arith.constant 128 : i32
        %mul3A_74 = arith.muli %scan3A_65, %mul3A_73 : i32
        %add3A_75 = arith.constant 16 : i32
        %add3A_76 = arith.addi %mul3A_74, %add3A_75 : i32
        %get3A_77 = arith.index_cast %add3A_76 : i32 to index
        %get3A_78 = tpu.vector_load %arg6[%get3A_77] {strides = array<i32>} : memref<6400xi32, #tpu.memory_space<vmem>>, vector<16xi32>,
        %get3A_79 = arith.index_cast %add3A_76 : i32 to index
        %get3A_80 = tpu.vector_load %arg8[%get3A_79] {strides = array<i32>} : memref<6400xi32, #tpu.memory_space<vmem>>, vector<16xi32>,
        %mul3A_81 = arith.constant 128 : i32
        %mul3A_82 = arith.muli %scan3A_65, %mul3A_81 : i32
        %add3A_83 = arith.constant 32 : i32
        %add3A_84 = arith.addi %mul3A_82, %add3A_83 : i32
        %get3A_85 = arith.index_cast %add3A_84 : i32 to index
        %get3A_86 = tpu.vector_load %arg6[%get3A_85] {strides = array<i32>} : memref<6400xi32, #tpu.memory_space<vmem>>, vector<16xi32>,
        %get3A_87 = arith.index_cast %add3A_84 : i32 to index
        %get3A_88 = tpu.vector_load %arg8[%get3A_87] {strides = array<i32>} : memref<6400xi32, #tpu.memory_space<vmem>>, vector<16xi32>,
        %mul3A_89 = arith.constant 128 : i32
        %mul3A_90 = arith.muli %scan3A_65, %mul3A_89 : i32
        %add3A_91 = arith.constant 48 : i32
        %add3A_92 = arith.addi %mul3A_90, %add3A_91 : i32
        %get3A_93 = arith.index_cast %add3A_92 : i32 to index
        %get3A_94 = tpu.vector_load %arg6[%get3A_93] {strides = array<i32>} : memref<6400xi32, #tpu.memory_space<vmem>>, vector<16xi32>,
        %get3A_95 = arith.index_cast %add3A_92 : i32 to index
        %get3A_96 = tpu.vector_load %arg8[%get3A_95] {strides = array<i32>} : memref<6400xi32, #tpu.memory_space<vmem>>, vector<16xi32>,
        %mul3A_97 = arith.constant 128 : i32
        %mul3A_98 = arith.muli %scan3A_65, %mul3A_97 : i32
        %add3A_99 = arith.constant 64 : i32
        %add3A_100 = arith.addi %mul3A_98, %add3A_99 : i32
        %get3A_101 = arith.index_cast %add3A_100 : i32 to index
        %get3A_102 = tpu.vector_load %arg6[%get3A_101] {strides = array<i32>} : memref<6400xi32, #tpu.memory_space<vmem>>, vector<16xi32>,
        %get3A_103 = arith.index_cast %add3A_100 : i32 to index
        %get3A_104 = tpu.vector_load %arg8[%get3A_103] {strides = array<i32>} : memref<6400xi32, #tpu.memory_space<vmem>>, vector<16xi32>,
        %mul3A_105 = arith.constant 128 : i32
        %mul3A_106 = arith.muli %scan3A_65, %mul3A_105 : i32
        %add3A_107 = arith.constant 80 : i32
        %add3A_108 = arith.addi %mul3A_106, %add3A_107 : i32
        %get3A_109 = arith.index_cast %add3A_108 : i32 to index
        %get3A_110 = tpu.vector_load %arg6[%get3A_109] {strides = array<i32>} : memref<6400xi32, #tpu.memory_space<vmem>>, vector<16xi32>,
        %get3A_111 = arith.index_cast %add3A_108 : i32 to index
        %get3A_112 = tpu.vector_load %arg8[%get3A_111] {strides = array<i32>} : memref<6400xi32, #tpu.memory_space<vmem>>, vector<16xi32>,
        %mul3A_113 = arith.constant 128 : i32
        %mul3A_114 = arith.muli %scan3A_65, %mul3A_113 : i32
        %add3A_115 = arith.constant 96 : i32
        %add3A_116 = arith.addi %mul3A_114, %add3A_115 : i32
        %get3A_117 = arith.index_cast %add3A_116 : i32 to index
        %get3A_118 = tpu.vector_load %arg6[%get3A_117] {strides = array<i32>} : memref<6400xi32, #tpu.memory_space<vmem>>, vector<16xi32>,
        %get3A_119 = arith.index_cast %add3A_116 : i32 to index
        %get3A_120 = tpu.vector_load %arg8[%get3A_119] {strides = array<i32>} : memref<6400xi32, #tpu.memory_space<vmem>>, vector<16xi32>,
        %mul3A_121 = arith.constant 128 : i32
        %mul3A_122 = arith.muli %scan3A_65, %mul3A_121 : i32
        %add3A_123 = arith.constant 112 : i32
        %add3A_124 = arith.addi %mul3A_122, %add3A_123 : i32
        %get3A_125 = arith.index_cast %add3A_124 : i32 to index
        %get3A_126 = tpu.vector_load %arg6[%get3A_125] {strides = array<i32>} : memref<6400xi32, #tpu.memory_space<vmem>>, vector<16xi32>,
        %get3A_127 = arith.index_cast %add3A_124 : i32 to index
        %get3A_128 = tpu.vector_load %arg8[%get3A_127] {strides = array<i32>} : memref<6400xi32, #tpu.memory_space<vmem>>, vector<16xi32>,
        %add3A_129 = arith.constant 0 : i32
        %add3A_130 = vector.broadcast %add3A_129 : i32 to vector<16xi32>
        %add3A_131 = arith.addi %get3A_70, %add3A_130 : vector<16xi32>
        %gather3A = tpu.vector_load_idx %arg10[%add3A_131] : memref<40960xf32, #tpu.memory_space<vmem>>[vector<16xi32>], vector<16xf32>,
        %add3A_132 = arith.constant 10240 : i32
        %add3A_133 = vector.broadcast %add3A_132 : i32 to vector<16xi32>
        %add3A_134 = arith.addi %get3A_70, %add3A_133 : vector<16xi32>
        %gather3A_135 = tpu.vector_load_idx %arg10[%add3A_134] : memref<40960xf32, #tpu.memory_space<vmem>>[vector<16xi32>], vector<16xf32>,
        %add3A_136 = arith.constant 20480 : i32
        %add3A_137 = vector.broadcast %add3A_136 : i32 to vector<16xi32>
        %add3A_138 = arith.addi %get3A_70, %add3A_137 : vector<16xi32>
        %gather3A_139 = tpu.vector_load_idx %arg10[%add3A_138] : memref<40960xf32, #tpu.memory_space<vmem>>[vector<16xi32>], vector<16xf32>,
        %add3A_140 = arith.constant 30720 : i32
        %add3A_141 = vector.broadcast %add3A_140 : i32 to vector<16xi32>
        %add3A_142 = arith.addi %get3A_70, %add3A_141 : vector<16xi32>
        %gather3A_143 = tpu.vector_load_idx %arg10[%add3A_142] : memref<40960xf32, #tpu.memory_space<vmem>>[vector<16xi32>], vector<16xf32>,
        %add3A_144 = arith.constant 0 : i32
        %add3A_145 = vector.broadcast %add3A_144 : i32 to vector<16xi32>
        %add3A_146 = arith.addi %get3A_78, %add3A_145 : vector<16xi32>
        %gather3A_147 = tpu.vector_load_idx %arg10[%add3A_146] : memref<40960xf32, #tpu.memory_space<vmem>>[vector<16xi32>], vector<16xf32>,
        %add3A_148 = arith.constant 10240 : i32
        %add3A_149 = vector.broadcast %add3A_148 : i32 to vector<16xi32>
        %add3A_150 = arith.addi %get3A_78, %add3A_149 : vector<16xi32>
        %gather3A_151 = tpu.vector_load_idx %arg10[%add3A_150] : memref<40960xf32, #tpu.memory_space<vmem>>[vector<16xi32>], vector<16xf32>,
        %add3A_152 = arith.constant 20480 : i32
        %add3A_153 = vector.broadcast %add3A_152 : i32 to vector<16xi32>
        %add3A_154 = arith.addi %get3A_78, %add3A_153 : vector<16xi32>
        %gather3A_155 = tpu.vector_load_idx %arg10[%add3A_154] : memref<40960xf32, #tpu.memory_space<vmem>>[vector<16xi32>], vector<16xf32>,
        %add3A_156 = arith.constant 30720 : i32
        %add3A_157 = vector.broadcast %add3A_156 : i32 to vector<16xi32>
        %add3A_158 = arith.addi %get3A_78, %add3A_157 : vector<16xi32>
        %gather3A_159 = tpu.vector_load_idx %arg10[%add3A_158] : memref<40960xf32, #tpu.memory_space<vmem>>[vector<16xi32>], vector<16xf32>,
        %add3A_160 = arith.constant 0 : i32
        %add3A_161 = vector.broadcast %add3A_160 : i32 to vector<16xi32>
        %add3A_162 = arith.addi %get3A_86, %add3A_161 : vector<16xi32>
        %gather3A_163 = tpu.vector_load_idx %arg10[%add3A_162] : memref<40960xf32, #tpu.memory_space<vmem>>[vector<16xi32>], vector<16xf32>,
        %add3A_164 = arith.constant 10240 : i32
        %add3A_165 = vector.broadcast %add3A_164 : i32 to vector<16xi32>
        %add3A_166 = arith.addi %get3A_86, %add3A_165 : vector<16xi32>
        %gather3A_167 = tpu.vector_load_idx %arg10[%add3A_166] : memref<40960xf32, #tpu.memory_space<vmem>>[vector<16xi32>], vector<16xf32>,
        %add3A_168 = arith.constant 20480 : i32
        %add3A_169 = vector.broadcast %add3A_168 : i32 to vector<16xi32>
        %add3A_170 = arith.addi %get3A_86, %add3A_169 : vector<16xi32>
        %gather3A_171 = tpu.vector_load_idx %arg10[%add3A_170] : memref<40960xf32, #tpu.memory_space<vmem>>[vector<16xi32>], vector<16xf32>,
        %add3A_172 = arith.constant 30720 : i32
        %add3A_173 = vector.broadcast %add3A_172 : i32 to vector<16xi32>
        %add3A_174 = arith.addi %get3A_86, %add3A_173 : vector<16xi32>
        %gather3A_175 = tpu.vector_load_idx %arg10[%add3A_174] : memref<40960xf32, #tpu.memory_space<vmem>>[vector<16xi32>], vector<16xf32>,
        %add3A_176 = arith.constant 0 : i32
        %add3A_177 = vector.broadcast %add3A_176 : i32 to vector<16xi32>
        %add3A_178 = arith.addi %get3A_94, %add3A_177 : vector<16xi32>
        %gather3A_179 = tpu.vector_load_idx %arg10[%add3A_178] : memref<40960xf32, #tpu.memory_space<vmem>>[vector<16xi32>], vector<16xf32>,
        %add3A_180 = arith.constant 10240 : i32
        %add3A_181 = vector.broadcast %add3A_180 : i32 to vector<16xi32>
        %add3A_182 = arith.addi %get3A_94, %add3A_181 : vector<16xi32>
        %gather3A_183 = tpu.vector_load_idx %arg10[%add3A_182] : memref<40960xf32, #tpu.memory_space<vmem>>[vector<16xi32>], vector<16xf32>,
        %add3A_184 = arith.constant 20480 : i32
        %add3A_185 = vector.broadcast %add3A_184 : i32 to vector<16xi32>
        %add3A_186 = arith.addi %get3A_94, %add3A_185 : vector<16xi32>
        %gather3A_187 = tpu.vector_load_idx %arg10[%add3A_186] : memref<40960xf32, #tpu.memory_space<vmem>>[vector<16xi32>], vector<16xf32>,
        %add3A_188 = arith.constant 30720 : i32
        %add3A_189 = vector.broadcast %add3A_188 : i32 to vector<16xi32>
        %add3A_190 = arith.addi %get3A_94, %add3A_189 : vector<16xi32>
        %gather3A_191 = tpu.vector_load_idx %arg10[%add3A_190] : memref<40960xf32, #tpu.memory_space<vmem>>[vector<16xi32>], vector<16xf32>,
        %add3A_192 = arith.constant 0 : i32
        %add3A_193 = vector.broadcast %add3A_192 : i32 to vector<16xi32>
        %add3A_194 = arith.addi %get3A_102, %add3A_193 : vector<16xi32>
        %gather3A_195 = tpu.vector_load_idx %arg10[%add3A_194] : memref<40960xf32, #tpu.memory_space<vmem>>[vector<16xi32>], vector<16xf32>,
        %add3A_196 = arith.constant 10240 : i32
        %add3A_197 = vector.broadcast %add3A_196 : i32 to vector<16xi32>
        %add3A_198 = arith.addi %get3A_102, %add3A_197 : vector<16xi32>
        %gather3A_199 = tpu.vector_load_idx %arg10[%add3A_198] : memref<40960xf32, #tpu.memory_space<vmem>>[vector<16xi32>], vector<16xf32>,
        %add3A_200 = arith.constant 20480 : i32
        %add3A_201 = vector.broadcast %add3A_200 : i32 to vector<16xi32>
        %add3A_202 = arith.addi %get3A_102, %add3A_201 : vector<16xi32>
        %gather3A_203 = tpu.vector_load_idx %arg10[%add3A_202] : memref<40960xf32, #tpu.memory_space<vmem>>[vector<16xi32>], vector<16xf32>,
        %add3A_204 = arith.constant 30720 : i32
        %add3A_205 = vector.broadcast %add3A_204 : i32 to vector<16xi32>
        %add3A_206 = arith.addi %get3A_102, %add3A_205 : vector<16xi32>
        %gather3A_207 = tpu.vector_load_idx %arg10[%add3A_206] : memref<40960xf32, #tpu.memory_space<vmem>>[vector<16xi32>], vector<16xf32>,
        %add3A_208 = arith.constant 0 : i32
        %add3A_209 = vector.broadcast %add3A_208 : i32 to vector<16xi32>
        %add3A_210 = arith.addi %get3A_110, %add3A_209 : vector<16xi32>
        %gather3A_211 = tpu.vector_load_idx %arg10[%add3A_210] : memref<40960xf32, #tpu.memory_space<vmem>>[vector<16xi32>], vector<16xf32>,
        %add3A_212 = arith.constant 10240 : i32
        %add3A_213 = vector.broadcast %add3A_212 : i32 to vector<16xi32>
        %add3A_214 = arith.addi %get3A_110, %add3A_213 : vector<16xi32>
        %gather3A_215 = tpu.vector_load_idx %arg10[%add3A_214] : memref<40960xf32, #tpu.memory_space<vmem>>[vector<16xi32>], vector<16xf32>,
        %add3A_216 = arith.constant 20480 : i32
        %add3A_217 = vector.broadcast %add3A_216 : i32 to vector<16xi32>
        %add3A_218 = arith.addi %get3A_110, %add3A_217 : vector<16xi32>
        %gather3A_219 = tpu.vector_load_idx %arg10[%add3A_218] : memref<40960xf32, #tpu.memory_space<vmem>>[vector<16xi32>], vector<16xf32>,
        %add3A_220 = arith.constant 30720 : i32
        %add3A_221 = vector.broadcast %add3A_220 : i32 to vector<16xi32>
        %add3A_222 = arith.addi %get3A_110, %add3A_221 : vector<16xi32>
        %gather3A_223 = tpu.vector_load_idx %arg10[%add3A_222] : memref<40960xf32, #tpu.memory_space<vmem>>[vector<16xi32>], vector<16xf32>,
        %add3A_224 = arith.constant 0 : i32
        %add3A_225 = vector.broadcast %add3A_224 : i32 to vector<16xi32>
        %add3A_226 = arith.addi %get3A_118, %add3A_225 : vector<16xi32>
        %gather3A_227 = tpu.vector_load_idx %arg10[%add3A_226] : memref<40960xf32, #tpu.memory_space<vmem>>[vector<16xi32>], vector<16xf32>,
        %add3A_228 = arith.constant 10240 : i32
        %add3A_229 = vector.broadcast %add3A_228 : i32 to vector<16xi32>
        %add3A_230 = arith.addi %get3A_118, %add3A_229 : vector<16xi32>
        %gather3A_231 = tpu.vector_load_idx %arg10[%add3A_230] : memref<40960xf32, #tpu.memory_space<vmem>>[vector<16xi32>], vector<16xf32>,
        %add3A_232 = arith.constant 20480 : i32
        %add3A_233 = vector.broadcast %add3A_232 : i32 to vector<16xi32>
        %add3A_234 = arith.addi %get3A_118, %add3A_233 : vector<16xi32>
        %gather3A_235 = tpu.vector_load_idx %arg10[%add3A_234] : memref<40960xf32, #tpu.memory_space<vmem>>[vector<16xi32>], vector<16xf32>,
        %add3A_236 = arith.constant 30720 : i32
        %add3A_237 = vector.broadcast %add3A_236 : i32 to vector<16xi32>
        %add3A_238 = arith.addi %get3A_118, %add3A_237 : vector<16xi32>
        %gather3A_239 = tpu.vector_load_idx %arg10[%add3A_238] : memref<40960xf32, #tpu.memory_space<vmem>>[vector<16xi32>], vector<16xf32>,
        %add3A_240 = arith.constant 0 : i32
        %add3A_241 = vector.broadcast %add3A_240 : i32 to vector<16xi32>
        %add3A_242 = arith.addi %get3A_126, %add3A_241 : vector<16xi32>
        %gather3A_243 = tpu.vector_load_idx %arg10[%add3A_242] : memref<40960xf32, #tpu.memory_space<vmem>>[vector<16xi32>], vector<16xf32>,
        %add3A_244 = arith.constant 10240 : i32
        %add3A_245 = vector.broadcast %add3A_244 : i32 to vector<16xi32>
        %add3A_246 = arith.addi %get3A_126, %add3A_245 : vector<16xi32>
        %gather3A_247 = tpu.vector_load_idx %arg10[%add3A_246] : memref<40960xf32, #tpu.memory_space<vmem>>[vector<16xi32>], vector<16xf32>,
        %add3A_248 = arith.constant 20480 : i32
        %add3A_249 = vector.broadcast %add3A_248 : i32 to vector<16xi32>
        %add3A_250 = arith.addi %get3A_126, %add3A_249 : vector<16xi32>
        %gather3A_251 = tpu.vector_load_idx %arg10[%add3A_250] : memref<40960xf32, #tpu.memory_space<vmem>>[vector<16xi32>], vector<16xf32>,
        %add3A_252 = arith.constant 30720 : i32
        %add3A_253 = vector.broadcast %add3A_252 : i32 to vector<16xi32>
        %add3A_254 = arith.addi %get3A_126, %add3A_253 : vector<16xi32>
        %gather3A_255 = tpu.vector_load_idx %arg10[%add3A_254] : memref<40960xf32, #tpu.memory_space<vmem>>[vector<16xi32>], vector<16xf32>,
        %add3A_256 = arith.constant 0 : i32
        %add3A_257 = vector.broadcast %add3A_256 : i32 to vector<16xi32>
        %add3A_258 = arith.addi %get3A_72, %add3A_257 : vector<16xi32>
        tpu.vector_store_idx %arg11[%add3A_258], %gather3A {add = true} : memref<40960xf32, #tpu.memory_space<vmem>>[vector<16xi32>], vector<16xf32>,
        %add3A_259 = arith.constant 10240 : i32
        %add3A_260 = vector.broadcast %add3A_259 : i32 to vector<16xi32>
        %add3A_261 = arith.addi %get3A_72, %add3A_260 : vector<16xi32>
        tpu.vector_store_idx %arg11[%add3A_261], %gather3A_135 {add = true} : memref<40960xf32, #tpu.memory_space<vmem>>[vector<16xi32>], vector<16xf32>,
        %add3A_262 = arith.constant 20480 : i32
        %add3A_263 = vector.broadcast %add3A_262 : i32 to vector<16xi32>
        %add3A_264 = arith.addi %get3A_72, %add3A_263 : vector<16xi32>
        tpu.vector_store_idx %arg11[%add3A_264], %gather3A_139 {add = true} : memref<40960xf32, #tpu.memory_space<vmem>>[vector<16xi32>], vector<16xf32>,
        %add3A_265 = arith.constant 30720 : i32
        %add3A_266 = vector.broadcast %add3A_265 : i32 to vector<16xi32>
        %add3A_267 = arith.addi %get3A_72, %add3A_266 : vector<16xi32>
        tpu.vector_store_idx %arg11[%add3A_267], %gather3A_143 {add = true} : memref<40960xf32, #tpu.memory_space<vmem>>[vector<16xi32>], vector<16xf32>,
        %add3A_268 = arith.constant 0 : i32
        %add3A_269 = vector.broadcast %add3A_268 : i32 to vector<16xi32>
        %add3A_270 = arith.addi %get3A_80, %add3A_269 : vector<16xi32>
        tpu.vector_store_idx %arg11[%add3A_270], %gather3A_147 {add = true} : memref<40960xf32, #tpu.memory_space<vmem>>[vector<16xi32>], vector<16xf32>,
        %add3A_271 = arith.constant 10240 : i32
        %add3A_272 = vector.broadcast %add3A_271 : i32 to vector<16xi32>
        %add3A_273 = arith.addi %get3A_80, %add3A_272 : vector<16xi32>
        tpu.vector_store_idx %arg11[%add3A_273], %gather3A_151 {add = true} : memref<40960xf32, #tpu.memory_space<vmem>>[vector<16xi32>], vector<16xf32>,
        %add3A_274 = arith.constant 20480 : i32
        %add3A_275 = vector.broadcast %add3A_274 : i32 to vector<16xi32>
        %add3A_276 = arith.addi %get3A_80, %add3A_275 : vector<16xi32>
        tpu.vector_store_idx %arg11[%add3A_276], %gather3A_155 {add = true} : memref<40960xf32, #tpu.memory_space<vmem>>[vector<16xi32>], vector<16xf32>,
        %add3A_277 = arith.constant 30720 : i32
        %add3A_278 = vector.broadcast %add3A_277 : i32 to vector<16xi32>
        %add3A_279 = arith.addi %get3A_80, %add3A_278 : vector<16xi32>
        tpu.vector_store_idx %arg11[%add3A_279], %gather3A_159 {add = true} : memref<40960xf32, #tpu.memory_space<vmem>>[vector<16xi32>], vector<16xf32>,
        %add3A_280 = arith.constant 0 : i32
        %add3A_281 = vector.broadcast %add3A_280 : i32 to vector<16xi32>
        %add3A_282 = arith.addi %get3A_88, %add3A_281 : vector<16xi32>
        tpu.vector_store_idx %arg11[%add3A_282], %gather3A_163 {add = true} : memref<40960xf32, #tpu.memory_space<vmem>>[vector<16xi32>], vector<16xf32>,
        %add3A_283 = arith.constant 10240 : i32
        %add3A_284 = vector.broadcast %add3A_283 : i32 to vector<16xi32>
        %add3A_285 = arith.addi %get3A_88, %add3A_284 : vector<16xi32>
        tpu.vector_store_idx %arg11[%add3A_285], %gather3A_167 {add = true} : memref<40960xf32, #tpu.memory_space<vmem>>[vector<16xi32>], vector<16xf32>,
        %add3A_286 = arith.constant 20480 : i32
        %add3A_287 = vector.broadcast %add3A_286 : i32 to vector<16xi32>
        %add3A_288 = arith.addi %get3A_88, %add3A_287 : vector<16xi32>
        tpu.vector_store_idx %arg11[%add3A_288], %gather3A_171 {add = true} : memref<40960xf32, #tpu.memory_space<vmem>>[vector<16xi32>], vector<16xf32>,
        %add3A_289 = arith.constant 30720 : i32
        %add3A_290 = vector.broadcast %add3A_289 : i32 to vector<16xi32>
        %add3A_291 = arith.addi %get3A_88, %add3A_290 : vector<16xi32>
        tpu.vector_store_idx %arg11[%add3A_291], %gather3A_175 {add = true} : memref<40960xf32, #tpu.memory_space<vmem>>[vector<16xi32>], vector<16xf32>,
        %add3A_292 = arith.constant 0 : i32
        %add3A_293 = vector.broadcast %add3A_292 : i32 to vector<16xi32>
        %add3A_294 = arith.addi %get3A_96, %add3A_293 : vector<16xi32>
        tpu.vector_store_idx %arg11[%add3A_294], %gather3A_179 {add = true} : memref<40960xf32, #tpu.memory_space<vmem>>[vector<16xi32>], vector<16xf32>,
        %add3A_295 = arith.constant 10240 : i32
        %add3A_296 = vector.broadcast %add3A_295 : i32 to vector<16xi32>
        %add3A_297 = arith.addi %get3A_96, %add3A_296 : vector<16xi32>
        tpu.vector_store_idx %arg11[%add3A_297], %gather3A_183 {add = true} : memref<40960xf32, #tpu.memory_space<vmem>>[vector<16xi32>], vector<16xf32>,
        %add3A_298 = arith.constant 20480 : i32
        %add3A_299 = vector.broadcast %add3A_298 : i32 to vector<16xi32>
        %add3A_300 = arith.addi %get3A_96, %add3A_299 : vector<16xi32>
        tpu.vector_store_idx %arg11[%add3A_300], %gather3A_187 {add = true} : memref<40960xf32, #tpu.memory_space<vmem>>[vector<16xi32>], vector<16xf32>,
        %add3A_301 = arith.constant 30720 : i32
        %add3A_302 = vector.broadcast %add3A_301 : i32 to vector<16xi32>
        %add3A_303 = arith.addi %get3A_96, %add3A_302 : vector<16xi32>
        tpu.vector_store_idx %arg11[%add3A_303], %gather3A_191 {add = true} : memref<40960xf32, #tpu.memory_space<vmem>>[vector<16xi32>], vector<16xf32>,
        %add3A_304 = arith.constant 0 : i32
        %add3A_305 = vector.broadcast %add3A_304 : i32 to vector<16xi32>
        %add3A_306 = arith.addi %get3A_104, %add3A_305 : vector<16xi32>
        tpu.vector_store_idx %arg11[%add3A_306], %gather3A_195 {add = true} : memref<40960xf32, #tpu.memory_space<vmem>>[vector<16xi32>], vector<16xf32>,
        %add3A_307 = arith.constant 10240 : i32
        %add3A_308 = vector.broadcast %add3A_307 : i32 to vector<16xi32>
        %add3A_309 = arith.addi %get3A_104, %add3A_308 : vector<16xi32>
        tpu.vector_store_idx %arg11[%add3A_309], %gather3A_199 {add = true} : memref<40960xf32, #tpu.memory_space<vmem>>[vector<16xi32>], vector<16xf32>,
        %add3A_310 = arith.constant 20480 : i32
        %add3A_311 = vector.broadcast %add3A_310 : i32 to vector<16xi32>
        %add3A_312 = arith.addi %get3A_104, %add3A_311 : vector<16xi32>
        tpu.vector_store_idx %arg11[%add3A_312], %gather3A_203 {add = true} : memref<40960xf32, #tpu.memory_space<vmem>>[vector<16xi32>], vector<16xf32>,
        %add3A_313 = arith.constant 30720 : i32
        %add3A_314 = vector.broadcast %add3A_313 : i32 to vector<16xi32>
        %add3A_315 = arith.addi %get3A_104, %add3A_314 : vector<16xi32>
        tpu.vector_store_idx %arg11[%add3A_315], %gather3A_207 {add = true} : memref<40960xf32, #tpu.memory_space<vmem>>[vector<16xi32>], vector<16xf32>,
        %add3A_316 = arith.constant 0 : i32
        %add3A_317 = vector.broadcast %add3A_316 : i32 to vector<16xi32>
        %add3A_318 = arith.addi %get3A_112, %add3A_317 : vector<16xi32>
        tpu.vector_store_idx %arg11[%add3A_318], %gather3A_211 {add = true} : memref<40960xf32, #tpu.memory_space<vmem>>[vector<16xi32>], vector<16xf32>,
        %add3A_319 = arith.constant 10240 : i32
        %add3A_320 = vector.broadcast %add3A_319 : i32 to vector<16xi32>
        %add3A_321 = arith.addi %get3A_112, %add3A_320 : vector<16xi32>
        tpu.vector_store_idx %arg11[%add3A_321], %gather3A_215 {add = true} : memref<40960xf32, #tpu.memory_space<vmem>>[vector<16xi32>], vector<16xf32>,
        %add3A_322 = arith.constant 20480 : i32
        %add3A_323 = vector.broadcast %add3A_322 : i32 to vector<16xi32>
        %add3A_324 = arith.addi %get3A_112, %add3A_323 : vector<16xi32>
        tpu.vector_store_idx %arg11[%add3A_324], %gather3A_219 {add = true} : memref<40960xf32, #tpu.memory_space<vmem>>[vector<16xi32>], vector<16xf32>,
        %add3A_325 = arith.constant 30720 : i32
        %add3A_326 = vector.broadcast %add3A_325 : i32 to vector<16xi32>
        %add3A_327 = arith.addi %get3A_112, %add3A_326 : vector<16xi32>
        tpu.vector_store_idx %arg11[%add3A_327], %gather3A_223 {add = true} : memref<40960xf32, #tpu.memory_space<vmem>>[vector<16xi32>], vector<16xf32>,
        %add3A_328 = arith.constant 0 : i32
        %add3A_329 = vector.broadcast %add3A_328 : i32 to vector<16xi32>
        %add3A_330 = arith.addi %get3A_120, %add3A_329 : vector<16xi32>
        tpu.vector_store_idx %arg11[%add3A_330], %gather3A_227 {add = true} : memref<40960xf32, #tpu.memory_space<vmem>>[vector<16xi32>], vector<16xf32>,
        %add3A_331 = arith.constant 10240 : i32
        %add3A_332 = vector.broadcast %add3A_331 : i32 to vector<16xi32>
        %add3A_333 = arith.addi %get3A_120, %add3A_332 : vector<16xi32>
        tpu.vector_store_idx %arg11[%add3A_333], %gather3A_231 {add = true} : memref<40960xf32, #tpu.memory_space<vmem>>[vector<16xi32>], vector<16xf32>,
        %add3A_334 = arith.constant 20480 : i32
        %add3A_335 = vector.broadcast %add3A_334 : i32 to vector<16xi32>
        %add3A_336 = arith.addi %get3A_120, %add3A_335 : vector<16xi32>
        tpu.vector_store_idx %arg11[%add3A_336], %gather3A_235 {add = true} : memref<40960xf32, #tpu.memory_space<vmem>>[vector<16xi32>], vector<16xf32>,
        %add3A_337 = arith.constant 30720 : i32
        %add3A_338 = vector.broadcast %add3A_337 : i32 to vector<16xi32>
        %add3A_339 = arith.addi %get3A_120, %add3A_338 : vector<16xi32>
        tpu.vector_store_idx %arg11[%add3A_339], %gather3A_239 {add = true} : memref<40960xf32, #tpu.memory_space<vmem>>[vector<16xi32>], vector<16xf32>,
        %add3A_340 = arith.constant 0 : i32
        %add3A_341 = vector.broadcast %add3A_340 : i32 to vector<16xi32>
        %add3A_342 = arith.addi %get3A_128, %add3A_341 : vector<16xi32>
        tpu.vector_store_idx %arg11[%add3A_342], %gather3A_243 {add = true} : memref<40960xf32, #tpu.memory_space<vmem>>[vector<16xi32>], vector<16xf32>,
        %add3A_343 = arith.constant 10240 : i32
        %add3A_344 = vector.broadcast %add3A_343 : i32 to vector<16xi32>
        %add3A_345 = arith.addi %get3A_128, %add3A_344 : vector<16xi32>
        tpu.vector_store_idx %arg11[%add3A_345], %gather3A_247 {add = true} : memref<40960xf32, #tpu.memory_space<vmem>>[vector<16xi32>], vector<16xf32>,
        %add3A_346 = arith.constant 20480 : i32
        %add3A_347 = vector.broadcast %add3A_346 : i32 to vector<16xi32>
        %add3A_348 = arith.addi %get3A_128, %add3A_347 : vector<16xi32>
        tpu.vector_store_idx %arg11[%add3A_348], %gather3A_251 {add = true} : memref<40960xf32, #tpu.memory_space<vmem>>[vector<16xi32>], vector<16xf32>,
        %add3A_349 = arith.constant 30720 : i32
        %add3A_350 = vector.broadcast %add3A_349 : i32 to vector<16xi32>
        %add3A_351 = arith.addi %get3A_128, %add3A_350 : vector<16xi32>
        tpu.vector_store_idx %arg11[%add3A_351], %gather3A_255 {add = true} : memref<40960xf32, #tpu.memory_space<vmem>>[vector<16xi32>], vector<16xf32>,
      }
      %scan3A_40 = arith.constant 50 : i32
      %add3A_41 = arith.constant 2 : i32
      %add3A_42 = arith.addi %mul3A_28, %add3A_41 : i32
      %lt3A = arith.constant 50 : i32
      %lt3A_43 = arith.cmpi slt, %add3A_42, %lt3A : i32
      %convert_element_type3A = arith.extui %lt3A_43 : i1 to i32
      %cond3A = arith.constant 0 : i32
      %cond3A_44 = arith.cmpi ne, %convert_element_type3A, %cond3A : i32
      scf.if %cond3A_44 {
        %add3A_65 = arith.constant 2 : i32
        %add3A_66 = arith.addi %mul3A_28, %add3A_65 : i32
        %mul3A_67 = arith.constant 6400 : i32
        %mul3A_68 = arith.muli %add3A_66, %mul3A_67 : i32
        %dma_start3A_69 = tpu.memref_slice %arg3[%mul3A_68] : memref<320000xi32, #tpu.memory_space<hbm>> -> memref<6400xi32, #tpu.memory_space<hbm>>
        %dma_start3A_70 = tpu.memref_slice %arg3[%mul3A_68] : memref<320000xi32, #tpu.memory_space<hbm>> -> memref<6400xi32, #tpu.memory_space<hbm>>
        tpu.enqueue_dma source(%dma_start3A_70 : memref<6400xi32, #tpu.memory_space<hbm>>) target(%arg6 : memref<6400xi32, #tpu.memory_space<vmem>>) target_semaphore(%arg12 : memref<!tpu.dma_semaphore, #tpu.memory_space<semaphore_mem>>)
        %mul3A_71 = arith.constant 6400 : i32
        %mul3A_72 = arith.muli %add3A_66, %mul3A_71 : i32
        %dma_start3A_73 = tpu.memref_slice %arg4[%mul3A_72] : memref<320000xi32, #tpu.memory_space<hbm>> -> memref<6400xi32, #tpu.memory_space<hbm>>
        %dma_start3A_74 = tpu.memref_slice %arg4[%mul3A_72] : memref<320000xi32, #tpu.memory_space<hbm>> -> memref<6400xi32, #tpu.memory_space<hbm>>
        tpu.enqueue_dma source(%dma_start3A_74 : memref<6400xi32, #tpu.memory_space<hbm>>) target(%arg8 : memref<6400xi32, #tpu.memory_space<vmem>>) target_semaphore(%arg14 : memref<!tpu.dma_semaphore, #tpu.memory_space<semaphore_mem>>)
      } else {
      }
      %dma_wait3A_45 = arith.constant 0 : i32
      %dma_wait3A_46 = tpu.memref_slice %arg3[%dma_wait3A_45] : memref<320000xi32, #tpu.memory_space<hbm>> -> memref<6400xi32, #tpu.memory_space<hbm>>
      %dma_wait3A_47 = arith.constant 0 : i32
      %dma_wait3A_48 = tpu.memref_slice %arg3[%dma_wait3A_47] : memref<320000xi32, #tpu.memory_space<hbm>> -> memref<6400xi32, #tpu.memory_space<hbm>>
      tpu.wait_dma2 semaphore(%arg13 : memref<!tpu.dma_semaphore, #tpu.memory_space<semaphore_mem>>) src(%dma_wait3A_48 : memref<6400xi32, #tpu.memory_space<hbm>>) dst(%arg7 : memref<6400xi32, #tpu.memory_space<vmem>>)
      %dma_wait3A_49 = arith.constant 0 : i32
      %dma_wait3A_50 = tpu.memref_slice %arg4[%dma_wait3A_49] : memref<320000xi32, #tpu.memory_space<hbm>> -> memref<6400xi32, #tpu.memory_space<hbm>>
      %dma_wait3A_51 = arith.constant 0 : i32
      %dma_wait3A_52 = tpu.memref_slice %arg4[%dma_wait3A_51] : memref<320000xi32, #tpu.memory_space<hbm>> -> memref<6400xi32, #tpu.memory_space<hbm>>
      tpu.wait_dma2 semaphore(%arg15 : memref<!tpu.dma_semaphore, #tpu.memory_space<semaphore_mem>>) src(%dma_wait3A_52 : memref<6400xi32, #tpu.memory_space<hbm>>) dst(%arg9 : memref<6400xi32, #tpu.memory_space<vmem>>)
      %scan3A_53 = arith.constant 0 : i32
      %scan3A_54 = arith.constant 50 : i32
      %scan3A_55 = arith.addi %scan3A_53, %scan3A_54 : i32
      %scan3A_56 = arith.constant 1 : i32
      scf.for %scan3A_65 = %scan3A_53 to %scan3A_55 step %scan3A_56  : i32 {
        %mul3A_66 = arith.constant 128 : i32
        %mul3A_67 = arith.muli %scan3A_65, %mul3A_66 : i32
        %add3A_68 = arith.constant 0 : i32
        %add3A_69 = arith.addi %mul3A_67, %add3A_68 : i32
        %get3A = arith.index_cast %add3A_69 : i32 to index
        %get3A_70 = tpu.vector_load %arg7[%get3A] {strides = array<i32>} : memref<6400xi32, #tpu.memory_space<vmem>>, vector<16xi32>,
        %get3A_71 = arith.index_cast %add3A_69 : i32 to index
        %get3A_72 = tpu.vector_load %arg9[%get3A_71] {strides = array<i32>} : memref<6400xi32, #tpu.memory_space<vmem>>, vector<16xi32>,
        %mul3A_73 = arith.constant 128 : i32
        %mul3A_74 = arith.muli %scan3A_65, %mul3A_73 : i32
        %add3A_75 = arith.constant 16 : i32
        %add3A_76 = arith.addi %mul3A_74, %add3A_75 : i32
        %get3A_77 = arith.index_cast %add3A_76 : i32 to index
        %get3A_78 = tpu.vector_load %arg7[%get3A_77] {strides = array<i32>} : memref<6400xi32, #tpu.memory_space<vmem>>, vector<16xi32>,
        %get3A_79 = arith.index_cast %add3A_76 : i32 to index
        %get3A_80 = tpu.vector_load %arg9[%get3A_79] {strides = array<i32>} : memref<6400xi32, #tpu.memory_space<vmem>>, vector<16xi32>,
        %mul3A_81 = arith.constant 128 : i32
        %mul3A_82 = arith.muli %scan3A_65, %mul3A_81 : i32
        %add3A_83 = arith.constant 32 : i32
        %add3A_84 = arith.addi %mul3A_82, %add3A_83 : i32
        %get3A_85 = arith.index_cast %add3A_84 : i32 to index
        %get3A_86 = tpu.vector_load %arg7[%get3A_85] {strides = array<i32>} : memref<6400xi32, #tpu.memory_space<vmem>>, vector<16xi32>,
        %get3A_87 = arith.index_cast %add3A_84 : i32 to index
        %get3A_88 = tpu.vector_load %arg9[%get3A_87] {strides = array<i32>} : memref<6400xi32, #tpu.memory_space<vmem>>, vector<16xi32>,
        %mul3A_89 = arith.constant 128 : i32
        %mul3A_90 = arith.muli %scan3A_65, %mul3A_89 : i32
        %add3A_91 = arith.constant 48 : i32
        %add3A_92 = arith.addi %mul3A_90, %add3A_91 : i32
        %get3A_93 = arith.index_cast %add3A_92 : i32 to index
        %get3A_94 = tpu.vector_load %arg7[%get3A_93] {strides = array<i32>} : memref<6400xi32, #tpu.memory_space<vmem>>, vector<16xi32>,
        %get3A_95 = arith.index_cast %add3A_92 : i32 to index
        %get3A_96 = tpu.vector_load %arg9[%get3A_95] {strides = array<i32>} : memref<6400xi32, #tpu.memory_space<vmem>>, vector<16xi32>,
        %mul3A_97 = arith.constant 128 : i32
        %mul3A_98 = arith.muli %scan3A_65, %mul3A_97 : i32
        %add3A_99 = arith.constant 64 : i32
        %add3A_100 = arith.addi %mul3A_98, %add3A_99 : i32
        %get3A_101 = arith.index_cast %add3A_100 : i32 to index
        %get3A_102 = tpu.vector_load %arg7[%get3A_101] {strides = array<i32>} : memref<6400xi32, #tpu.memory_space<vmem>>, vector<16xi32>,
        %get3A_103 = arith.index_cast %add3A_100 : i32 to index
        %get3A_104 = tpu.vector_load %arg9[%get3A_103] {strides = array<i32>} : memref<6400xi32, #tpu.memory_space<vmem>>, vector<16xi32>,
        %mul3A_105 = arith.constant 128 : i32
        %mul3A_106 = arith.muli %scan3A_65, %mul3A_105 : i32
        %add3A_107 = arith.constant 80 : i32
        %add3A_108 = arith.addi %mul3A_106, %add3A_107 : i32
        %get3A_109 = arith.index_cast %add3A_108 : i32 to index
        %get3A_110 = tpu.vector_load %arg7[%get3A_109] {strides = array<i32>} : memref<6400xi32, #tpu.memory_space<vmem>>, vector<16xi32>,
        %get3A_111 = arith.index_cast %add3A_108 : i32 to index
        %get3A_112 = tpu.vector_load %arg9[%get3A_111] {strides = array<i32>} : memref<6400xi32, #tpu.memory_space<vmem>>, vector<16xi32>,
        %mul3A_113 = arith.constant 128 : i32
        %mul3A_114 = arith.muli %scan3A_65, %mul3A_113 : i32
        %add3A_115 = arith.constant 96 : i32
        %add3A_116 = arith.addi %mul3A_114, %add3A_115 : i32
        %get3A_117 = arith.index_cast %add3A_116 : i32 to index
        %get3A_118 = tpu.vector_load %arg7[%get3A_117] {strides = array<i32>} : memref<6400xi32, #tpu.memory_space<vmem>>, vector<16xi32>,
        %get3A_119 = arith.index_cast %add3A_116 : i32 to index
        %get3A_120 = tpu.vector_load %arg9[%get3A_119] {strides = array<i32>} : memref<6400xi32, #tpu.memory_space<vmem>>, vector<16xi32>,
        %mul3A_121 = arith.constant 128 : i32
        %mul3A_122 = arith.muli %scan3A_65, %mul3A_121 : i32
        %add3A_123 = arith.constant 112 : i32
        %add3A_124 = arith.addi %mul3A_122, %add3A_123 : i32
        %get3A_125 = arith.index_cast %add3A_124 : i32 to index
        %get3A_126 = tpu.vector_load %arg7[%get3A_125] {strides = array<i32>} : memref<6400xi32, #tpu.memory_space<vmem>>, vector<16xi32>,
        %get3A_127 = arith.index_cast %add3A_124 : i32 to index
        %get3A_128 = tpu.vector_load %arg9[%get3A_127] {strides = array<i32>} : memref<6400xi32, #tpu.memory_space<vmem>>, vector<16xi32>,
        %add3A_129 = arith.constant 0 : i32
        %add3A_130 = vector.broadcast %add3A_129 : i32 to vector<16xi32>
        %add3A_131 = arith.addi %get3A_70, %add3A_130 : vector<16xi32>
        %gather3A = tpu.vector_load_idx %arg10[%add3A_131] : memref<40960xf32, #tpu.memory_space<vmem>>[vector<16xi32>], vector<16xf32>,
        %add3A_132 = arith.constant 10240 : i32
        %add3A_133 = vector.broadcast %add3A_132 : i32 to vector<16xi32>
        %add3A_134 = arith.addi %get3A_70, %add3A_133 : vector<16xi32>
        %gather3A_135 = tpu.vector_load_idx %arg10[%add3A_134] : memref<40960xf32, #tpu.memory_space<vmem>>[vector<16xi32>], vector<16xf32>,
        %add3A_136 = arith.constant 20480 : i32
        %add3A_137 = vector.broadcast %add3A_136 : i32 to vector<16xi32>
        %add3A_138 = arith.addi %get3A_70, %add3A_137 : vector<16xi32>
        %gather3A_139 = tpu.vector_load_idx %arg10[%add3A_138] : memref<40960xf32, #tpu.memory_space<vmem>>[vector<16xi32>], vector<16xf32>,
        %add3A_140 = arith.constant 30720 : i32
        %add3A_141 = vector.broadcast %add3A_140 : i32 to vector<16xi32>
        %add3A_142 = arith.addi %get3A_70, %add3A_141 : vector<16xi32>
        %gather3A_143 = tpu.vector_load_idx %arg10[%add3A_142] : memref<40960xf32, #tpu.memory_space<vmem>>[vector<16xi32>], vector<16xf32>,
        %add3A_144 = arith.constant 0 : i32
        %add3A_145 = vector.broadcast %add3A_144 : i32 to vector<16xi32>
        %add3A_146 = arith.addi %get3A_78, %add3A_145 : vector<16xi32>
        %gather3A_147 = tpu.vector_load_idx %arg10[%add3A_146] : memref<40960xf32, #tpu.memory_space<vmem>>[vector<16xi32>], vector<16xf32>,
        %add3A_148 = arith.constant 10240 : i32
        %add3A_149 = vector.broadcast %add3A_148 : i32 to vector<16xi32>
        %add3A_150 = arith.addi %get3A_78, %add3A_149 : vector<16xi32>
        %gather3A_151 = tpu.vector_load_idx %arg10[%add3A_150] : memref<40960xf32, #tpu.memory_space<vmem>>[vector<16xi32>], vector<16xf32>,
        %add3A_152 = arith.constant 20480 : i32
        %add3A_153 = vector.broadcast %add3A_152 : i32 to vector<16xi32>
        %add3A_154 = arith.addi %get3A_78, %add3A_153 : vector<16xi32>
        %gather3A_155 = tpu.vector_load_idx %arg10[%add3A_154] : memref<40960xf32, #tpu.memory_space<vmem>>[vector<16xi32>], vector<16xf32>,
        %add3A_156 = arith.constant 30720 : i32
        %add3A_157 = vector.broadcast %add3A_156 : i32 to vector<16xi32>
        %add3A_158 = arith.addi %get3A_78, %add3A_157 : vector<16xi32>
        %gather3A_159 = tpu.vector_load_idx %arg10[%add3A_158] : memref<40960xf32, #tpu.memory_space<vmem>>[vector<16xi32>], vector<16xf32>,
        %add3A_160 = arith.constant 0 : i32
        %add3A_161 = vector.broadcast %add3A_160 : i32 to vector<16xi32>
        %add3A_162 = arith.addi %get3A_86, %add3A_161 : vector<16xi32>
        %gather3A_163 = tpu.vector_load_idx %arg10[%add3A_162] : memref<40960xf32, #tpu.memory_space<vmem>>[vector<16xi32>], vector<16xf32>,
        %add3A_164 = arith.constant 10240 : i32
        %add3A_165 = vector.broadcast %add3A_164 : i32 to vector<16xi32>
        %add3A_166 = arith.addi %get3A_86, %add3A_165 : vector<16xi32>
        %gather3A_167 = tpu.vector_load_idx %arg10[%add3A_166] : memref<40960xf32, #tpu.memory_space<vmem>>[vector<16xi32>], vector<16xf32>,
        %add3A_168 = arith.constant 20480 : i32
        %add3A_169 = vector.broadcast %add3A_168 : i32 to vector<16xi32>
        %add3A_170 = arith.addi %get3A_86, %add3A_169 : vector<16xi32>
        %gather3A_171 = tpu.vector_load_idx %arg10[%add3A_170] : memref<40960xf32, #tpu.memory_space<vmem>>[vector<16xi32>], vector<16xf32>,
        %add3A_172 = arith.constant 30720 : i32
        %add3A_173 = vector.broadcast %add3A_172 : i32 to vector<16xi32>
        %add3A_174 = arith.addi %get3A_86, %add3A_173 : vector<16xi32>
        %gather3A_175 = tpu.vector_load_idx %arg10[%add3A_174] : memref<40960xf32, #tpu.memory_space<vmem>>[vector<16xi32>], vector<16xf32>,
        %add3A_176 = arith.constant 0 : i32
        %add3A_177 = vector.broadcast %add3A_176 : i32 to vector<16xi32>
        %add3A_178 = arith.addi %get3A_94, %add3A_177 : vector<16xi32>
        %gather3A_179 = tpu.vector_load_idx %arg10[%add3A_178] : memref<40960xf32, #tpu.memory_space<vmem>>[vector<16xi32>], vector<16xf32>,
        %add3A_180 = arith.constant 10240 : i32
        %add3A_181 = vector.broadcast %add3A_180 : i32 to vector<16xi32>
        %add3A_182 = arith.addi %get3A_94, %add3A_181 : vector<16xi32>
        %gather3A_183 = tpu.vector_load_idx %arg10[%add3A_182] : memref<40960xf32, #tpu.memory_space<vmem>>[vector<16xi32>], vector<16xf32>,
        %add3A_184 = arith.constant 20480 : i32
        %add3A_185 = vector.broadcast %add3A_184 : i32 to vector<16xi32>
        %add3A_186 = arith.addi %get3A_94, %add3A_185 : vector<16xi32>
        %gather3A_187 = tpu.vector_load_idx %arg10[%add3A_186] : memref<40960xf32, #tpu.memory_space<vmem>>[vector<16xi32>], vector<16xf32>,
        %add3A_188 = arith.constant 30720 : i32
        %add3A_189 = vector.broadcast %add3A_188 : i32 to vector<16xi32>
        %add3A_190 = arith.addi %get3A_94, %add3A_189 : vector<16xi32>
        %gather3A_191 = tpu.vector_load_idx %arg10[%add3A_190] : memref<40960xf32, #tpu.memory_space<vmem>>[vector<16xi32>], vector<16xf32>,
        %add3A_192 = arith.constant 0 : i32
        %add3A_193 = vector.broadcast %add3A_192 : i32 to vector<16xi32>
        %add3A_194 = arith.addi %get3A_102, %add3A_193 : vector<16xi32>
        %gather3A_195 = tpu.vector_load_idx %arg10[%add3A_194] : memref<40960xf32, #tpu.memory_space<vmem>>[vector<16xi32>], vector<16xf32>,
        %add3A_196 = arith.constant 10240 : i32
        %add3A_197 = vector.broadcast %add3A_196 : i32 to vector<16xi32>
        %add3A_198 = arith.addi %get3A_102, %add3A_197 : vector<16xi32>
        %gather3A_199 = tpu.vector_load_idx %arg10[%add3A_198] : memref<40960xf32, #tpu.memory_space<vmem>>[vector<16xi32>], vector<16xf32>,
        %add3A_200 = arith.constant 20480 : i32
        %add3A_201 = vector.broadcast %add3A_200 : i32 to vector<16xi32>
        %add3A_202 = arith.addi %get3A_102, %add3A_201 : vector<16xi32>
        %gather3A_203 = tpu.vector_load_idx %arg10[%add3A_202] : memref<40960xf32, #tpu.memory_space<vmem>>[vector<16xi32>], vector<16xf32>,
        %add3A_204 = arith.constant 30720 : i32
        %add3A_205 = vector.broadcast %add3A_204 : i32 to vector<16xi32>
        %add3A_206 = arith.addi %get3A_102, %add3A_205 : vector<16xi32>
        %gather3A_207 = tpu.vector_load_idx %arg10[%add3A_206] : memref<40960xf32, #tpu.memory_space<vmem>>[vector<16xi32>], vector<16xf32>,
        %add3A_208 = arith.constant 0 : i32
        %add3A_209 = vector.broadcast %add3A_208 : i32 to vector<16xi32>
        %add3A_210 = arith.addi %get3A_110, %add3A_209 : vector<16xi32>
        %gather3A_211 = tpu.vector_load_idx %arg10[%add3A_210] : memref<40960xf32, #tpu.memory_space<vmem>>[vector<16xi32>], vector<16xf32>,
        %add3A_212 = arith.constant 10240 : i32
        %add3A_213 = vector.broadcast %add3A_212 : i32 to vector<16xi32>
        %add3A_214 = arith.addi %get3A_110, %add3A_213 : vector<16xi32>
        %gather3A_215 = tpu.vector_load_idx %arg10[%add3A_214] : memref<40960xf32, #tpu.memory_space<vmem>>[vector<16xi32>], vector<16xf32>,
        %add3A_216 = arith.constant 20480 : i32
        %add3A_217 = vector.broadcast %add3A_216 : i32 to vector<16xi32>
        %add3A_218 = arith.addi %get3A_110, %add3A_217 : vector<16xi32>
        %gather3A_219 = tpu.vector_load_idx %arg10[%add3A_218] : memref<40960xf32, #tpu.memory_space<vmem>>[vector<16xi32>], vector<16xf32>,
        %add3A_220 = arith.constant 30720 : i32
        %add3A_221 = vector.broadcast %add3A_220 : i32 to vector<16xi32>
        %add3A_222 = arith.addi %get3A_110, %add3A_221 : vector<16xi32>
        %gather3A_223 = tpu.vector_load_idx %arg10[%add3A_222] : memref<40960xf32, #tpu.memory_space<vmem>>[vector<16xi32>], vector<16xf32>,
        %add3A_224 = arith.constant 0 : i32
        %add3A_225 = vector.broadcast %add3A_224 : i32 to vector<16xi32>
        %add3A_226 = arith.addi %get3A_118, %add3A_225 : vector<16xi32>
        %gather3A_227 = tpu.vector_load_idx %arg10[%add3A_226] : memref<40960xf32, #tpu.memory_space<vmem>>[vector<16xi32>], vector<16xf32>,
        %add3A_228 = arith.constant 10240 : i32
        %add3A_229 = vector.broadcast %add3A_228 : i32 to vector<16xi32>
        %add3A_230 = arith.addi %get3A_118, %add3A_229 : vector<16xi32>
        %gather3A_231 = tpu.vector_load_idx %arg10[%add3A_230] : memref<40960xf32, #tpu.memory_space<vmem>>[vector<16xi32>], vector<16xf32>,
        %add3A_232 = arith.constant 20480 : i32
        %add3A_233 = vector.broadcast %add3A_232 : i32 to vector<16xi32>
        %add3A_234 = arith.addi %get3A_118, %add3A_233 : vector<16xi32>
        %gather3A_235 = tpu.vector_load_idx %arg10[%add3A_234] : memref<40960xf32, #tpu.memory_space<vmem>>[vector<16xi32>], vector<16xf32>,
        %add3A_236 = arith.constant 30720 : i32
        %add3A_237 = vector.broadcast %add3A_236 : i32 to vector<16xi32>
        %add3A_238 = arith.addi %get3A_118, %add3A_237 : vector<16xi32>
        %gather3A_239 = tpu.vector_load_idx %arg10[%add3A_238] : memref<40960xf32, #tpu.memory_space<vmem>>[vector<16xi32>], vector<16xf32>,
        %add3A_240 = arith.constant 0 : i32
        %add3A_241 = vector.broadcast %add3A_240 : i32 to vector<16xi32>
        %add3A_242 = arith.addi %get3A_126, %add3A_241 : vector<16xi32>
        %gather3A_243 = tpu.vector_load_idx %arg10[%add3A_242] : memref<40960xf32, #tpu.memory_space<vmem>>[vector<16xi32>], vector<16xf32>,
        %add3A_244 = arith.constant 10240 : i32
        %add3A_245 = vector.broadcast %add3A_244 : i32 to vector<16xi32>
        %add3A_246 = arith.addi %get3A_126, %add3A_245 : vector<16xi32>
        %gather3A_247 = tpu.vector_load_idx %arg10[%add3A_246] : memref<40960xf32, #tpu.memory_space<vmem>>[vector<16xi32>], vector<16xf32>,
        %add3A_248 = arith.constant 20480 : i32
        %add3A_249 = vector.broadcast %add3A_248 : i32 to vector<16xi32>
        %add3A_250 = arith.addi %get3A_126, %add3A_249 : vector<16xi32>
        %gather3A_251 = tpu.vector_load_idx %arg10[%add3A_250] : memref<40960xf32, #tpu.memory_space<vmem>>[vector<16xi32>], vector<16xf32>,
        %add3A_252 = arith.constant 30720 : i32
        %add3A_253 = vector.broadcast %add3A_252 : i32 to vector<16xi32>
        %add3A_254 = arith.addi %get3A_126, %add3A_253 : vector<16xi32>
        %gather3A_255 = tpu.vector_load_idx %arg10[%add3A_254] : memref<40960xf32, #tpu.memory_space<vmem>>[vector<16xi32>], vector<16xf32>,
        %add3A_256 = arith.constant 0 : i32
        %add3A_257 = vector.broadcast %add3A_256 : i32 to vector<16xi32>
        %add3A_258 = arith.addi %get3A_72, %add3A_257 : vector<16xi32>
        tpu.vector_store_idx %arg11[%add3A_258], %gather3A {add = true} : memref<40960xf32, #tpu.memory_space<vmem>>[vector<16xi32>], vector<16xf32>,
        %add3A_259 = arith.constant 10240 : i32
        %add3A_260 = vector.broadcast %add3A_259 : i32 to vector<16xi32>
        %add3A_261 = arith.addi %get3A_72, %add3A_260 : vector<16xi32>
        tpu.vector_store_idx %arg11[%add3A_261], %gather3A_135 {add = true} : memref<40960xf32, #tpu.memory_space<vmem>>[vector<16xi32>], vector<16xf32>,
        %add3A_262 = arith.constant 20480 : i32
        %add3A_263 = vector.broadcast %add3A_262 : i32 to vector<16xi32>
        %add3A_264 = arith.addi %get3A_72, %add3A_263 : vector<16xi32>
        tpu.vector_store_idx %arg11[%add3A_264], %gather3A_139 {add = true} : memref<40960xf32, #tpu.memory_space<vmem>>[vector<16xi32>], vector<16xf32>,
        %add3A_265 = arith.constant 30720 : i32
        %add3A_266 = vector.broadcast %add3A_265 : i32 to vector<16xi32>
        %add3A_267 = arith.addi %get3A_72, %add3A_266 : vector<16xi32>
        tpu.vector_store_idx %arg11[%add3A_267], %gather3A_143 {add = true} : memref<40960xf32, #tpu.memory_space<vmem>>[vector<16xi32>], vector<16xf32>,
        %add3A_268 = arith.constant 0 : i32
        %add3A_269 = vector.broadcast %add3A_268 : i32 to vector<16xi32>
        %add3A_270 = arith.addi %get3A_80, %add3A_269 : vector<16xi32>
        tpu.vector_store_idx %arg11[%add3A_270], %gather3A_147 {add = true} : memref<40960xf32, #tpu.memory_space<vmem>>[vector<16xi32>], vector<16xf32>,
        %add3A_271 = arith.constant 10240 : i32
        %add3A_272 = vector.broadcast %add3A_271 : i32 to vector<16xi32>
        %add3A_273 = arith.addi %get3A_80, %add3A_272 : vector<16xi32>
        tpu.vector_store_idx %arg11[%add3A_273], %gather3A_151 {add = true} : memref<40960xf32, #tpu.memory_space<vmem>>[vector<16xi32>], vector<16xf32>,
        %add3A_274 = arith.constant 20480 : i32
        %add3A_275 = vector.broadcast %add3A_274 : i32 to vector<16xi32>
        %add3A_276 = arith.addi %get3A_80, %add3A_275 : vector<16xi32>
        tpu.vector_store_idx %arg11[%add3A_276], %gather3A_155 {add = true} : memref<40960xf32, #tpu.memory_space<vmem>>[vector<16xi32>], vector<16xf32>,
        %add3A_277 = arith.constant 30720 : i32
        %add3A_278 = vector.broadcast %add3A_277 : i32 to vector<16xi32>
        %add3A_279 = arith.addi %get3A_80, %add3A_278 : vector<16xi32>
        tpu.vector_store_idx %arg11[%add3A_279], %gather3A_159 {add = true} : memref<40960xf32, #tpu.memory_space<vmem>>[vector<16xi32>], vector<16xf32>,
        %add3A_280 = arith.constant 0 : i32
        %add3A_281 = vector.broadcast %add3A_280 : i32 to vector<16xi32>
        %add3A_282 = arith.addi %get3A_88, %add3A_281 : vector<16xi32>
        tpu.vector_store_idx %arg11[%add3A_282], %gather3A_163 {add = true} : memref<40960xf32, #tpu.memory_space<vmem>>[vector<16xi32>], vector<16xf32>,
        %add3A_283 = arith.constant 10240 : i32
        %add3A_284 = vector.broadcast %add3A_283 : i32 to vector<16xi32>
        %add3A_285 = arith.addi %get3A_88, %add3A_284 : vector<16xi32>
        tpu.vector_store_idx %arg11[%add3A_285], %gather3A_167 {add = true} : memref<40960xf32, #tpu.memory_space<vmem>>[vector<16xi32>], vector<16xf32>,
        %add3A_286 = arith.constant 20480 : i32
        %add3A_287 = vector.broadcast %add3A_286 : i32 to vector<16xi32>
        %add3A_288 = arith.addi %get3A_88, %add3A_287 : vector<16xi32>
        tpu.vector_store_idx %arg11[%add3A_288], %gather3A_171 {add = true} : memref<40960xf32, #tpu.memory_space<vmem>>[vector<16xi32>], vector<16xf32>,
        %add3A_289 = arith.constant 30720 : i32
        %add3A_290 = vector.broadcast %add3A_289 : i32 to vector<16xi32>
        %add3A_291 = arith.addi %get3A_88, %add3A_290 : vector<16xi32>
        tpu.vector_store_idx %arg11[%add3A_291], %gather3A_175 {add = true} : memref<40960xf32, #tpu.memory_space<vmem>>[vector<16xi32>], vector<16xf32>,
        %add3A_292 = arith.constant 0 : i32
        %add3A_293 = vector.broadcast %add3A_292 : i32 to vector<16xi32>
        %add3A_294 = arith.addi %get3A_96, %add3A_293 : vector<16xi32>
        tpu.vector_store_idx %arg11[%add3A_294], %gather3A_179 {add = true} : memref<40960xf32, #tpu.memory_space<vmem>>[vector<16xi32>], vector<16xf32>,
        %add3A_295 = arith.constant 10240 : i32
        %add3A_296 = vector.broadcast %add3A_295 : i32 to vector<16xi32>
        %add3A_297 = arith.addi %get3A_96, %add3A_296 : vector<16xi32>
        tpu.vector_store_idx %arg11[%add3A_297], %gather3A_183 {add = true} : memref<40960xf32, #tpu.memory_space<vmem>>[vector<16xi32>], vector<16xf32>,
        %add3A_298 = arith.constant 20480 : i32
        %add3A_299 = vector.broadcast %add3A_298 : i32 to vector<16xi32>
        %add3A_300 = arith.addi %get3A_96, %add3A_299 : vector<16xi32>
        tpu.vector_store_idx %arg11[%add3A_300], %gather3A_187 {add = true} : memref<40960xf32, #tpu.memory_space<vmem>>[vector<16xi32>], vector<16xf32>,
        %add3A_301 = arith.constant 30720 : i32
        %add3A_302 = vector.broadcast %add3A_301 : i32 to vector<16xi32>
        %add3A_303 = arith.addi %get3A_96, %add3A_302 : vector<16xi32>
        tpu.vector_store_idx %arg11[%add3A_303], %gather3A_191 {add = true} : memref<40960xf32, #tpu.memory_space<vmem>>[vector<16xi32>], vector<16xf32>,
        %add3A_304 = arith.constant 0 : i32
        %add3A_305 = vector.broadcast %add3A_304 : i32 to vector<16xi32>
        %add3A_306 = arith.addi %get3A_104, %add3A_305 : vector<16xi32>
        tpu.vector_store_idx %arg11[%add3A_306], %gather3A_195 {add = true} : memref<40960xf32, #tpu.memory_space<vmem>>[vector<16xi32>], vector<16xf32>,
        %add3A_307 = arith.constant 10240 : i32
        %add3A_308 = vector.broadcast %add3A_307 : i32 to vector<16xi32>
        %add3A_309 = arith.addi %get3A_104, %add3A_308 : vector<16xi32>
        tpu.vector_store_idx %arg11[%add3A_309], %gather3A_199 {add = true} : memref<40960xf32, #tpu.memory_space<vmem>>[vector<16xi32>], vector<16xf32>,
        %add3A_310 = arith.constant 20480 : i32
        %add3A_311 = vector.broadcast %add3A_310 : i32 to vector<16xi32>
        %add3A_312 = arith.addi %get3A_104, %add3A_311 : vector<16xi32>
        tpu.vector_store_idx %arg11[%add3A_312], %gather3A_203 {add = true} : memref<40960xf32, #tpu.memory_space<vmem>>[vector<16xi32>], vector<16xf32>,
        %add3A_313 = arith.constant 30720 : i32
        %add3A_314 = vector.broadcast %add3A_313 : i32 to vector<16xi32>
        %add3A_315 = arith.addi %get3A_104, %add3A_314 : vector<16xi32>
        tpu.vector_store_idx %arg11[%add3A_315], %gather3A_207 {add = true} : memref<40960xf32, #tpu.memory_space<vmem>>[vector<16xi32>], vector<16xf32>,
        %add3A_316 = arith.constant 0 : i32
        %add3A_317 = vector.broadcast %add3A_316 : i32 to vector<16xi32>
        %add3A_318 = arith.addi %get3A_112, %add3A_317 : vector<16xi32>
        tpu.vector_store_idx %arg11[%add3A_318], %gather3A_211 {add = true} : memref<40960xf32, #tpu.memory_space<vmem>>[vector<16xi32>], vector<16xf32>,
        %add3A_319 = arith.constant 10240 : i32
        %add3A_320 = vector.broadcast %add3A_319 : i32 to vector<16xi32>
        %add3A_321 = arith.addi %get3A_112, %add3A_320 : vector<16xi32>
        tpu.vector_store_idx %arg11[%add3A_321], %gather3A_215 {add = true} : memref<40960xf32, #tpu.memory_space<vmem>>[vector<16xi32>], vector<16xf32>,
        %add3A_322 = arith.constant 20480 : i32
        %add3A_323 = vector.broadcast %add3A_322 : i32 to vector<16xi32>
        %add3A_324 = arith.addi %get3A_112, %add3A_323 : vector<16xi32>
        tpu.vector_store_idx %arg11[%add3A_324], %gather3A_219 {add = true} : memref<40960xf32, #tpu.memory_space<vmem>>[vector<16xi32>], vector<16xf32>,
        %add3A_325 = arith.constant 30720 : i32
        %add3A_326 = vector.broadcast %add3A_325 : i32 to vector<16xi32>
        %add3A_327 = arith.addi %get3A_112, %add3A_326 : vector<16xi32>
        tpu.vector_store_idx %arg11[%add3A_327], %gather3A_223 {add = true} : memref<40960xf32, #tpu.memory_space<vmem>>[vector<16xi32>], vector<16xf32>,
        %add3A_328 = arith.constant 0 : i32
        %add3A_329 = vector.broadcast %add3A_328 : i32 to vector<16xi32>
        %add3A_330 = arith.addi %get3A_120, %add3A_329 : vector<16xi32>
        tpu.vector_store_idx %arg11[%add3A_330], %gather3A_227 {add = true} : memref<40960xf32, #tpu.memory_space<vmem>>[vector<16xi32>], vector<16xf32>,
        %add3A_331 = arith.constant 10240 : i32
        %add3A_332 = vector.broadcast %add3A_331 : i32 to vector<16xi32>
        %add3A_333 = arith.addi %get3A_120, %add3A_332 : vector<16xi32>
        tpu.vector_store_idx %arg11[%add3A_333], %gather3A_231 {add = true} : memref<40960xf32, #tpu.memory_space<vmem>>[vector<16xi32>], vector<16xf32>,
        %add3A_334 = arith.constant 20480 : i32
        %add3A_335 = vector.broadcast %add3A_334 : i32 to vector<16xi32>
        %add3A_336 = arith.addi %get3A_120, %add3A_335 : vector<16xi32>
        tpu.vector_store_idx %arg11[%add3A_336], %gather3A_235 {add = true} : memref<40960xf32, #tpu.memory_space<vmem>>[vector<16xi32>], vector<16xf32>,
        %add3A_337 = arith.constant 30720 : i32
        %add3A_338 = vector.broadcast %add3A_337 : i32 to vector<16xi32>
        %add3A_339 = arith.addi %get3A_120, %add3A_338 : vector<16xi32>
        tpu.vector_store_idx %arg11[%add3A_339], %gather3A_239 {add = true} : memref<40960xf32, #tpu.memory_space<vmem>>[vector<16xi32>], vector<16xf32>,
        %add3A_340 = arith.constant 0 : i32
        %add3A_341 = vector.broadcast %add3A_340 : i32 to vector<16xi32>
        %add3A_342 = arith.addi %get3A_128, %add3A_341 : vector<16xi32>
        tpu.vector_store_idx %arg11[%add3A_342], %gather3A_243 {add = true} : memref<40960xf32, #tpu.memory_space<vmem>>[vector<16xi32>], vector<16xf32>,
        %add3A_343 = arith.constant 10240 : i32
        %add3A_344 = vector.broadcast %add3A_343 : i32 to vector<16xi32>
        %add3A_345 = arith.addi %get3A_128, %add3A_344 : vector<16xi32>
        tpu.vector_store_idx %arg11[%add3A_345], %gather3A_247 {add = true} : memref<40960xf32, #tpu.memory_space<vmem>>[vector<16xi32>], vector<16xf32>,
        %add3A_346 = arith.constant 20480 : i32
        %add3A_347 = vector.broadcast %add3A_346 : i32 to vector<16xi32>
        %add3A_348 = arith.addi %get3A_128, %add3A_347 : vector<16xi32>
        tpu.vector_store_idx %arg11[%add3A_348], %gather3A_251 {add = true} : memref<40960xf32, #tpu.memory_space<vmem>>[vector<16xi32>], vector<16xf32>,
        %add3A_349 = arith.constant 30720 : i32
        %add3A_350 = vector.broadcast %add3A_349 : i32 to vector<16xi32>
        %add3A_351 = arith.addi %get3A_128, %add3A_350 : vector<16xi32>
        tpu.vector_store_idx %arg11[%add3A_351], %gather3A_255 {add = true} : memref<40960xf32, #tpu.memory_space<vmem>>[vector<16xi32>], vector<16xf32>,
      }
      %scan3A_57 = arith.constant 50 : i32
      %add3A_58 = arith.constant 3 : i32
      %add3A_59 = arith.addi %mul3A_28, %add3A_58 : i32
      %lt3A_60 = arith.constant 50 : i32
      %lt3A_61 = arith.cmpi slt, %add3A_59, %lt3A_60 : i32
      %convert_element_type3A_62 = arith.extui %lt3A_61 : i1 to i32
      %cond3A_63 = arith.constant 0 : i32
      %cond3A_64 = arith.cmpi ne, %convert_element_type3A_62, %cond3A_63 : i32
      scf.if %cond3A_64 {
        %add3A_65 = arith.constant 3 : i32
        %add3A_66 = arith.addi %mul3A_28, %add3A_65 : i32
        %mul3A_67 = arith.constant 6400 : i32
        %mul3A_68 = arith.muli %add3A_66, %mul3A_67 : i32
        %dma_start3A_69 = tpu.memref_slice %arg3[%mul3A_68] : memref<320000xi32, #tpu.memory_space<hbm>> -> memref<6400xi32, #tpu.memory_space<hbm>>
        %dma_start3A_70 = tpu.memref_slice %arg3[%mul3A_68] : memref<320000xi32, #tpu.memory_space<hbm>> -> memref<6400xi32, #tpu.memory_space<hbm>>
        tpu.enqueue_dma source(%dma_start3A_70 : memref<6400xi32, #tpu.memory_space<hbm>>) target(%arg7 : memref<6400xi32, #tpu.memory_space<vmem>>) target_semaphore(%arg13 : memref<!tpu.dma_semaphore, #tpu.memory_space<semaphore_mem>>)
        %mul3A_71 = arith.constant 6400 : i32
        %mul3A_72 = arith.muli %add3A_66, %mul3A_71 : i32
        %dma_start3A_73 = tpu.memref_slice %arg4[%mul3A_72] : memref<320000xi32, #tpu.memory_space<hbm>> -> memref<6400xi32, #tpu.memory_space<hbm>>
        %dma_start3A_74 = tpu.memref_slice %arg4[%mul3A_72] : memref<320000xi32, #tpu.memory_space<hbm>> -> memref<6400xi32, #tpu.memory_space<hbm>>
        tpu.enqueue_dma source(%dma_start3A_74 : memref<6400xi32, #tpu.memory_space<hbm>>) target(%arg9 : memref<6400xi32, #tpu.memory_space<vmem>>) target_semaphore(%arg15 : memref<!tpu.dma_semaphore, #tpu.memory_space<semaphore_mem>>)
      } else {
      }
    }
    %scan3A_25 = arith.constant 25 : i32
    "tpu.region"() ({
      %run_scoped3A = tpu.sem_alloc : memref<!tpu.dma_semaphore, #tpu.memory_space<semaphore_mem>>
      %dma_start3A_26 = arith.constant 0 : i32
      %dma_start3A_27 = tpu.memref_slice %arg5[%add3A, %dma_start3A_26] : memref<32x40960xf32, #tpu.memory_space<hbm>> -> memref<1x40960xf32, #tpu.memory_space<hbm>>
      %dma_start3A_28 = tpu.memref_squeeze %dma_start3A_27 : memref<1x40960xf32, #tpu.memory_space<hbm>> -> memref<40960xf32, #tpu.memory_space<hbm>>
      %dma_start3A_29 = arith.constant 0 : i32
      %dma_start3A_30 = tpu.memref_slice %arg5[%add3A, %dma_start3A_29] : memref<32x40960xf32, #tpu.memory_space<hbm>> -> memref<1x40960xf32, #tpu.memory_space<hbm>>
      %dma_start3A_31 = tpu.memref_squeeze %dma_start3A_30 : memref<1x40960xf32, #tpu.memory_space<hbm>> -> memref<40960xf32, #tpu.memory_space<hbm>>
      tpu.enqueue_dma source(%arg11 : memref<40960xf32, #tpu.memory_space<vmem>>) target(%dma_start3A_31 : memref<40960xf32, #tpu.memory_space<hbm>>) target_semaphore(%run_scoped3A : memref<!tpu.dma_semaphore, #tpu.memory_space<semaphore_mem>>)
      %dma_wait3A = arith.constant 0 : i32
      %dma_wait3A_32 = tpu.memref_slice %arg5[%add3A, %dma_wait3A] : memref<32x40960xf32, #tpu.memory_space<hbm>> -> memref<1x40960xf32, #tpu.memory_space<hbm>>
      %dma_wait3A_33 = tpu.memref_squeeze %dma_wait3A_32 : memref<1x40960xf32, #tpu.memory_space<hbm>> -> memref<40960xf32, #tpu.memory_space<hbm>>
      %dma_wait3A_34 = arith.constant 0 : i32
      %dma_wait3A_35 = tpu.memref_slice %arg5[%add3A, %dma_wait3A_34] : memref<32x40960xf32, #tpu.memory_space<hbm>> -> memref<1x40960xf32, #tpu.memory_space<hbm>>
      %dma_wait3A_36 = tpu.memref_squeeze %dma_wait3A_35 : memref<1x40960xf32, #tpu.memory_space<hbm>> -> memref<40960xf32, #tpu.memory_space<hbm>>
      tpu.wait_dma2 semaphore(%run_scoped3A : memref<!tpu.dma_semaphore, #tpu.memory_space<semaphore_mem>>) src(%arg11 : memref<40960xf32, #tpu.memory_space<vmem>>) dst(%dma_wait3A_36 : memref<40960xf32, #tpu.memory_space<hbm>>)
      tpu.yield
    }) : () -> ()
    return
  }
}

module attributes {stable_mosaic.version = 14 : i64} {
  func.func @_prep_body(%arg0: i32, %arg1: memref<128x1024xf32, #tpu.memory_space<vmem>>, %arg2: memref<32x2x1024xf32, #tpu.memory_space<vmem>>, %arg3: memref<128x1024xf32, #tpu.memory_space<vmem>>) attributes {dimension_semantics = [#tpu.dimension_semantics<arbitrary>], iteration_bounds = array<i64: 10>, scalar_prefetch = 0 : i64, scratch_operands = 0 : i64, tpu.core_type = #tpu.core_type<tc>, window_params = [{transform_indices = @transform_0, window_bounds = array<i64: 128, 1024>}, {transform_indices = @transform_1, window_bounds = array<i64: 32, 2, 1024>}, {transform_indices = @transform_2, window_bounds = array<i64: 128, 1024>}]} {
    %get3A = arith.constant 0 : index
    %get3A_0 = arith.constant 0 : index
    %get3A_1 = arith.constant 0 : index
    %get3A_2 = vector.load %arg2[%get3A, %get3A_0, %get3A_1] : memref<32x2x1024xf32, #tpu.memory_space<vmem>>, vector<32x2x1024xf32>
    %reduce_sum3A = arith.constant dense<0.000000e+00> : vector<2x1024xf32>
    %reduce_sum3A_3 = vector.multi_reduction <add>, %get3A_2, %reduce_sum3A [0] : vector<32x2x1024xf32> to vector<2x1024xf32>
    %slice3A = vector.extract_strided_slice %reduce_sum3A_3 {offsets = [0, 0], sizes = [1, 1024], strides = [1, 1]} : vector<2x1024xf32> to vector<1x1024xf32>
    %max3A = arith.constant 1.000000e+00 : f32
    %max3A_4 = vector.broadcast %max3A : f32 to vector<1x1024xf32>
    %max3A_5 = arith.maximumf %slice3A, %max3A_4 : vector<1x1024xf32>
    %rsqrt3A = math.rsqrt %max3A_5 : vector<1x1024xf32>
    %get3A_6 = arith.constant 0 : index
    %get3A_7 = arith.constant 0 : index
    %get3A_8 = vector.load %arg1[%get3A_6, %get3A_7] : memref<128x1024xf32, #tpu.memory_space<vmem>>, vector<128x1024xf32>
    %mul3A = vector.broadcast %rsqrt3A : vector<1x1024xf32> to vector<128x1024xf32>
    %mul3A_9 = arith.mulf %get3A_8, %mul3A : vector<128x1024xf32>
    %swap3A = arith.constant 0 : index
    %swap3A_10 = arith.constant 0 : index
    %swap3A_11 = vector.load %arg3[%swap3A, %swap3A_10] : memref<128x1024xf32, #tpu.memory_space<vmem>>, vector<128x1024xf32>
    tpu.vector_store %arg3[%swap3A, %swap3A_10], %mul3A_9 {strides = array<i32>} : memref<128x1024xf32, #tpu.memory_space<vmem>>, vector<128x1024xf32>,
    return
  }
  func.func @transform_0(%arg0: i32) -> (i32, i32) {
    %c0_i32 = arith.constant 0 : i32
    %c0_i32_0 = arith.constant 0 : i32
    return %c0_i32, %arg0 : i32, i32
  }
  func.func @transform_1(%arg0: i32) -> (i32, i32, i32) {
    %c0_i32 = arith.constant 0 : i32
    %c0_i32_0 = arith.constant 0 : i32
    %c0_i32_1 = arith.constant 0 : i32
    return %c0_i32, %c0_i32_0, %arg0 : i32, i32, i32
  }
  func.func @transform_2(%arg0: i32) -> (i32, i32) {
    %c0_i32 = arith.constant 0 : i32
    %c0_i32_0 = arith.constant 0 : i32
    return %c0_i32, %arg0 : i32, i32
  }
}

module attributes {stable_mosaic.version = 14 : i64} {
  func.func @_dense_body(%arg0: i32, %arg1: memref<128x1024xf32, #tpu.memory_space<vmem>>, %arg2: memref<32x2x1024xf32, #tpu.memory_space<vmem>>, %arg3: memref<128x128xf32, #tpu.memory_space<vmem>>, %arg4: memref<128x128xf32, #tpu.memory_space<vmem>>, %arg5: memref<128x1024xf32, #tpu.memory_space<vmem>>) attributes {dimension_semantics = [#tpu.dimension_semantics<arbitrary>], iteration_bounds = array<i64: 10>, scalar_prefetch = 0 : i64, scratch_operands = 0 : i64, tpu.core_type = #tpu.core_type<tc>, window_params = [{transform_indices = @transform_0, window_bounds = array<i64: 128, 1024>}, {transform_indices = @transform_1, window_bounds = array<i64: 32, 2, 1024>}, {pipeline_mode = #tpu.pipeline_mode<synchronous>, transform_indices = @transform_2, window_bounds = array<i64: 128, 128>}, {pipeline_mode = #tpu.pipeline_mode<synchronous>, transform_indices = @transform_3, window_bounds = array<i64: 128, 128>}, {transform_indices = @transform_4, window_bounds = array<i64: 128, 1024>}]} {
    %get3A = arith.constant 0 : index
    %get3A_0 = arith.constant 0 : index
    %get3A_1 = arith.constant 0 : index
    %get3A_2 = vector.load %arg2[%get3A, %get3A_0, %get3A_1] : memref<32x2x1024xf32, #tpu.memory_space<vmem>>, vector<32x2x1024xf32>
    %reduce_sum3A = arith.constant dense<0.000000e+00> : vector<2x1024xf32>
    %reduce_sum3A_3 = vector.multi_reduction <add>, %get3A_2, %reduce_sum3A [0] : vector<32x2x1024xf32> to vector<2x1024xf32>
    %slice3A = vector.extract_strided_slice %reduce_sum3A_3 {offsets = [1, 0], sizes = [1, 1024], strides = [1, 1]} : vector<2x1024xf32> to vector<1x1024xf32>
    %max3A = arith.constant 1.000000e+00 : f32
    %max3A_4 = vector.broadcast %max3A : f32 to vector<1x1024xf32>
    %max3A_5 = arith.maximumf %slice3A, %max3A_4 : vector<1x1024xf32>
    %rsqrt3A = math.rsqrt %max3A_5 : vector<1x1024xf32>
    %get3A_6 = arith.constant 0 : index
    %get3A_7 = arith.constant 0 : index
    %get3A_8 = vector.load %arg1[%get3A_6, %get3A_7] : memref<128x1024xf32, #tpu.memory_space<vmem>>, vector<128x1024xf32>
    %mul3A = vector.broadcast %rsqrt3A : vector<1x1024xf32> to vector<128x1024xf32>
    %mul3A_9 = arith.mulf %get3A_8, %mul3A : vector<128x1024xf32>
    %get3A_10 = arith.constant 0 : index
    %get3A_11 = arith.constant 0 : index
    %get3A_12 = vector.load %arg3[%get3A_10, %get3A_11] : memref<128x128xf32, #tpu.memory_space<vmem>>, vector<128x128xf32>
    %dot_general3A = arith.constant dense<0.000000e+00> : vector<128x1024xf32>
    %dot_general3A_13 = tpu.matmul %get3A_12, %mul3A_9, %dot_general3A {dimension_numbers = #tpu.dot_dimension_numbers<[0], [0], [1], [1], [0, 1, 1, 1], [], []>, transpose_lhs_hint = false} : vector<128x128xf32>, vector<128x1024xf32>, vector<128x1024xf32> -> vector<128x1024xf32>
    %get3A_14 = arith.constant 0 : index
    %get3A_15 = arith.constant 0 : index
    %get3A_16 = vector.load %arg4[%get3A_14, %get3A_15] : memref<128x128xf32, #tpu.memory_space<vmem>>, vector<128x1xf32>
    %add3A = vector.broadcast %get3A_16 : vector<128x1xf32> to vector<128x1024xf32>
    %add3A_17 = arith.addf %dot_general3A_13, %add3A : vector<128x1024xf32>
    %max3A_18 = arith.constant 0.000000e+00 : f32
    %max3A_19 = vector.broadcast %max3A_18 : f32 to vector<128x1024xf32>
    %max3A_20 = arith.maximumf %add3A_17, %max3A_19 : vector<128x1024xf32>
    %slice3A_21 = vector.extract_strided_slice %reduce_sum3A_3 {offsets = [0, 0], sizes = [1, 1024], strides = [1, 1]} : vector<2x1024xf32> to vector<1x1024xf32>
    %max3A_22 = arith.constant 1.000000e+00 : f32
    %max3A_23 = vector.broadcast %max3A_22 : f32 to vector<1x1024xf32>
    %max3A_24 = arith.maximumf %slice3A_21, %max3A_23 : vector<1x1024xf32>
    %rsqrt3A_25 = math.rsqrt %max3A_24 : vector<1x1024xf32>
    %mul3A_26 = vector.broadcast %rsqrt3A_25 : vector<1x1024xf32> to vector<128x1024xf32>
    %mul3A_27 = arith.mulf %max3A_20, %mul3A_26 : vector<128x1024xf32>
    %swap3A = arith.constant 0 : index
    %swap3A_28 = arith.constant 0 : index
    %swap3A_29 = vector.load %arg5[%swap3A, %swap3A_28] : memref<128x1024xf32, #tpu.memory_space<vmem>>, vector<128x1024xf32>
    tpu.vector_store %arg5[%swap3A, %swap3A_28], %mul3A_27 {strides = array<i32>} : memref<128x1024xf32, #tpu.memory_space<vmem>>, vector<128x1024xf32>,
    return
  }
  func.func @transform_0(%arg0: i32) -> (i32, i32) {
    %c0_i32 = arith.constant 0 : i32
    %c0_i32_0 = arith.constant 0 : i32
    return %c0_i32, %arg0 : i32, i32
  }
  func.func @transform_1(%arg0: i32) -> (i32, i32, i32) {
    %c0_i32 = arith.constant 0 : i32
    %c0_i32_0 = arith.constant 0 : i32
    %c0_i32_1 = arith.constant 0 : i32
    return %c0_i32, %c0_i32_0, %arg0 : i32, i32, i32
  }
  func.func @transform_2(%arg0: i32) -> (i32, i32) {
    %c0_i32 = arith.constant 0 : i32
    %c0_i32_0 = arith.constant 0 : i32
    %c0_i32_1 = arith.constant 0 : i32
    return %c0_i32, %c0_i32_0 : i32, i32
  }
  func.func @transform_3(%arg0: i32) -> (i32, i32) {
    %c0_i32 = arith.constant 0 : i32
    %c0_i32_0 = arith.constant 0 : i32
    %c0_i32_1 = arith.constant 0 : i32
    return %c0_i32, %c0_i32_0 : i32, i32
  }
  func.func @transform_4(%arg0: i32) -> (i32, i32) {
    %c0_i32 = arith.constant 0 : i32
    %c0_i32_0 = arith.constant 0 : i32
    return %c0_i32, %arg0 : i32, i32
  }
}

module attributes {stable_mosaic.version = 14 : i64} {
  func.func @_dense_body(%arg0: i32, %arg1: memref<128x1024xf32, #tpu.memory_space<vmem>>, %arg2: memref<32x2x1024xf32, #tpu.memory_space<vmem>>, %arg3: memref<128x128xf32, #tpu.memory_space<vmem>>, %arg4: memref<128x128xf32, #tpu.memory_space<vmem>>, %arg5: memref<128x1024xf32, #tpu.memory_space<vmem>>) attributes {dimension_semantics = [#tpu.dimension_semantics<arbitrary>], iteration_bounds = array<i64: 10>, scalar_prefetch = 0 : i64, scratch_operands = 0 : i64, tpu.core_type = #tpu.core_type<tc>, window_params = [{transform_indices = @transform_0, window_bounds = array<i64: 128, 1024>}, {transform_indices = @transform_1, window_bounds = array<i64: 32, 2, 1024>}, {pipeline_mode = #tpu.pipeline_mode<synchronous>, transform_indices = @transform_2, window_bounds = array<i64: 128, 128>}, {pipeline_mode = #tpu.pipeline_mode<synchronous>, transform_indices = @transform_3, window_bounds = array<i64: 128, 128>}, {transform_indices = @transform_4, window_bounds = array<i64: 128, 1024>}]} {
    %get3A = arith.constant 0 : index
    %get3A_0 = arith.constant 0 : index
    %get3A_1 = arith.constant 0 : index
    %get3A_2 = vector.load %arg2[%get3A, %get3A_0, %get3A_1] : memref<32x2x1024xf32, #tpu.memory_space<vmem>>, vector<32x2x1024xf32>
    %reduce_sum3A = arith.constant dense<0.000000e+00> : vector<2x1024xf32>
    %reduce_sum3A_3 = vector.multi_reduction <add>, %get3A_2, %reduce_sum3A [0] : vector<32x2x1024xf32> to vector<2x1024xf32>
    %slice3A = vector.extract_strided_slice %reduce_sum3A_3 {offsets = [1, 0], sizes = [1, 1024], strides = [1, 1]} : vector<2x1024xf32> to vector<1x1024xf32>
    %max3A = arith.constant 1.000000e+00 : f32
    %max3A_4 = vector.broadcast %max3A : f32 to vector<1x1024xf32>
    %max3A_5 = arith.maximumf %slice3A, %max3A_4 : vector<1x1024xf32>
    %rsqrt3A = math.rsqrt %max3A_5 : vector<1x1024xf32>
    %get3A_6 = arith.constant 0 : index
    %get3A_7 = arith.constant 0 : index
    %get3A_8 = vector.load %arg1[%get3A_6, %get3A_7] : memref<128x1024xf32, #tpu.memory_space<vmem>>, vector<128x1024xf32>
    %mul3A = vector.broadcast %rsqrt3A : vector<1x1024xf32> to vector<128x1024xf32>
    %mul3A_9 = arith.mulf %get3A_8, %mul3A : vector<128x1024xf32>
    %get3A_10 = arith.constant 0 : index
    %get3A_11 = arith.constant 0 : index
    %get3A_12 = vector.load %arg3[%get3A_10, %get3A_11] : memref<128x128xf32, #tpu.memory_space<vmem>>, vector<128x128xf32>
    %dot_general3A = arith.constant dense<0.000000e+00> : vector<128x1024xf32>
    %dot_general3A_13 = tpu.matmul %get3A_12, %mul3A_9, %dot_general3A {dimension_numbers = #tpu.dot_dimension_numbers<[0], [0], [1], [1], [0, 1, 1, 1], [], []>, transpose_lhs_hint = false} : vector<128x128xf32>, vector<128x1024xf32>, vector<128x1024xf32> -> vector<128x1024xf32>
    %get3A_14 = arith.constant 0 : index
    %get3A_15 = arith.constant 0 : index
    %get3A_16 = vector.load %arg4[%get3A_14, %get3A_15] : memref<128x128xf32, #tpu.memory_space<vmem>>, vector<128x1xf32>
    %add3A = vector.broadcast %get3A_16 : vector<128x1xf32> to vector<128x1024xf32>
    %add3A_17 = arith.addf %dot_general3A_13, %add3A : vector<128x1024xf32>
    %max3A_18 = arith.constant 0.000000e+00 : f32
    %max3A_19 = vector.broadcast %max3A_18 : f32 to vector<128x1024xf32>
    %max3A_20 = arith.maximumf %add3A_17, %max3A_19 : vector<128x1024xf32>
    %swap3A = arith.constant 0 : index
    %swap3A_21 = arith.constant 0 : index
    %swap3A_22 = vector.load %arg5[%swap3A, %swap3A_21] : memref<128x1024xf32, #tpu.memory_space<vmem>>, vector<128x1024xf32>
    tpu.vector_store %arg5[%swap3A, %swap3A_21], %max3A_20 {strides = array<i32>} : memref<128x1024xf32, #tpu.memory_space<vmem>>, vector<128x1024xf32>,
    return
  }
  func.func @transform_0(%arg0: i32) -> (i32, i32) {
    %c0_i32 = arith.constant 0 : i32
    %c0_i32_0 = arith.constant 0 : i32
    return %c0_i32, %arg0 : i32, i32
  }
  func.func @transform_1(%arg0: i32) -> (i32, i32, i32) {
    %c0_i32 = arith.constant 0 : i32
    %c0_i32_0 = arith.constant 0 : i32
    %c0_i32_1 = arith.constant 0 : i32
    return %c0_i32, %c0_i32_0, %arg0 : i32, i32, i32
  }
  func.func @transform_2(%arg0: i32) -> (i32, i32) {
    %c0_i32 = arith.constant 0 : i32
    %c0_i32_0 = arith.constant 0 : i32
    %c0_i32_1 = arith.constant 0 : i32
    return %c0_i32, %c0_i32_0 : i32, i32
  }
  func.func @transform_3(%arg0: i32) -> (i32, i32) {
    %c0_i32 = arith.constant 0 : i32
    %c0_i32_0 = arith.constant 0 : i32
    %c0_i32_1 = arith.constant 0 : i32
    return %c0_i32, %c0_i32_0 : i32, i32
  }
  func.func @transform_4(%arg0: i32) -> (i32, i32) {
    %c0_i32 = arith.constant 0 : i32
    %c0_i32_0 = arith.constant 0 : i32
    return %c0_i32, %arg0 : i32, i32
  }
}

</mosaic_0001>

<sc_bundles>
// kernel: kernel.11.cloned.1.call-start
scs
__scs_entry_jumppad:
0x0: {  	(pc) =	sbr.rel $0x88, $3  }
0x1: {  	(tag) =	ssettag $0x0;
	lr =	simm.s32 $0x1  }
0x2: {  	[smem:$0x3F9B] =	sst lr;
	_ =	strace $0xD0000000  }
0x3: {  	_ = 	snop  }
0x4: {  	_ = 	snop  }
0x5: {  	_ = 	snop  }
0x6: {  	_ = 	snop  }
0x7: {  	_ = 	snop  }
__scs_overlays_trampoline_lowered:
0x8: {  	[smem:$0x3FAA] =	sst s0  }
0x9: {  	[smem:$0x3FAB] =	sst s1  }
0xa: {  	[smem:$0x3FAC] =	sst s2  }
0xb: {  	[smem:$0x3FAD] =	sst s3  }
0xc: {  	[smem:$0x3FAE] =	sst s4  }
0xd: {  	[smem:$0x3FAF] =	sst s5  }
0xe: {  	[smem:$0x3FB0] =	sst s6  }
0xf: {  	[smem:$0x3FB1] =	sst s7  }
0x10: {  	[smem:$0x3FB2] =	sst s8  }
0x11: {  	[smem:$0x3FB3] =	sst s9;
	s0 =	simm.s32 @!p0 $0x0  }
0x12: {  	s1 =	sld [smem:$0x3F99];
	s0 =	simm.s32 @p0 $0x1  }
0x13: {  	[smem:$0x3FB4] =	sst s0;
	s0 =	simm.s32 @!p1 $0x0  }
0x14: {  	s2 =	sld [smem:$0x3F98];
	s0 =	simm.s32 @p1 $0x1  }
0x15: {  	[smem:$0x3FB5] =	sst s0;
	s0 =	simm.s32 @!p2 $0x0  }
0x16: {  	s3 =	sld [smem:$0x3FDB];
	s0 =	simm.s32 @p2 $0x1  }
0x17: {  	s4 =	simm.s32 $0x1BF5;
	[smem:$0x3FB7] =	sst s0  }
0x18: {  	s0 =	sld [smem:$0x3F9A];
	_ =	swait.ge [sflag:s4], $0x0  }
0x19: {  	s7 =	sld [smem:$0x3F9B]  }
0x1a: {  	s8 =	sadd.s32 $0xFFFFE003, lr  }
0x1b: {  	s9 =	sadd.s32 $0xFFFFFEF7, lr;
	s5 =	simm.s32 $0xFFFFFFFF;
	p2 =	slt.u32 s8, $0xFFFFF086  }
0x1c: {  	p1 =	slt.u32 s9, $0xF7A;
	s5 =	simm.s32 @!p2 $0x0  }
0x1d: {  	s5 =	simm.s32 @p1 $0x1;
	p0 =	seq.s32 s7, s2  }
0x1e: {  	s7 =	smul.u32 @!p0 $0xF7A, s2;
	p2 =	seq.s32 @!p0 s5, $0x0  }
0x1f: {  	s9 =	smul.u32 $0xF7A, s1;
	s8 =	simm.s32 @!p0 $0x1BF5;
	p2 =	por !p2, p0  }
0x20: {  	[sflag:s8] =	ssyncset.s32 @!p0 $0xFFFFF086;
	s6 =	sadd.s32 @!p0 s3, s7;
	s7 =	simm.s32 @!p0 $0x108  }
0x21: {  	s3 =	sadd.s32 s3, s9;
	s6 =	sadd.s32 @!p0 $0x88, s6;
	s7 =	simm.s32 @p2 $0x1082  }
0x22: {  	[simem:s7], [sflag:s8] =	dma.local @!p0 [hbm:s6], $0xF7A  }
0x23: {  	s9 =	sor.u32 $0xD0000000, s2;
	s6 =	simm.s32 $0x108;
	_ =	swait.ge @!p0 [sflag:s8], $0x0  }
0x24: {  	s3 =	sadd.s32 $0x88, s3;
	s6 =	simm.s32 @!p1 $0x1082;
	[sflag:s4] =	ssyncset.s32 $0xFFFFF086  }
0x25: {  	[simem:s6], [sflag:s4] =	dma.local [hbm:s3], $0xF7A  }
0x26: {  	[smem:$0x3F9B] =	sst s1;
	(tag) =	ssettag s2;
	_ =	strace s9  }
0x27: {  	s1 =	sld [smem:$0x3FAB]  }
0x28: {  	s2 =	sld [smem:$0x3FAC]  }
0x29: {  	s4 =	sld [smem:$0x3FAE]  }
0x2a: {  	p0 =	seq.s32 s5, $0x0;
	s5 =	sld [smem:$0x3FAF]  }
0x2b: {  	s6 =	sld [smem:$0x3FB0]  }
0x2c: {  	s7 =	sld [smem:$0x3FB1]  }
0x2d: {  	s3 =	simm.s32 $0x108;
	s8 =	sld [smem:$0x3FB2]  }
0x2e: {  	s3 =	simm.s32 @!p0 $0x1082;
	s9 =	sld [smem:$0x3FB3]  }
0x2f: {  	lr =	sadd.s32 s0, s3;
	s0 =	sld [smem:$0x3FAA]  }
0x30: {  	s3 =	sld [smem:$0x3FAD]  }
0x31: {  	[smem:$0x3FB6] =	sst s10  }
0x32: {  	s10 =	sld [smem:$0x3FB4];
	_ =	sdelay $0x3  }
0x33: {  	p0 =	seq.s32 s10, $0x1;
	s10 =	sld [smem:$0x3FB6];
	_ =	sdelay $0x3  }
0x34: {  	[smem:$0x3FB6] =	sst s10  }
0x35: {  	s10 =	sld [smem:$0x3FB5];
	_ =	sdelay $0x3  }
0x36: {  	p1 =	seq.s32 s10, $0x1;
	s10 =	sld [smem:$0x3FB6];
	_ =	sdelay $0x3  }
0x37: {  	[smem:$0x3FB6] =	sst s10  }
0x38: {  	s10 =	sld [smem:$0x3FB7]  }
0x39: {  	_ = 	snop;
	(pc) =	sbr.ind lr, $3  }
0x3a: {  	_ = 	snop  }
0x3b: {  	_ = 	snop  }
0x3c: {  	p2 =	seq.s32 s10, $0x1;
	s10 =	sld [smem:$0x3FB6]  }
0x3d: {  	_ =	shalt  }
0x3e: {  	_ =	shalt  }
0x3f: {  	_ =	shalt  }
0x40: {  	_ =	shalt  }
0x41: {  	_ =	shalt  }
0x42: {  	_ =	shalt  }
0x43: {  	_ =	shalt  }
0x44: {  	_ =	shalt  }
0x45: {  	_ =	shalt  }
0x46: {  	_ =	shalt  }
0x47: {  	_ =	shalt  }
0x48: {  	_ =	shalt  }
0x49: {  	_ =	shalt  }
0x4a: {  	_ =	shalt  }
0x4b: {  	_ =	shalt  }
0x4c: {  	_ =	shalt  }
0x4d: {  	_ =	shalt  }
0x4e: {  	_ =	shalt  }
0x4f: {  	_ =	shalt  }
0x50: {  	_ =	shalt  }
0x51: {  	_ =	shalt  }
0x52: {  	_ =	shalt  }
0x53: {  	_ =	shalt  }
0x54: {  	_ =	shalt  }
0x55: {  	_ =	shalt  }
0x56: {  	_ =	shalt  }
0x57: {  	_ =	shalt  }
0x58: {  	_ =	shalt  }
0x59: {  	_ =	shalt  }
0x5a: {  	_ =	shalt  }
0x5b: {  	_ =	shalt  }
0x5c: {  	_ =	shalt  }
0x5d: {  	_ =	shalt  }
0x5e: {  	_ =	shalt  }
0x5f: {  	_ =	shalt  }
0x60: {  	_ =	shalt  }
0x61: {  	_ =	shalt  }
0x62: {  	_ =	shalt  }
0x63: {  	_ =	shalt  }
0x64: {  	_ =	shalt  }
0x65: {  	_ =	shalt  }
0x66: {  	_ =	shalt  }
0x67: {  	_ =	shalt  }
0x68: {  	_ =	shalt  }
0x69: {  	_ =	shalt  }
0x6a: {  	_ =	shalt  }
0x6b: {  	_ =	shalt  }
0x6c: {  	_ =	shalt  }
0x6d: {  	_ =	shalt  }
0x6e: {  	_ =	shalt  }
0x6f: {  	_ =	shalt  }
0x70: {  	_ =	shalt  }
0x71: {  	_ =	shalt  }
0x72: {  	_ =	shalt  }
0x73: {  	_ =	shalt  }
0x74: {  	_ =	shalt  }
0x75: {  	_ =	shalt  }
0x76: {  	_ =	shalt  }
0x77: {  	_ =	shalt  }
0x78: {  	_ =	shalt  }
0x79: {  	_ =	shalt  }
0x7a: {  	_ =	shalt  }
0x7b: {  	_ =	shalt  }
0x7c: {  	_ =	shalt  }
0x7d: {  	_ =	shalt  }
0x7e: {  	_ =	shalt  }
0x7f: {  	_ =	shalt  }
0x80: {  	_ =	shalt  }
0x81: {  	_ =	shalt  }
0x82: {  	_ =	shalt  }
0x83: {  	_ =	shalt  }
0x84: {  	_ =	shalt  }
0x85: {  	_ =	shalt  }
0x86: {  	_ =	shalt  }
0x87: {  	_ =	shalt  }
.Lfunc_end0:
.L_simem_size_0:
called_computation.1_lowered:
.L_overlay_start_0:
0x88: {  	s2 =	sld [smem:$0x3FD9]  }
0x89: {  	s3 =	sld [smem:$0x3FFE];
	_ =	sdelay $0x1  }
0x8a: {  	s1 =	srdreg.scid  }
0x8b: {  	s0 =	sand.u32 $0x1, s1  }
0x8c: {  	s16 =	sshll.u32 s0, $0xA;
	s2 =	sadd.s32 s3, s2  }
0x8d: {  	s2 =	sadd.s32 s2, s16  }
0x8e: {  	[smem:$0x3FC2] =	sst s2  }
0x8f: {  	_ = 	snop  }
0x90: {  	(tm) =	ssettm $0x1  }
0x91: {  	s17 =	sld [smem:$0x3FFB];
	_ =	sdelay $0x3  }
0x92: {  	_ =	strace s17  }
0x93: {  	s2 =	sld [smem:$0x3FFC];
	_ =	sdelay $0x3  }
0x94: {  	_ =	strace s2  }
0x95: {  	s2 =	sld [smem:$0x3FFD];
	_ =	sdelay $0x3  }
0x96: {  	_ =	strace s2  }
0x97: {  	_ =	strace $0x8FFFFFFF  }
0x98: {  	s18 =	sld [smem:$0x3FDB];
	_ =	sdelay $0x1  }
0x99: {  	s19 =	simm.s32 $_scs_section_size  }
0x9a: {  	s4 =	simm.s32 $_size__tile_overlayer_lowered;
	s5 =	simm.s32 $_tile_overlayer_lowered  }
0x9b: {  	s22 =	simm.s32 $0x1BFF;
	s21 =	sshll.u32 s5, $0x1;
	s2 =	sadd.s32 s19, s18  }
0x9c: {  	s6 =	simm.s32 $0x0;
	s20 =	sshll.u32 s4, $0x1;
	s4 =	sadd.s32 s21, s2  }
0x9d: {  	[timem:s6], [sflag:s22] =	dma.local [hbm:s4], s20  }
0x9e: {  	_ =	swait.ge [sflag:s22], s20  }
0x9f: {  	s3 =	ssub.s32 $0x0, s20;
	[sflag:s22] =	ssyncset.done $0x0  }
0xa0: {  	[sflag:s22] =	ssyncadd.s32 s3;
	_ =	sdelay $0x1  }
0xa1: {  	s23 =	simm.s32 $0x1B8B  }
0xa2: {  	_ =	swait.ge [sflag:s23], $0x1  }
0xa3: {  	[sflag:s23] =	ssyncset.done $0x0  }
0xa4: {  	s25 =	simm.s32 $0x1B8E;
	s24 =	sld [smem:$0x3FFE];
	[sflag:s23] =	ssyncadd.s32 $0xFFFFFFFF  }
0xa5: {  	s26 =	simm.s32 $execute0_lowered;
	[smem:$0x3FD2] =	sst s25  }
0xa6: {  	s4 =	sshll.u32 s26, $0x1;
	_ =	strace $0x80000049;
	[dreg:$0x1] =	wrdreg $0xFFFFFFFF  }
0xa7: {  	s28 =	simm.s32 $_size_execute0_lowered;
	s2 =	sadd.s32 s2, s4;
	[dreg:$0x0] =	wrdreg $0x0  }
0xa8: {  	s4 =	sshll.u32 s28, $0x1;
	[dreg:$0x2] =	wrdreg s2  }
0xa9: {  	[dreg:$0x3] =	wrdreg s4  }
0xaa: {  	[dreg:$0x4] =	wrdreg $0xC0  }
0xab: {  	_ =	task [dreg:s6], $0x5FFFF  }
0xac: {  	[dreg:$0x1] =	wrdreg $0xFFFFFFFF  }
0xad: {  	[dreg:$0x0] =	wrdreg $0x60  }
0xae: {  	[dreg:$0x2] =	wrdreg s24  }
0xaf: {  	[dreg:$0x3] =	wrdreg $0x9  }
0xb0: {  	_ =	task.clear_ibuf [dreg:s6], $0x4FFFF;
	_ =	strace $0x90000049  }
0xb1: {  	s29 =	simm.s32 $0x9;
	_ =	strace $0x8000004B  }
0xb2: {  	_ =	swait.ge [sflag:s29], $0x1  }
0xb3: {  	[sflag:s29] =	ssyncadd.s32 $0xFFFFFFFF  }
0xb4: {  	_ =	strace $0x9000004B  }
0xb5: {  	_ =	sfence  }
0xb6: {  	s30 =	sld [smem:$0x0];
	_ =	sdelay $0x2  }
0xb7: {  	s31 =	sshll.u32 s1, $0xD;
	s1 =	sshrl.u32 s1, $0x2  }
0xb8: {  	s3 =	sand.u32 $0x4000, s31;
	s1 =	sadd.s32 s1, s30  }
0xb9: {  	s0 =	sor.u32 s3, s0;
	s1 =	sshll.u32 s1, $0x11  }
0xba: {  	s0 =	sor.u32 s1, s0  }
0xbb: {  	s0 =	sadd.s32 $0x8F2B, s0  }
0xbc: {  	[sflag:s0] =	ssyncadd.remote.s32 $0x1  }
0xbd: {  	_ =	sfence.sel $0xFFFF  }
0xbe: {  	[dreg:$0x0] =	wrdreg $0xFFFFFFFF;
	(pc) =	sbr.abs _section_cstart, $3  }
0xbf: {  	[dreg:$0x1] =	wrdreg $0xFFFFFFFF  }
0xc0: {  	_ =	task.clear_ibuf [dreg:s6], $0x2FFFF;
	_ =	strace $0x9FFFFFFF  }
0xc1: {  	(tm) =	ssettm $0x7FFFFFFF  }
tec
execute0_lowered:
.L_overlay_start_1:
0x0: {  	(tag) =	ssettag $0x1  }
0x1: {  	s0 =	srdreg.scid;
	s7 =	rddreg [dreg:$0x0]  }
0x2: {  	s11 =	simm.s32 $0x400;
	s12 =	simm.s32 $0x6400;
	s13 =	simm.s32 $0x5  }
0x3: {  	s14 =	simm.s32 $0x3200;
	s15 =	simm.s32 $0x1900;
	s16 =	simm.s32 $0x4B00  }
0x4: {  	s17 =	simm.s32 $0x1;
	s18 =	simm.s32 $0x3;
	s3 =	sand.u32 $0x1, s0  }
0x5: {  	s19 =	simm.s32 $0x10400;
	s0 =	stileid.u32;
	s1 =	sshll.u32 s3, $0x4  }
0x6: {  	s20 =	simm.s32 $0x2;
	s21 =	simm.s32 $0x4;
	s2 =	sor.u32 s0, s1  }
0x7: {  	s22 =	simm.s32 $0x0;
	s5 =	sshll.u32 s0, $0x7;
	s4 =	sshrl.u32 s2, $0x3  }
0x8: {  	s31 =	ssub.s32 $0x2, s3;
	s3 =	sadd.s32 $0xAE00, s7;
	s4 =	smul.u32 $0x50000, s4  }
0x9: {  	s1 =	rddreg [dreg:$0x1];
	s5 =	sand.u32 $0x380, s5;
	s8 =	sshrl.u32 s31, $0x1  }
.Ltmp0:
0xa: {  	s2 =	simm.s32 $0x0;
	s4 =	sor.u32 s5, s4;
	(pc) =	sbr.rel .LBB2_1-.Ltmp0, $4  }
0xb: {  	s10 =	ssub.s32 s31, s8;
	[smem:$0x7FF] =	sst s2;
	s6 =	sshrl.u32 s4, $0x3  }
0xc: {  	_ =	strace $0x8000004A;
	s4 =	sadd.s32 $0x1000, s7;
	s9 =	sadd.s32 s6, s7  }
0xd: {  	s6 =	sadd.s32 $0xB120, s7;
	s7 =	sadd.s32 $0x1320, s7;
	s5 =	sadd.s32 $0x14C00, s9  }
0xe: {  	v0 =	vimm.f32 $0.0e+00;
	s8 =	sadd.s32 $0x3CC00, s9;
	s9 =	smax.u32 s10, $0x1;
	s10 =	simm.s32 $0x80  }
.LBB2_10:
0xf: {  	s22 =	sadd.s32 $0x1, s22  }
0x10: {  	p0 =	sne.s32 s22, s9  }
.Ltmp1:
0x11: {  	_ = 	snop;
	(pc) =	sbr.rel @!p0 .LBB2_11-.Ltmp1, $4  }
0x12: {  	[hbm4b:s8+s10] =	stream.strided.scatter [tilespmem:s19], [sflag:$0x5], $0xA000, s11, s10, $0x38;
	[tilespmem:$0x1A400] =	vst v63  }
0x13: {  	_ =	swait.ge [sflag:s13], $0xA000  }
0x14: {  	[sflag:s13] =	ssyncset.done $0x0  }
0x15: {  	[sflag:s13] =	ssyncadd.s32 $0xFFFF6000  }
.LBB2_1:
0x16: {  	[tilespmem:s12], [sflag:$0x5] =	stream.strided.gather [hbm4b:s5+s10], $0xA000, s11, s10, $0x38;
	[tilespmem:$0x1A400] =	vst v63  }
0x17: {  	_ =	swait.ge [sflag:s13], $0xA000  }
0x18: {  	[sflag:s13] =	ssyncset.done $0x0  }
0x19: {  	s24 =	simm.s32 $0x100;
	s23 =	simm.s32 $0x0;
	[sflag:s13] =	ssyncadd.s32 $0xFFFF6000  }
.LBB2_2:
0x1a: {  	p0 =	sne.s32 s24, $0x27F00;
	[tilespmem:s23+$0x10430] =	vst v0;
	s25 =	smov.u32 s24;
	s24 =	sadd.s32 $0x100, s24  }
.Ltmp2:
0x1b: {  	[tilespmem:s23+$0x10420] =	vst v0;
	(pc) =	sbr.rel @p0 .LBB2_2-.Ltmp2, $3  }
0x1c: {  	[tilespmem:s23+$0x10400] =	vst v0  }
0x1d: {  	[tilespmem:s23+$0x10410] =	vst v0;
	_ =	sdelay $0x1  }
0x1e: {  	s23 =	sshra.s32 s25, $0x2  }
0x1f: {  	[tilespmem:s23+$0x10430] =	vst v0  }
0x20: {  	[tilespmem:s23+$0x10420] =	vst v0  }
0x21: {  	[tilespmem:s23+$0x10400] =	vst v0  }
0x22: {  	[tilespmem:s23+$0x10410] =	vst v0;
	s23 =	simm.s32 $0x0  }
0x23: {  	[tilespmem:s23], [sflag:$0x1] =	stream.linear.gather [hbm4b:s3+s23], $0x1900, $0x38;
	[tilespmem:$0x1A400] =	vst v63  }
0x24: {  	_ = 	snop  }
0x25: {  	[tilespmem:s14], [sflag:$0x3] =	stream.linear.gather [hbm4b:s4+s23], $0x1900, $0x38;
	[tilespmem:$0x1A400] =	vst v63  }
0x26: {  	_ = 	snop  }
0x27: {  	[tilespmem:s15], [sflag:$0x2] =	stream.linear.gather [hbm4b:s6+s23], $0x1900, $0x38;
	[tilespmem:$0x1A400] =	vst v63  }
0x28: {  	_ = 	snop  }
0x29: {  	[tilespmem:s16], [sflag:$0x4] =	stream.linear.gather [hbm4b:s7+s23], $0x1900, $0x38;
	[tilespmem:$0x1A400] =	vst v63  }
.LBB2_4:
0x2a: {  	_ =	swait.ge [sflag:s17], $0x1900  }
0x2b: {  	[sflag:s17] =	ssyncset.done $0x0  }
0x2c: {  	[sflag:s17] =	ssyncadd.s32 $0xFFFFE700  }
0x2d: {  	_ =	swait.ge [sflag:s18], $0x1900  }
0x2e: {  	[sflag:s18] =	ssyncset.done $0x0  }
0x2f: {  	s24 =	simm.s32 $0x0;
	[sflag:s18] =	ssyncadd.s32 $0xFFFFE700  }
0x30: {  	v2 =	vld [tilespmem:s24+$0x3270]  }
0x31: {  	v3 =	vld [tilespmem:s24+$0x3260]  }
0x32: {  	v4 =	vld [tilespmem:s24+$0x3250]  }
0x33: {  	v5 =	vld [tilespmem:s24+$0x3240]  }
0x34: {  	v6 =	vld [tilespmem:s24+$0x3210]  }
0x35: {  	v1 =	vld [tilespmem:s24+$0x0]  }
0x36: {  	v7 =	vld [tilespmem:s24+$0x3220]  }
0x37: {  	v8 =	vld [tilespmem:s24+$0x50]  }
0x38: {  	v9 =	vld [tilespmem:s24+$0x70]  }
0x39: {  	v10 =	vld [tilespmem:s24+$0x40]  }
0x3a: {  	v12 =	vld [tilespmem:s24+$0x60]  }
0x3b: {  	v11 =	vld [tilespmem:s24+$0x10]  }
0x3c: {  	v13 =	vld [tilespmem:s24+$0x20]  }
0x3d: {  	v19 =	vld [tilespmem:s24+$0x30]  }
0x3e: {  	v14 =	vld [tilespmem:s24+$0x3230]  }
0x3f: {  	v16 =	vld [tilespmem:s24+$0x3200]  }
0x40: {  	v17 =	vld.idx.msk [tilespmem:v1+s12+$0x0], $0xffff  }
0x41: {  	v21 =	vld.idx.msk [tilespmem:v10+s12+$0x0], $0xffff  }
0x42: {  	v22 =	vld.idx.msk [tilespmem:v12+s12+$0x0], $0xffff  }
0x43: {  	v15 =	vadd.s32 $0x2800, v9;
	v26 =	vld.idx.msk [tilespmem:v9+s12+$0x0], $0xffff  }
0x44: {  	v18 =	vadd.s32 $0x7800, v8;
	v27 =	vld.idx.msk [tilespmem:v11+s12+$0x0], $0xffff  }
0x45: {  	v20 =	vadd.s32 $0x5000, v8;
	v31 =	vld.idx.msk [tilespmem:v19+s12+$0x0], $0xffff  }
0x46: {  	v23 =	vadd.s32 $0x2800, v12;
	v36 =	vld.idx.msk [tilespmem:v13+s12+$0x0], $0xffff  }
0x47: {  	v24 =	vadd.s32 $0x5000, v1;
	v40 =	vadd.s32 $0x2800, v8;
	v8 =	vld.idx.msk [tilespmem:v8+s12+$0x0], $0xffff  }
0x48: {  	v25 =	vadd.s32 $0x7800, v1;
	v15 =	vld.idx.msk [tilespmem:v15+s12+$0x0], $0xffff  }
0x49: {  	v28 =	vadd.s32 $0x7800, v12;
	v18 =	vld.idx.msk [tilespmem:v18+s12+$0x0], $0xffff  }
0x4a: {  	v29 =	vadd.s32 $0x7800, v9;
	v20 =	vld.idx.msk [tilespmem:v20+s12+$0x0], $0xffff  }
0x4b: {  	v30 =	vadd.s32 $0x2800, v10;
	v23 =	vld.idx.msk [tilespmem:v23+s12+$0x0], $0xffff  }
0x4c: {  	v32 =	vadd.s32 $0x2800, v1;
	v24 =	vld.idx.msk [tilespmem:v24+s12+$0x0], $0xffff  }
0x4d: {  	v33 =	vadd.s32 $0x7800, v10;
	v25 =	vld.idx.msk [tilespmem:v25+s12+$0x0], $0xffff  }
0x4e: {  	v49 =	vadd.s32 $0x2800, v11;
	v28 =	vld.idx.msk [tilespmem:v28+s12+$0x0], $0xffff  }
0x4f: {  	v34 =	vadd.s32 $0x7800, v13;
	v1 =	vld.idx.msk [tilespmem:v29+s12+$0x0], $0xffff  }
0x50: {  	v35 =	vadd.s32 $0x7800, v19;
	v30 =	vld.idx.msk [tilespmem:v30+s12+$0x0], $0xffff  }
0x51: {  	v37 =	vadd.s32 $0x5000, v19;
	v32 =	vld.idx.msk [tilespmem:v32+s12+$0x0], $0xffff  }
0x52: {  	v38 =	vadd.s32 $0x5000, v11;
	v33 =	vld.idx.msk [tilespmem:v33+s12+$0x0], $0xffff  }
0x53: {  	v39 =	vadd.s32 $0x5000, v13;
	v29 =	vld.idx.msk [tilespmem:v49+s12+$0x0], $0xffff  }
0x54: {  	v34 =	vld.idx.msk [tilespmem:v34+s12+$0x0], $0xffff  }
0x55: {  	v12 =	vadd.s32 $0x5000, v12;
	v35 =	vld.idx.msk [tilespmem:v35+s12+$0x0], $0xffff  }
0x56: {  	v9 =	vadd.s32 $0x5000, v9;
	v37 =	vld.idx.msk [tilespmem:v37+s12+$0x0], $0xffff  }
0x57: {  	v10 =	vadd.s32 $0x5000, v10;
	v38 =	vld.idx.msk [tilespmem:v38+s12+$0x0], $0xffff  }
0x58: {  	v19 =	vadd.s32 $0x2800, v19;
	v39 =	vld.idx.msk [tilespmem:v39+s12+$0x0], $0xffff  }
0x59: {  	v11 =	vadd.s32 $0x7800, v11;
	v40 =	vld.idx.msk [tilespmem:v40+s12+$0x0], $0xffff  }
0x5a: {  	v13 =	vadd.s32 $0x2800, v13;
	v12 =	vld.idx.msk [tilespmem:v12+s12+$0x0], $0xffff  }
0x5b: {  	v9 =	vld.idx.msk [tilespmem:v9+s12+$0x0], $0xffff  }
0x5c: {  	v41 =	vadd.s32 $0x2800, v16;
	v10 =	vld.idx.msk [tilespmem:v10+s12+$0x0], $0xffff  }
0x5d: {  	v42 =	vadd.s32 $0x5000, v16;
	v19 =	vld.idx.msk [tilespmem:v19+s12+$0x0], $0xffff  }
0x5e: {  	v43 =	vadd.s32 $0x7800, v16;
	v11 =	vld.idx.msk [tilespmem:v11+s12+$0x0], $0xffff  }
0x5f: {  	v13 =	vld.idx.msk [tilespmem:v13+s12+$0x0], $0xffff  }
0x60: {  	v44 =	vadd.s32 $0x2800, v6;
	[tilespmem:v16+s19+$0x0] =	vst.idx.add.f32.msk $0xffff, v17  }
0x61: {  	v50 =	vadd.s32 $0x5000, v6;
	[tilespmem:v41+s19+$0x0] =	vst.idx.add.f32.msk $0xffff, v32  }
0x62: {  	v51 =	vadd.s32 $0x7800, v6;
	[tilespmem:v42+s19+$0x0] =	vst.idx.add.f32.msk $0xffff, v24  }
0x63: {  	[tilespmem:v43+s19+$0x0] =	vst.idx.add.f32.msk $0xffff, v25  }
0x64: {  	v52 =	vadd.s32 $0x2800, v7;
	[tilespmem:v6+s19+$0x0] =	vst.idx.add.f32.msk $0xffff, v27  }
0x65: {  	v53 =	vadd.s32 $0x5000, v7;
	[tilespmem:v44+s19+$0x0] =	vst.idx.add.f32.msk $0xffff, v29  }
0x66: {  	v54 =	vadd.s32 $0x7800, v7;
	[tilespmem:v50+s19+$0x0] =	vst.idx.add.f32.msk $0xffff, v38  }
0x67: {  	[tilespmem:v51+s19+$0x0] =	vst.idx.add.f32.msk $0xffff, v11  }
0x68: {  	v55 =	vadd.s32 $0x2800, v14;
	[tilespmem:v7+s19+$0x0] =	vst.idx.add.f32.msk $0xffff, v36  }
0x69: {  	v56 =	vadd.s32 $0x5000, v14;
	[tilespmem:v52+s19+$0x0] =	vst.idx.add.f32.msk $0xffff, v13  }
0x6a: {  	v57 =	vadd.s32 $0x7800, v14;
	[tilespmem:v53+s19+$0x0] =	vst.idx.add.f32.msk $0xffff, v39  }
0x6b: {  	[tilespmem:v54+s19+$0x0] =	vst.idx.add.f32.msk $0xffff, v34  }
0x6c: {  	v58 =	vadd.s32 $0x2800, v5;
	[tilespmem:v14+s19+$0x0] =	vst.idx.add.f32.msk $0xffff, v31  }
0x6d: {  	v59 =	vadd.s32 $0x5000, v5;
	[tilespmem:v55+s19+$0x0] =	vst.idx.add.f32.msk $0xffff, v19  }
0x6e: {  	v60 =	vadd.s32 $0x7800, v5;
	[tilespmem:v56+s19+$0x0] =	vst.idx.add.f32.msk $0xffff, v37  }
0x6f: {  	[tilespmem:v57+s19+$0x0] =	vst.idx.add.f32.msk $0xffff, v35  }
0x70: {  	[tilespmem:v5+s19+$0x0] =	vst.idx.add.f32.msk $0xffff, v21;
	v5 =	vadd.s32 $0x2800, v4  }
0x71: {  	v61 =	vadd.s32 $0x5000, v4;
	[tilespmem:v58+s19+$0x0] =	vst.idx.add.f32.msk $0xffff, v30  }
0x72: {  	v62 =	vadd.s32 $0x7800, v4;
	[tilespmem:v59+s19+$0x0] =	vst.idx.add.f32.msk $0xffff, v10  }
0x73: {  	[tilespmem:v60+s19+$0x0] =	vst.idx.add.f32.msk $0xffff, v33  }
0x74: {  	[tilespmem:v4+s19+$0x0] =	vst.idx.add.f32.msk $0xffff, v8;
	v4 =	vadd.s32 $0x2800, v3  }
0x75: {  	[tilespmem:v5+s19+$0x0] =	vst.idx.add.f32.msk $0xffff, v40;
	v5 =	vadd.s32 $0x5000, v3  }
0x76: {  	v63 =	vadd.s32 $0x7800, v3;
	[tilespmem:v61+s19+$0x0] =	vst.idx.add.f32.msk $0xffff, v20  }
0x77: {  	[tilespmem:v62+s19+$0x0] =	vst.idx.add.f32.msk $0xffff, v18  }
0x78: {  	[tilespmem:v3+s19+$0x0] =	vst.idx.add.f32.msk $0xffff, v22;
	v3 =	vadd.s32 $0x2800, v2  }
0x79: {  	[tilespmem:v4+s19+$0x0] =	vst.idx.add.f32.msk $0xffff, v23  }
0x7a: {  	[tilespmem:v5+s19+$0x0] =	vst.idx.add.f32.msk $0xffff, v12  }
0x7b: {  	[tilespmem:v63+s19+$0x0] =	vst.idx.add.f32.msk $0xffff, v28  }
0x7c: {  	v4 =	vadd.s32 $0x5000, v2;
	[tilespmem:v2+s19+$0x0] =	vst.idx.add.f32.msk $0xffff, v26  }
0x7d: {  	[tilespmem:v3+s19+$0x0] =	vst.idx.add.f32.msk $0xffff, v15;
	v3 =	vadd.s32 $0x7800, v2;
	_ =	sdelay $0x3  }
0x7e: {  	s24 =	simm.s32 $0x200;
	[tilespmem:v4+s19+$0x0] =	vst.idx.add.f32.msk $0xffff, v9  }
.LBB2_5:
0x7f: {  	s25 =	sshra.s32 s24, $0x2;
	p0 =	sne.s32 s24, $0x6200;
	s24 =	sadd.s32 $0x200, s24;
	[tilespmem:v3+s19+$0x0] =	vst.idx.add.f32.msk $0xffff, v1  }
0x80: {  	v2 =	vld [tilespmem:s25+$0x3270]  }
0x81: {  	v3 =	vld [tilespmem:s25+$0x3260]  }
0x82: {  	v4 =	vld [tilespmem:s25+$0x3250]  }
0x83: {  	v5 =	vld [tilespmem:s25+$0x3240]  }
0x84: {  	v15 =	vld [tilespmem:s25+$0x3210]  }
0x85: {  	v1 =	vld [tilespmem:s25+$0x0]  }
0x86: {  	v11 =	vld [tilespmem:s25+$0x3220]  }
0x87: {  	v16 =	vld [tilespmem:s25+$0x50]  }
0x88: {  	v17 =	vld [tilespmem:s25+$0x70]  }
0x89: {  	v18 =	vld [tilespmem:s25+$0x40]  }
0x8a: {  	v19 =	vld [tilespmem:s25+$0x10]  }
0x8b: {  	v20 =	vld [tilespmem:s25+$0x60]  }
0x8c: {  	v21 =	vld [tilespmem:s25+$0x20]  }
0x8d: {  	v13 =	vld [tilespmem:s25+$0x3230];
	v6 =	vadd.s32 $0x2800, v17  }
0x8e: {  	v22 =	vld [tilespmem:s25+$0x3200]  }
0x8f: {  	v24 =	vadd.s32 $0x2800, v15;
	v7 =	vadd.s32 $0x7800, v16;
	v23 =	vld.idx.msk [tilespmem:v1+s12+$0x0], $0xffff  }
0x90: {  	v10 =	vadd.s32 $0x5000, v16;
	v25 =	vld [tilespmem:s25+$0x30]  }
0x91: {  	v26 =	vadd.s32 $0x2800, v16;
	v14 =	vld.idx.msk [tilespmem:v18+s12+$0x0], $0xffff  }
0x92: {  	v6 =	vld.idx.msk [tilespmem:v6+s12+$0x0], $0xffff  }
0x93: {  	v12 =	vadd.s32 $0x2800, v20;
	v8 =	vld.idx.msk [tilespmem:v20+s12+$0x0], $0xffff  }
0x94: {  	v27 =	vadd.s32 $0x5000, v1;
	v9 =	vld.idx.msk [tilespmem:v7+s12+$0x0], $0xffff  }
0x95: {  	v28 =	vadd.s32 $0x7800, v1;
	v10 =	vld.idx.msk [tilespmem:v10+s12+$0x0], $0xffff  }
0x96: {  	v7 =	vld.idx.msk [tilespmem:v17+s12+$0x0], $0xffff  }
0x97: {  	v30 =	vadd.s32 $0x7800, v20;
	v29 =	vld.idx.msk [tilespmem:v19+s12+$0x0], $0xffff  }
0x98: {  	v32 =	vadd.s32 $0x2800, v18;
	v31 =	vadd.s32 $0x5000, v19;
	v20 =	vadd.s32 $0x5000, v20;
	v12 =	vld.idx.msk [tilespmem:v12+s12+$0x0], $0xffff  }
0x99: {  	v33 =	vadd.s32 $0x5000, v17;
	v17 =	vadd.s32 $0x7800, v17;
	v27 =	vld.idx.msk [tilespmem:v27+s12+$0x0], $0xffff  }
0x9a: {  	v28 =	vld.idx.msk [tilespmem:v28+s12+$0x0], $0xffff  }
0x9b: {  	v34 =	vadd.s32 $0x2800, v1;
	v36 =	vadd.s32 $0x5000, v18;
	v35 =	vld.idx.msk [tilespmem:v25+s12+$0x0], $0xffff  }
0x9c: {  	v18 =	vadd.s32 $0x7800, v18;
	v30 =	vld.idx.msk [tilespmem:v30+s12+$0x0], $0xffff  }
0x9d: {  	v37 =	vadd.s32 $0x7800, v21;
	v20 =	vld.idx.msk [tilespmem:v20+s12+$0x0], $0xffff  }
0x9e: {  	v38 =	vadd.s32 $0x2800, v19;
	v1 =	vld.idx.msk [tilespmem:v17+s12+$0x0], $0xffff  }
0x9f: {  	v17 =	vld.idx.msk [tilespmem:v33+s12+$0x0], $0xffff  }
0xa0: {  	v33 =	vadd.s32 $0x7800, v25;
	v32 =	vld.idx.msk [tilespmem:v32+s12+$0x0], $0xffff  }
0xa1: {  	v40 =	vadd.s32 $0x5000, v25;
	v39 =	vld.idx.msk [tilespmem:v21+s12+$0x0], $0xffff  }
0xa2: {  	v25 =	vadd.s32 $0x2800, v25;
	v34 =	vld.idx.msk [tilespmem:v34+s12+$0x0], $0xffff  }
0xa3: {  	v18 =	vld.idx.msk [tilespmem:v18+s12+$0x0], $0xffff  }
0xa4: {  	v41 =	vadd.s32 $0x5000, v21;
	v19 =	vadd.s32 $0x7800, v19;
	v38 =	vld.idx.msk [tilespmem:v38+s12+$0x0], $0xffff  }
0xa5: {  	v21 =	vadd.s32 $0x2800, v21;
	v37 =	vld.idx.msk [tilespmem:v37+s12+$0x0], $0xffff  }
0xa6: {  	v33 =	vld.idx.msk [tilespmem:v33+s12+$0x0], $0xffff  }
0xa7: {  	v40 =	vld.idx.msk [tilespmem:v40+s12+$0x0], $0xffff  }
0xa8: {  	v36 =	vld.idx.msk [tilespmem:v36+s12+$0x0], $0xffff  }
0xa9: {  	v25 =	vld.idx.msk [tilespmem:v25+s12+$0x0], $0xffff  }
0xaa: {  	v31 =	vld.idx.msk [tilespmem:v31+s12+$0x0], $0xffff  }
0xab: {  	v19 =	vld.idx.msk [tilespmem:v19+s12+$0x0], $0xffff  }
0xac: {  	v42 =	vadd.s32 $0x2800, v22;
	v41 =	vld.idx.msk [tilespmem:v41+s12+$0x0], $0xffff  }
0xad: {  	v43 =	vadd.s32 $0x5000, v22;
	v21 =	vld.idx.msk [tilespmem:v21+s12+$0x0], $0xffff  }
0xae: {  	v44 =	vadd.s32 $0x7800, v22;
	v16 =	vld.idx.msk [tilespmem:v16+s12+$0x0], $0xffff  }
0xaf: {  	v26 =	vld.idx.msk [tilespmem:v26+s12+$0x0], $0xffff  }
0xb0: {  	[tilespmem:v22+s19+$0x0] =	vst.idx.add.f32.msk $0xffff, v23  }
0xb1: {  	v22 =	vadd.s32 $0x5000, v15;
	[tilespmem:v42+s19+$0x0] =	vst.idx.add.f32.msk $0xffff, v34  }
0xb2: {  	v23 =	vadd.s32 $0x7800, v15;
	[tilespmem:v43+s19+$0x0] =	vst.idx.add.f32.msk $0xffff, v27  }
0xb3: {  	[tilespmem:v44+s19+$0x0] =	vst.idx.add.f32.msk $0xffff, v28  }
0xb4: {  	[tilespmem:v15+s19+$0x0] =	vst.idx.add.f32.msk $0xffff, v29;
	v15 =	vadd.s32 $0x2800, v11  }
0xb5: {  	[tilespmem:v24+s19+$0x0] =	vst.idx.add.f32.msk $0xffff, v38;
	v24 =	vadd.s32 $0x5000, v11  }
0xb6: {  	[tilespmem:v22+s19+$0x0] =	vst.idx.add.f32.msk $0xffff, v31;
	v22 =	vadd.s32 $0x7800, v11  }
0xb7: {  	[tilespmem:v23+s19+$0x0] =	vst.idx.add.f32.msk $0xffff, v19  }
0xb8: {  	[tilespmem:v11+s19+$0x0] =	vst.idx.add.f32.msk $0xffff, v39;
	v11 =	vadd.s32 $0x2800, v13  }
0xb9: {  	[tilespmem:v15+s19+$0x0] =	vst.idx.add.f32.msk $0xffff, v21;
	v15 =	vadd.s32 $0x5000, v13  }
0xba: {  	v19 =	vadd.s32 $0x7800, v13;
	[tilespmem:v24+s19+$0x0] =	vst.idx.add.f32.msk $0xffff, v41  }
0xbb: {  	[tilespmem:v22+s19+$0x0] =	vst.idx.add.f32.msk $0xffff, v37  }
0xbc: {  	[tilespmem:v13+s19+$0x0] =	vst.idx.add.f32.msk $0xffff, v35;
	v13 =	vadd.s32 $0x2800, v5  }
0xbd: {  	[tilespmem:v11+s19+$0x0] =	vst.idx.add.f32.msk $0xffff, v25;
	v11 =	vadd.s32 $0x5000, v5  }
0xbe: {  	[tilespmem:v15+s19+$0x0] =	vst.idx.add.f32.msk $0xffff, v40;
	v15 =	vadd.s32 $0x7800, v5  }
0xbf: {  	[tilespmem:v19+s19+$0x0] =	vst.idx.add.f32.msk $0xffff, v33  }
0xc0: {  	[tilespmem:v5+s19+$0x0] =	vst.idx.add.f32.msk $0xffff, v14;
	v5 =	vadd.s32 $0x2800, v4  }
0xc1: {  	[tilespmem:v13+s19+$0x0] =	vst.idx.add.f32.msk $0xffff, v32;
	v13 =	vadd.s32 $0x5000, v4  }
0xc2: {  	[tilespmem:v11+s19+$0x0] =	vst.idx.add.f32.msk $0xffff, v36;
	v11 =	vadd.s32 $0x7800, v4  }
0xc3: {  	[tilespmem:v15+s19+$0x0] =	vst.idx.add.f32.msk $0xffff, v18  }
0xc4: {  	[tilespmem:v4+s19+$0x0] =	vst.idx.add.f32.msk $0xffff, v16;
	v4 =	vadd.s32 $0x2800, v3  }
0xc5: {  	[tilespmem:v5+s19+$0x0] =	vst.idx.add.f32.msk $0xffff, v26;
	v5 =	vadd.s32 $0x5000, v3  }
0xc6: {  	[tilespmem:v13+s19+$0x0] =	vst.idx.add.f32.msk $0xffff, v10;
	v10 =	vadd.s32 $0x7800, v3  }
0xc7: {  	[tilespmem:v11+s19+$0x0] =	vst.idx.add.f32.msk $0xffff, v9  }
0xc8: {  	[tilespmem:v3+s19+$0x0] =	vst.idx.add.f32.msk $0xffff, v8;
	v8 =	vadd.s32 $0x2800, v2  }
0xc9: {  	[tilespmem:v4+s19+$0x0] =	vst.idx.add.f32.msk $0xffff, v12;
	v4 =	vadd.s32 $0x5000, v2  }
.Ltmp3:
0xca: {  	v3 =	vadd.s32 $0x7800, v2;
	[tilespmem:v5+s19+$0x0] =	vst.idx.add.f32.msk $0xffff, v20;
	(pc) =	sbr.rel @p0 .LBB2_5-.Ltmp3, $4  }
0xcb: {  	[tilespmem:v10+s19+$0x0] =	vst.idx.add.f32.msk $0xffff, v30  }
0xcc: {  	[tilespmem:v2+s19+$0x0] =	vst.idx.add.f32.msk $0xffff, v7  }
0xcd: {  	[tilespmem:v8+s19+$0x0] =	vst.idx.add.f32.msk $0xffff, v6  }
0xce: {  	[tilespmem:v4+s19+$0x0] =	vst.idx.add.f32.msk $0xffff, v17  }
0xcf: {  	p0 =	seq.s32 s23, $0x18  }
0xd0: {  	s24 =	smul.u32 @!p0 $0x3200, s23;
	_ =	sdelay $0x1  }
0xd1: {  	s24 =	sshrl.u32 @!p0 s24, $0x3  }
0xd2: {  	s24 =	sadd.s32 @!p0 $0x640, s24  }
0xd3: {  	[tilespmem:v3+s19+$0x0] =	vst.idx.add.f32.msk $0xffff, v1;
	s26 =	simm.s32 @!p0 $0x0;
	s25 =	sadd.s32 @!p0 s3, s24  }
0xd4: {  	[tilespmem:s26], [sflag:$0x1] =	stream.linear.gather @!p0 [hbm4b:s25+s26], $0x1900, $0x38;
	[tilespmem:$0x1A400] =	vst v63  }
0xd5: {  	s24 =	sadd.s32 @!p0 s4, s24;
	s25 =	simm.s32 @!p0 $0x3200  }
0xd6: {  	[tilespmem:s25], [sflag:$0x3] =	stream.linear.gather @!p0 [hbm4b:s24+s26], $0x1900, $0x38;
	[tilespmem:$0x1A400] =	vst v63  }
0xd7: {  	_ =	swait.ge [sflag:s20], $0x1900  }
0xd8: {  	[sflag:s20] =	ssyncset.done $0x0  }
0xd9: {  	[sflag:s20] =	ssyncadd.s32 $0xFFFFE700  }
0xda: {  	_ =	swait.ge [sflag:s21], $0x1900  }
0xdb: {  	[sflag:s21] =	ssyncset.done $0x0  }
0xdc: {  	s31 =	simm.s32 $0x0;
	[sflag:s21] =	ssyncadd.s32 $0xFFFFE700  }
0xdd: {  	v2 =	vld [tilespmem:s31+$0x4B70]  }
0xde: {  	v3 =	vld [tilespmem:s31+$0x4B60]  }
0xdf: {  	v4 =	vld [tilespmem:s31+$0x4B50]  }
0xe0: {  	v5 =	vld [tilespmem:s31+$0x4B40]  }
0xe1: {  	v6 =	vld [tilespmem:s31+$0x4B10]  }
0xe2: {  	v1 =	vld [tilespmem:s31+$0x1900]  }
0xe3: {  	v7 =	vld [tilespmem:s31+$0x4B20]  }
0xe4: {  	v8 =	vld [tilespmem:s31+$0x1950]  }
0xe5: {  	v9 =	vld [tilespmem:s31+$0x1970]  }
0xe6: {  	v10 =	vld [tilespmem:s31+$0x1940]  }
0xe7: {  	v12 =	vld [tilespmem:s31+$0x1960]  }
0xe8: {  	v11 =	vld [tilespmem:s31+$0x1910]  }
0xe9: {  	v13 =	vld [tilespmem:s31+$0x1920]  }
0xea: {  	v19 =	vld [tilespmem:s31+$0x1930]  }
0xeb: {  	v14 =	vld [tilespmem:s31+$0x4B30]  }
0xec: {  	v16 =	vld [tilespmem:s31+$0x4B00]  }
0xed: {  	v17 =	vld.idx.msk [tilespmem:v1+s12+$0x0], $0xffff  }
0xee: {  	v21 =	vld.idx.msk [tilespmem:v10+s12+$0x0], $0xffff  }
0xef: {  	v22 =	vld.idx.msk [tilespmem:v12+s12+$0x0], $0xffff  }
0xf0: {  	v15 =	vadd.s32 $0x2800, v9;
	v26 =	vld.idx.msk [tilespmem:v9+s12+$0x0], $0xffff  }
0xf1: {  	v18 =	vadd.s32 $0x7800, v8;
	v27 =	vld.idx.msk [tilespmem:v11+s12+$0x0], $0xffff  }
0xf2: {  	v20 =	vadd.s32 $0x5000, v8;
	v31 =	vld.idx.msk [tilespmem:v19+s12+$0x0], $0xffff  }
0xf3: {  	v23 =	vadd.s32 $0x2800, v12;
	v36 =	vld.idx.msk [tilespmem:v13+s12+$0x0], $0xffff  }
0xf4: {  	v24 =	vadd.s32 $0x5000, v1;
	v40 =	vadd.s32 $0x2800, v8;
	v8 =	vld.idx.msk [tilespmem:v8+s12+$0x0], $0xffff  }
0xf5: {  	v25 =	vadd.s32 $0x7800, v1;
	v15 =	vld.idx.msk [tilespmem:v15+s12+$0x0], $0xffff  }
0xf6: {  	v28 =	vadd.s32 $0x7800, v12;
	v18 =	vld.idx.msk [tilespmem:v18+s12+$0x0], $0xffff  }
0xf7: {  	v29 =	vadd.s32 $0x7800, v9;
	v20 =	vld.idx.msk [tilespmem:v20+s12+$0x0], $0xffff  }
0xf8: {  	v30 =	vadd.s32 $0x2800, v10;
	v23 =	vld.idx.msk [tilespmem:v23+s12+$0x0], $0xffff  }
0xf9: {  	v32 =	vadd.s32 $0x2800, v1;
	v24 =	vld.idx.msk [tilespmem:v24+s12+$0x0], $0xffff  }
0xfa: {  	v33 =	vadd.s32 $0x7800, v10;
	v25 =	vld.idx.msk [tilespmem:v25+s12+$0x0], $0xffff  }
0xfb: {  	v49 =	vadd.s32 $0x2800, v11;
	v28 =	vld.idx.msk [tilespmem:v28+s12+$0x0], $0xffff  }
0xfc: {  	v34 =	vadd.s32 $0x7800, v13;
	v1 =	vld.idx.msk [tilespmem:v29+s12+$0x0], $0xffff  }
0xfd: {  	v35 =	vadd.s32 $0x7800, v19;
	v30 =	vld.idx.msk [tilespmem:v30+s12+$0x0], $0xffff  }
0xfe: {  	v37 =	vadd.s32 $0x5000, v19;
	v32 =	vld.idx.msk [tilespmem:v32+s12+$0x0], $0xffff  }
0xff: {  	v38 =	vadd.s32 $0x5000, v11;
	v33 =	vld.idx.msk [tilespmem:v33+s12+$0x0], $0xffff  }
0x100: {  	v39 =	vadd.s32 $0x5000, v13;
	v29 =	vld.idx.msk [tilespmem:v49+s12+$0x0], $0xffff  }
0x101: {  	v34 =	vld.idx.msk [tilespmem:v34+s12+$0x0], $0xffff  }
0x102: {  	v12 =	vadd.s32 $0x5000, v12;
	v35 =	vld.idx.msk [tilespmem:v35+s12+$0x0], $0xffff  }
0x103: {  	v9 =	vadd.s32 $0x5000, v9;
	v37 =	vld.idx.msk [tilespmem:v37+s12+$0x0], $0xffff  }
0x104: {  	v10 =	vadd.s32 $0x5000, v10;
	v38 =	vld.idx.msk [tilespmem:v38+s12+$0x0], $0xffff  }
0x105: {  	v19 =	vadd.s32 $0x2800, v19;
	v39 =	vld.idx.msk [tilespmem:v39+s12+$0x0], $0xffff  }
0x106: {  	v11 =	vadd.s32 $0x7800, v11;
	v40 =	vld.idx.msk [tilespmem:v40+s12+$0x0], $0xffff  }
0x107: {  	v13 =	vadd.s32 $0x2800, v13;
	v12 =	vld.idx.msk [tilespmem:v12+s12+$0x0], $0xffff  }
0x108: {  	v9 =	vld.idx.msk [tilespmem:v9+s12+$0x0], $0xffff  }
0x109: {  	v41 =	vadd.s32 $0x2800, v16;
	v10 =	vld.idx.msk [tilespmem:v10+s12+$0x0], $0xffff  }
0x10a: {  	v42 =	vadd.s32 $0x5000, v16;
	v19 =	vld.idx.msk [tilespmem:v19+s12+$0x0], $0xffff  }
0x10b: {  	v43 =	vadd.s32 $0x7800, v16;
	v11 =	vld.idx.msk [tilespmem:v11+s12+$0x0], $0xffff  }
0x10c: {  	v13 =	vld.idx.msk [tilespmem:v13+s12+$0x0], $0xffff  }
0x10d: {  	v44 =	vadd.s32 $0x2800, v6;
	[tilespmem:v16+s19+$0x0] =	vst.idx.add.f32.msk $0xffff, v17  }
0x10e: {  	v50 =	vadd.s32 $0x5000, v6;
	[tilespmem:v41+s19+$0x0] =	vst.idx.add.f32.msk $0xffff, v32  }
0x10f: {  	v51 =	vadd.s32 $0x7800, v6;
	[tilespmem:v42+s19+$0x0] =	vst.idx.add.f32.msk $0xffff, v24  }
0x110: {  	[tilespmem:v43+s19+$0x0] =	vst.idx.add.f32.msk $0xffff, v25  }
0x111: {  	v52 =	vadd.s32 $0x2800, v7;
	[tilespmem:v6+s19+$0x0] =	vst.idx.add.f32.msk $0xffff, v27  }
0x112: {  	v53 =	vadd.s32 $0x5000, v7;
	[tilespmem:v44+s19+$0x0] =	vst.idx.add.f32.msk $0xffff, v29  }
0x113: {  	v54 =	vadd.s32 $0x7800, v7;
	[tilespmem:v50+s19+$0x0] =	vst.idx.add.f32.msk $0xffff, v38  }
0x114: {  	[tilespmem:v51+s19+$0x0] =	vst.idx.add.f32.msk $0xffff, v11  }
0x115: {  	v55 =	vadd.s32 $0x2800, v14;
	[tilespmem:v7+s19+$0x0] =	vst.idx.add.f32.msk $0xffff, v36  }
0x116: {  	v56 =	vadd.s32 $0x5000, v14;
	[tilespmem:v52+s19+$0x0] =	vst.idx.add.f32.msk $0xffff, v13  }
0x117: {  	v57 =	vadd.s32 $0x7800, v14;
	[tilespmem:v53+s19+$0x0] =	vst.idx.add.f32.msk $0xffff, v39  }
0x118: {  	[tilespmem:v54+s19+$0x0] =	vst.idx.add.f32.msk $0xffff, v34  }
0x119: {  	v58 =	vadd.s32 $0x2800, v5;
	[tilespmem:v14+s19+$0x0] =	vst.idx.add.f32.msk $0xffff, v31  }
0x11a: {  	v59 =	vadd.s32 $0x5000, v5;
	[tilespmem:v55+s19+$0x0] =	vst.idx.add.f32.msk $0xffff, v19  }
0x11b: {  	v60 =	vadd.s32 $0x7800, v5;
	[tilespmem:v56+s19+$0x0] =	vst.idx.add.f32.msk $0xffff, v37  }
0x11c: {  	[tilespmem:v57+s19+$0x0] =	vst.idx.add.f32.msk $0xffff, v35  }
0x11d: {  	[tilespmem:v5+s19+$0x0] =	vst.idx.add.f32.msk $0xffff, v21;
	v5 =	vadd.s32 $0x2800, v4  }
0x11e: {  	v61 =	vadd.s32 $0x5000, v4;
	[tilespmem:v58+s19+$0x0] =	vst.idx.add.f32.msk $0xffff, v30  }
0x11f: {  	v62 =	vadd.s32 $0x7800, v4;
	[tilespmem:v59+s19+$0x0] =	vst.idx.add.f32.msk $0xffff, v10  }
0x120: {  	[tilespmem:v60+s19+$0x0] =	vst.idx.add.f32.msk $0xffff, v33  }
0x121: {  	[tilespmem:v4+s19+$0x0] =	vst.idx.add.f32.msk $0xffff, v8;
	v4 =	vadd.s32 $0x2800, v3  }
0x122: {  	[tilespmem:v5+s19+$0x0] =	vst.idx.add.f32.msk $0xffff, v40;
	v5 =	vadd.s32 $0x5000, v3  }
0x123: {  	v63 =	vadd.s32 $0x7800, v3;
	[tilespmem:v61+s19+$0x0] =	vst.idx.add.f32.msk $0xffff, v20  }
0x124: {  	[tilespmem:v62+s19+$0x0] =	vst.idx.add.f32.msk $0xffff, v18  }
0x125: {  	[tilespmem:v3+s19+$0x0] =	vst.idx.add.f32.msk $0xffff, v22;
	v3 =	vadd.s32 $0x2800, v2  }
0x126: {  	[tilespmem:v4+s19+$0x0] =	vst.idx.add.f32.msk $0xffff, v23  }
0x127: {  	[tilespmem:v5+s19+$0x0] =	vst.idx.add.f32.msk $0xffff, v12  }
0x128: {  	[tilespmem:v63+s19+$0x0] =	vst.idx.add.f32.msk $0xffff, v28  }
0x129: {  	v4 =	vadd.s32 $0x5000, v2;
	[tilespmem:v2+s19+$0x0] =	vst.idx.add.f32.msk $0xffff, v26  }
0x12a: {  	[tilespmem:v3+s19+$0x0] =	vst.idx.add.f32.msk $0xffff, v15;
	v3 =	vadd.s32 $0x7800, v2;
	_ =	sdelay $0x3  }
0x12b: {  	s24 =	simm.s32 $0x200;
	[tilespmem:v4+s19+$0x0] =	vst.idx.add.f32.msk $0xffff, v9  }
.LBB2_7:
0x12c: {  	s25 =	sshra.s32 s24, $0x2;
	p1 =	sne.s32 s24, $0x6200;
	s24 =	sadd.s32 $0x200, s24;
	[tilespmem:v3+s19+$0x0] =	vst.idx.add.f32.msk $0xffff, v1  }
0x12d: {  	v2 =	vld [tilespmem:s25+$0x4B70]  }
0x12e: {  	v3 =	vld [tilespmem:s25+$0x4B60]  }
0x12f: {  	v4 =	vld [tilespmem:s25+$0x4B50]  }
0x130: {  	v5 =	vld [tilespmem:s25+$0x4B40]  }
0x131: {  	v15 =	vld [tilespmem:s25+$0x4B10]  }
0x132: {  	v1 =	vld [tilespmem:s25+$0x1900]  }
0x133: {  	v11 =	vld [tilespmem:s25+$0x4B20]  }
0x134: {  	v16 =	vld [tilespmem:s25+$0x1950]  }
0x135: {  	v17 =	vld [tilespmem:s25+$0x1970]  }
0x136: {  	v18 =	vld [tilespmem:s25+$0x1940]  }
0x137: {  	v19 =	vld [tilespmem:s25+$0x1910]  }
0x138: {  	v20 =	vld [tilespmem:s25+$0x1960]  }
0x139: {  	v21 =	vld [tilespmem:s25+$0x1920]  }
0x13a: {  	v13 =	vld [tilespmem:s25+$0x4B30];
	v6 =	vadd.s32 $0x2800, v17  }
0x13b: {  	v22 =	vld [tilespmem:s25+$0x4B00]  }
0x13c: {  	v24 =	vadd.s32 $0x2800, v15;
	v7 =	vadd.s32 $0x7800, v16;
	v23 =	vld.idx.msk [tilespmem:v1+s12+$0x0], $0xffff  }
0x13d: {  	v10 =	vadd.s32 $0x5000, v16;
	v25 =	vld [tilespmem:s25+$0x1930]  }
0x13e: {  	v26 =	vadd.s32 $0x2800, v16;
	v14 =	vld.idx.msk [tilespmem:v18+s12+$0x0], $0xffff  }
0x13f: {  	v6 =	vld.idx.msk [tilespmem:v6+s12+$0x0], $0xffff  }
0x140: {  	v12 =	vadd.s32 $0x2800, v20;
	v8 =	vld.idx.msk [tilespmem:v20+s12+$0x0], $0xffff  }
0x141: {  	v27 =	vadd.s32 $0x5000, v1;
	v9 =	vld.idx.msk [tilespmem:v7+s12+$0x0], $0xffff  }
0x142: {  	v28 =	vadd.s32 $0x7800, v1;
	v10 =	vld.idx.msk [tilespmem:v10+s12+$0x0], $0xffff  }
0x143: {  	v7 =	vld.idx.msk [tilespmem:v17+s12+$0x0], $0xffff  }
0x144: {  	v30 =	vadd.s32 $0x7800, v20;
	v29 =	vld.idx.msk [tilespmem:v19+s12+$0x0], $0xffff  }
0x145: {  	v32 =	vadd.s32 $0x2800, v18;
	v31 =	vadd.s32 $0x5000, v19;
	v20 =	vadd.s32 $0x5000, v20;
	v12 =	vld.idx.msk [tilespmem:v12+s12+$0x0], $0xffff  }
0x146: {  	v33 =	vadd.s32 $0x5000, v17;
	v17 =	vadd.s32 $0x7800, v17;
	v27 =	vld.idx.msk [tilespmem:v27+s12+$0x0], $0xffff  }
0x147: {  	v28 =	vld.idx.msk [tilespmem:v28+s12+$0x0], $0xffff  }
0x148: {  	v34 =	vadd.s32 $0x2800, v1;
	v36 =	vadd.s32 $0x5000, v18;
	v35 =	vld.idx.msk [tilespmem:v25+s12+$0x0], $0xffff  }
0x149: {  	v18 =	vadd.s32 $0x7800, v18;
	v30 =	vld.idx.msk [tilespmem:v30+s12+$0x0], $0xffff  }
0x14a: {  	v37 =	vadd.s32 $0x7800, v21;
	v20 =	vld.idx.msk [tilespmem:v20+s12+$0x0], $0xffff  }
0x14b: {  	v38 =	vadd.s32 $0x2800, v19;
	v1 =	vld.idx.msk [tilespmem:v17+s12+$0x0], $0xffff  }
0x14c: {  	v17 =	vld.idx.msk [tilespmem:v33+s12+$0x0], $0xffff  }
0x14d: {  	v33 =	vadd.s32 $0x7800, v25;
	v32 =	vld.idx.msk [tilespmem:v32+s12+$0x0], $0xffff  }
0x14e: {  	v40 =	vadd.s32 $0x5000, v25;
	v39 =	vld.idx.msk [tilespmem:v21+s12+$0x0], $0xffff  }
0x14f: {  	v25 =	vadd.s32 $0x2800, v25;
	v34 =	vld.idx.msk [tilespmem:v34+s12+$0x0], $0xffff  }
0x150: {  	v18 =	vld.idx.msk [tilespmem:v18+s12+$0x0], $0xffff  }
0x151: {  	v41 =	vadd.s32 $0x5000, v21;
	v19 =	vadd.s32 $0x7800, v19;
	v38 =	vld.idx.msk [tilespmem:v38+s12+$0x0], $0xffff  }
0x152: {  	v21 =	vadd.s32 $0x2800, v21;
	v37 =	vld.idx.msk [tilespmem:v37+s12+$0x0], $0xffff  }
0x153: {  	v33 =	vld.idx.msk [tilespmem:v33+s12+$0x0], $0xffff  }
0x154: {  	v40 =	vld.idx.msk [tilespmem:v40+s12+$0x0], $0xffff  }
0x155: {  	v36 =	vld.idx.msk [tilespmem:v36+s12+$0x0], $0xffff  }
0x156: {  	v25 =	vld.idx.msk [tilespmem:v25+s12+$0x0], $0xffff  }
0x157: {  	v31 =	vld.idx.msk [tilespmem:v31+s12+$0x0], $0xffff  }
0x158: {  	v19 =	vld.idx.msk [tilespmem:v19+s12+$0x0], $0xffff  }
0x159: {  	v42 =	vadd.s32 $0x2800, v22;
	v41 =	vld.idx.msk [tilespmem:v41+s12+$0x0], $0xffff  }
0x15a: {  	v43 =	vadd.s32 $0x5000, v22;
	v21 =	vld.idx.msk [tilespmem:v21+s12+$0x0], $0xffff  }
0x15b: {  	v44 =	vadd.s32 $0x7800, v22;
	v16 =	vld.idx.msk [tilespmem:v16+s12+$0x0], $0xffff  }
0x15c: {  	v26 =	vld.idx.msk [tilespmem:v26+s12+$0x0], $0xffff  }
0x15d: {  	[tilespmem:v22+s19+$0x0] =	vst.idx.add.f32.msk $0xffff, v23  }
0x15e: {  	v22 =	vadd.s32 $0x5000, v15;
	[tilespmem:v42+s19+$0x0] =	vst.idx.add.f32.msk $0xffff, v34  }
0x15f: {  	v23 =	vadd.s32 $0x7800, v15;
	[tilespmem:v43+s19+$0x0] =	vst.idx.add.f32.msk $0xffff, v27  }
0x160: {  	[tilespmem:v44+s19+$0x0] =	vst.idx.add.f32.msk $0xffff, v28  }
0x161: {  	[tilespmem:v15+s19+$0x0] =	vst.idx.add.f32.msk $0xffff, v29;
	v15 =	vadd.s32 $0x2800, v11  }
0x162: {  	[tilespmem:v24+s19+$0x0] =	vst.idx.add.f32.msk $0xffff, v38;
	v24 =	vadd.s32 $0x5000, v11  }
0x163: {  	[tilespmem:v22+s19+$0x0] =	vst.idx.add.f32.msk $0xffff, v31;
	v22 =	vadd.s32 $0x7800, v11  }
0x164: {  	[tilespmem:v23+s19+$0x0] =	vst.idx.add.f32.msk $0xffff, v19  }
0x165: {  	[tilespmem:v11+s19+$0x0] =	vst.idx.add.f32.msk $0xffff, v39;
	v11 =	vadd.s32 $0x2800, v13  }
0x166: {  	[tilespmem:v15+s19+$0x0] =	vst.idx.add.f32.msk $0xffff, v21;
	v15 =	vadd.s32 $0x5000, v13  }
0x167: {  	v19 =	vadd.s32 $0x7800, v13;
	[tilespmem:v24+s19+$0x0] =	vst.idx.add.f32.msk $0xffff, v41  }
0x168: {  	[tilespmem:v22+s19+$0x0] =	vst.idx.add.f32.msk $0xffff, v37  }
0x169: {  	[tilespmem:v13+s19+$0x0] =	vst.idx.add.f32.msk $0xffff, v35;
	v13 =	vadd.s32 $0x2800, v5  }
0x16a: {  	[tilespmem:v11+s19+$0x0] =	vst.idx.add.f32.msk $0xffff, v25;
	v11 =	vadd.s32 $0x5000, v5  }
0x16b: {  	[tilespmem:v15+s19+$0x0] =	vst.idx.add.f32.msk $0xffff, v40;
	v15 =	vadd.s32 $0x7800, v5  }
0x16c: {  	[tilespmem:v19+s19+$0x0] =	vst.idx.add.f32.msk $0xffff, v33  }
0x16d: {  	[tilespmem:v5+s19+$0x0] =	vst.idx.add.f32.msk $0xffff, v14;
	v5 =	vadd.s32 $0x2800, v4  }
0x16e: {  	[tilespmem:v13+s19+$0x0] =	vst.idx.add.f32.msk $0xffff, v32;
	v13 =	vadd.s32 $0x5000, v4  }
0x16f: {  	[tilespmem:v11+s19+$0x0] =	vst.idx.add.f32.msk $0xffff, v36;
	v11 =	vadd.s32 $0x7800, v4  }
0x170: {  	[tilespmem:v15+s19+$0x0] =	vst.idx.add.f32.msk $0xffff, v18  }
0x171: {  	[tilespmem:v4+s19+$0x0] =	vst.idx.add.f32.msk $0xffff, v16;
	v4 =	vadd.s32 $0x2800, v3  }
0x172: {  	[tilespmem:v5+s19+$0x0] =	vst.idx.add.f32.msk $0xffff, v26;
	v5 =	vadd.s32 $0x5000, v3  }
0x173: {  	[tilespmem:v13+s19+$0x0] =	vst.idx.add.f32.msk $0xffff, v10;
	v10 =	vadd.s32 $0x7800, v3  }
0x174: {  	[tilespmem:v11+s19+$0x0] =	vst.idx.add.f32.msk $0xffff, v9  }
0x175: {  	[tilespmem:v3+s19+$0x0] =	vst.idx.add.f32.msk $0xffff, v8;
	v8 =	vadd.s32 $0x2800, v2  }
0x176: {  	[tilespmem:v4+s19+$0x0] =	vst.idx.add.f32.msk $0xffff, v12;
	v4 =	vadd.s32 $0x5000, v2  }
.Ltmp4:
0x177: {  	v3 =	vadd.s32 $0x7800, v2;
	[tilespmem:v5+s19+$0x0] =	vst.idx.add.f32.msk $0xffff, v20;
	(pc) =	sbr.rel @p1 .LBB2_7-.Ltmp4, $4  }
0x178: {  	[tilespmem:v10+s19+$0x0] =	vst.idx.add.f32.msk $0xffff, v30  }
0x179: {  	[tilespmem:v2+s19+$0x0] =	vst.idx.add.f32.msk $0xffff, v7  }
0x17a: {  	[tilespmem:v8+s19+$0x0] =	vst.idx.add.f32.msk $0xffff, v6  }
0x17b: {  	[tilespmem:v4+s19+$0x0] =	vst.idx.add.f32.msk $0xffff, v17  }
.Ltmp5:
0x17c: {  	_ = 	snop;
	(pc) =	sbr.rel @p0 .LBB2_10-.Ltmp5, $2  }
0x17d: {  	_ =	sdelay $0x2  }
0x17e: {  	[tilespmem:v3+s19+$0x0] =	vst.idx.add.f32.msk $0xffff, v1  }
0x17f: {  	s24 =	smul.u32 $0x3200, s23;
	_ =	sdelay $0x1  }
0x180: {  	s24 =	sshrl.u32 s24, $0x3  }
.Ltmp6:
0x181: {  	s24 =	sadd.s32 $0x960, s24;
	(pc) =	sbr.rel .LBB2_4-.Ltmp6, $4  }
0x182: {  	s25 =	sadd.s32 s3, s24  }
0x183: {  	[tilespmem:s15], [sflag:$0x2] =	stream.linear.gather [hbm4b:s25+s2], $0x1900, $0x38;
	[tilespmem:$0x1A400] =	vst v63  }
0x184: {  	s23 =	sadd.s32 $0x1, s23;
	s24 =	sadd.s32 s4, s24  }
0x185: {  	[tilespmem:s16], [sflag:$0x4] =	stream.linear.gather [hbm4b:s24+s2], $0x1900, $0x38;
	[tilespmem:$0x1A400] =	vst v63  }
.LBB2_11:
0x186: {  	_ =	sfence.sel $0x180000  }
0x187: {  	[bflag:$0x0] =	sbarrier.arrive $0xFFFF  }
0x188: {  	p0 =	sne.s32 s0, $0x0;
	_ =	strace $0x9000004A  }
0x189: {  	s0 =	sadd.s32 @!p0 $0x100000, s1;
	[bflag:$0x2] =	sbarrier.arrive $0xFFFF  }
0x18a: {  	[sflag:s0] =	ssyncadd.tile.s32 @!p0 $0x1;
	_ =	shalt  }
.Lfunc_end2:
_tile_overlayer_lowered:
.L_overlay_start_2:
0x18b: {  	(tag) =	ssettag $0x2  }
0x18c: {  	s0 =	rddreg [dreg:$0x0];
	s2 =	stileid.u32  }
0x18d: {  	s1 =	rddreg [dreg:$0x1];
	p0 =	sne.s32 s2, $0x0  }
0x18e: {  	s3 =	rddreg [dreg:$0x2];
	[bflag:$0x3] =	sbarrier.arrive $0xFFFF;
	s2 =	simm.s32 @!p0 $0x1C05  }
0x18f: {  	[timem:s3], [sflag:s2] =	dma.local @!p0 [hbm:s0], s1  }
0x190: {  	s0 =	simm.s32 @!p0 $0x5  }
0x191: {  	_ =	swait.ge @!p0 [sflag:s0], s1  }
0x192: {  	s1 =	ssub.s32 @!p0 $0x0, s1;
	[sflag:s0] =	ssyncset.done @!p0 $0x0  }
0x193: {  	[sflag:s0] =	ssyncadd.s32 @!p0 s1  }
0x194: {  	[bflag:$0x3] =	sbarrier.arrive $0xFFFF  }
0x195: {  	_ =	shalt  }

// kernel: kernel.14.cloned.1.call-start
scs
__scs_entry_jumppad:
0x0: {  	(pc) =	sbr.rel $0x88, $3  }
0x1: {  	(tag) =	ssettag $0x0;
	lr =	simm.s32 $0x1  }
0x2: {  	[smem:$0x3F9B] =	sst lr;
	_ =	strace $0xD0000000  }
0x3: {  	_ = 	snop  }
0x4: {  	_ = 	snop  }
0x5: {  	_ = 	snop  }
0x6: {  	_ = 	snop  }
0x7: {  	_ = 	snop  }
__scs_overlays_trampoline_lowered:
0x8: {  	[smem:$0x3FAA] =	sst s0  }
0x9: {  	[smem:$0x3FAB] =	sst s1  }
0xa: {  	[smem:$0x3FAC] =	sst s2  }
0xb: {  	[smem:$0x3FAD] =	sst s3  }
0xc: {  	[smem:$0x3FAE] =	sst s4  }
0xd: {  	[smem:$0x3FAF] =	sst s5  }
0xe: {  	[smem:$0x3FB0] =	sst s6  }
0xf: {  	[smem:$0x3FB1] =	sst s7  }
0x10: {  	[smem:$0x3FB2] =	sst s8  }
0x11: {  	[smem:$0x3FB3] =	sst s9;
	s0 =	simm.s32 @!p0 $0x0  }
0x12: {  	s1 =	sld [smem:$0x3F99];
	s0 =	simm.s32 @p0 $0x1  }
0x13: {  	[smem:$0x3FB4] =	sst s0;
	s0 =	simm.s32 @!p1 $0x0  }
0x14: {  	s2 =	sld [smem:$0x3F98];
	s0 =	simm.s32 @p1 $0x1  }
0x15: {  	[smem:$0x3FB5] =	sst s0;
	s0 =	simm.s32 @!p2 $0x0  }
0x16: {  	s3 =	sld [smem:$0x3FDB];
	s0 =	simm.s32 @p2 $0x1  }
0x17: {  	s4 =	simm.s32 $0x1BF5;
	[smem:$0x3FB7] =	sst s0  }
0x18: {  	s0 =	sld [smem:$0x3F9A];
	_ =	swait.ge [sflag:s4], $0x0  }
0x19: {  	s7 =	sld [smem:$0x3F9B]  }
0x1a: {  	s8 =	sadd.s32 $0xFFFFE003, lr  }
0x1b: {  	s9 =	sadd.s32 $0xFFFFFEF7, lr;
	s5 =	simm.s32 $0xFFFFFFFF;
	p2 =	slt.u32 s8, $0xFFFFF086  }
0x1c: {  	p1 =	slt.u32 s9, $0xF7A;
	s5 =	simm.s32 @!p2 $0x0  }
0x1d: {  	s5 =	simm.s32 @p1 $0x1;
	p0 =	seq.s32 s7, s2  }
0x1e: {  	s7 =	smul.u32 @!p0 $0xF7A, s2;
	p2 =	seq.s32 @!p0 s5, $0x0  }
0x1f: {  	s9 =	smul.u32 $0xF7A, s1;
	s8 =	simm.s32 @!p0 $0x1BF5;
	p2 =	por !p2, p0  }
0x20: {  	[sflag:s8] =	ssyncset.s32 @!p0 $0xFFFFF086;
	s6 =	sadd.s32 @!p0 s3, s7;
	s7 =	simm.s32 @!p0 $0x108  }
0x21: {  	s3 =	sadd.s32 s3, s9;
	s6 =	sadd.s32 @!p0 $0x88, s6;
	s7 =	simm.s32 @p2 $0x1082  }
0x22: {  	[simem:s7], [sflag:s8] =	dma.local @!p0 [hbm:s6], $0xF7A  }
0x23: {  	s9 =	sor.u32 $0xD0000000, s2;
	s6 =	simm.s32 $0x108;
	_ =	swait.ge @!p0 [sflag:s8], $0x0  }
0x24: {  	s3 =	sadd.s32 $0x88, s3;
	s6 =	simm.s32 @!p1 $0x1082;
	[sflag:s4] =	ssyncset.s32 $0xFFFFF086  }
0x25: {  	[simem:s6], [sflag:s4] =	dma.local [hbm:s3], $0xF7A  }
0x26: {  	[smem:$0x3F9B] =	sst s1;
	(tag) =	ssettag s2;
	_ =	strace s9  }
0x27: {  	s1 =	sld [smem:$0x3FAB]  }
0x28: {  	s2 =	sld [smem:$0x3FAC]  }
0x29: {  	s4 =	sld [smem:$0x3FAE]  }
0x2a: {  	p0 =	seq.s32 s5, $0x0;
	s5 =	sld [smem:$0x3FAF]  }
0x2b: {  	s6 =	sld [smem:$0x3FB0]  }
0x2c: {  	s7 =	sld [smem:$0x3FB1]  }
0x2d: {  	s3 =	simm.s32 $0x108;
	s8 =	sld [smem:$0x3FB2]  }
0x2e: {  	s3 =	simm.s32 @!p0 $0x1082;
	s9 =	sld [smem:$0x3FB3]  }
0x2f: {  	lr =	sadd.s32 s0, s3;
	s0 =	sld [smem:$0x3FAA]  }
0x30: {  	s3 =	sld [smem:$0x3FAD]  }
0x31: {  	[smem:$0x3FB6] =	sst s10  }
0x32: {  	s10 =	sld [smem:$0x3FB4];
	_ =	sdelay $0x3  }
0x33: {  	p0 =	seq.s32 s10, $0x1;
	s10 =	sld [smem:$0x3FB6];
	_ =	sdelay $0x3  }
0x34: {  	[smem:$0x3FB6] =	sst s10  }
0x35: {  	s10 =	sld [smem:$0x3FB5];
	_ =	sdelay $0x3  }
0x36: {  	p1 =	seq.s32 s10, $0x1;
	s10 =	sld [smem:$0x3FB6];
	_ =	sdelay $0x3  }
0x37: {  	[smem:$0x3FB6] =	sst s10  }
0x38: {  	s10 =	sld [smem:$0x3FB7]  }
0x39: {  	_ = 	snop;
	(pc) =	sbr.ind lr, $3  }
0x3a: {  	_ = 	snop  }
0x3b: {  	_ = 	snop  }
0x3c: {  	p2 =	seq.s32 s10, $0x1;
	s10 =	sld [smem:$0x3FB6]  }
0x3d: {  	_ =	shalt  }
0x3e: {  	_ =	shalt  }
0x3f: {  	_ =	shalt  }
0x40: {  	_ =	shalt  }
0x41: {  	_ =	shalt  }
0x42: {  	_ =	shalt  }
0x43: {  	_ =	shalt  }
0x44: {  	_ =	shalt  }
0x45: {  	_ =	shalt  }
0x46: {  	_ =	shalt  }
0x47: {  	_ =	shalt  }
0x48: {  	_ =	shalt  }
0x49: {  	_ =	shalt  }
0x4a: {  	_ =	shalt  }
0x4b: {  	_ =	shalt  }
0x4c: {  	_ =	shalt  }
0x4d: {  	_ =	shalt  }
0x4e: {  	_ =	shalt  }
0x4f: {  	_ =	shalt  }
0x50: {  	_ =	shalt  }
0x51: {  	_ =	shalt  }
0x52: {  	_ =	shalt  }
0x53: {  	_ =	shalt  }
0x54: {  	_ =	shalt  }
0x55: {  	_ =	shalt  }
0x56: {  	_ =	shalt  }
0x57: {  	_ =	shalt  }
0x58: {  	_ =	shalt  }
0x59: {  	_ =	shalt  }
0x5a: {  	_ =	shalt  }
0x5b: {  	_ =	shalt  }
0x5c: {  	_ =	shalt  }
0x5d: {  	_ =	shalt  }
0x5e: {  	_ =	shalt  }
0x5f: {  	_ =	shalt  }
0x60: {  	_ =	shalt  }
0x61: {  	_ =	shalt  }
0x62: {  	_ =	shalt  }
0x63: {  	_ =	shalt  }
0x64: {  	_ =	shalt  }
0x65: {  	_ =	shalt  }
0x66: {  	_ =	shalt  }
0x67: {  	_ =	shalt  }
0x68: {  	_ =	shalt  }
0x69: {  	_ =	shalt  }
0x6a: {  	_ =	shalt  }
0x6b: {  	_ =	shalt  }
0x6c: {  	_ =	shalt  }
0x6d: {  	_ =	shalt  }
0x6e: {  	_ =	shalt  }
0x6f: {  	_ =	shalt  }
0x70: {  	_ =	shalt  }
0x71: {  	_ =	shalt  }
0x72: {  	_ =	shalt  }
0x73: {  	_ =	shalt  }
0x74: {  	_ =	shalt  }
0x75: {  	_ =	shalt  }
0x76: {  	_ =	shalt  }
0x77: {  	_ =	shalt  }
0x78: {  	_ =	shalt  }
0x79: {  	_ =	shalt  }
0x7a: {  	_ =	shalt  }
0x7b: {  	_ =	shalt  }
0x7c: {  	_ =	shalt  }
0x7d: {  	_ =	shalt  }
0x7e: {  	_ =	shalt  }
0x7f: {  	_ =	shalt  }
0x80: {  	_ =	shalt  }
0x81: {  	_ =	shalt  }
0x82: {  	_ =	shalt  }
0x83: {  	_ =	shalt  }
0x84: {  	_ =	shalt  }
0x85: {  	_ =	shalt  }
0x86: {  	_ =	shalt  }
0x87: {  	_ =	shalt  }
.Lfunc_end0:
.L_simem_size_0:
called_computation.2_lowered:
.L_overlay_start_0:
0x88: {  	s2 =	sld [smem:$0x3FD9]  }
0x89: {  	s3 =	sld [smem:$0x3FFE];
	_ =	sdelay $0x1  }
0x8a: {  	s1 =	srdreg.scid  }
0x8b: {  	s0 =	sand.u32 $0x1, s1  }
0x8c: {  	s16 =	sshll.u32 s0, $0xA;
	s2 =	sadd.s32 s3, s2  }
0x8d: {  	s2 =	sadd.s32 s2, s16  }
0x8e: {  	[smem:$0x3FC2] =	sst s2  }
0x8f: {  	_ = 	snop  }
0x90: {  	(tm) =	ssettm $0x1  }
0x91: {  	s17 =	sld [smem:$0x3FFB];
	_ =	sdelay $0x3  }
0x92: {  	_ =	strace s17  }
0x93: {  	s2 =	sld [smem:$0x3FFC];
	_ =	sdelay $0x3  }
0x94: {  	_ =	strace s2  }
0x95: {  	s2 =	sld [smem:$0x3FFD];
	_ =	sdelay $0x3  }
0x96: {  	_ =	strace s2  }
0x97: {  	_ =	strace $0x8FFFFFFF  }
0x98: {  	s18 =	sld [smem:$0x3FDB];
	_ =	sdelay $0x1  }
0x99: {  	s19 =	simm.s32 $_scs_section_size  }
0x9a: {  	s4 =	simm.s32 $_size__tile_overlayer_lowered;
	s5 =	simm.s32 $_tile_overlayer_lowered  }
0x9b: {  	s22 =	simm.s32 $0x1BFF;
	s21 =	sshll.u32 s5, $0x1;
	s2 =	sadd.s32 s19, s18  }
0x9c: {  	s6 =	simm.s32 $0x0;
	s20 =	sshll.u32 s4, $0x1;
	s4 =	sadd.s32 s21, s2  }
0x9d: {  	[timem:s6], [sflag:s22] =	dma.local [hbm:s4], s20  }
0x9e: {  	_ =	swait.ge [sflag:s22], s20  }
0x9f: {  	s3 =	ssub.s32 $0x0, s20;
	[sflag:s22] =	ssyncset.done $0x0  }
0xa0: {  	[sflag:s22] =	ssyncadd.s32 s3;
	_ =	sdelay $0x1  }
0xa1: {  	s23 =	simm.s32 $0x1B8B  }
0xa2: {  	_ =	swait.ge [sflag:s23], $0x1  }
0xa3: {  	[sflag:s23] =	ssyncset.done $0x0  }
0xa4: {  	s25 =	simm.s32 $0x1B8E;
	s24 =	sld [smem:$0x3FFE];
	[sflag:s23] =	ssyncadd.s32 $0xFFFFFFFF  }
0xa5: {  	s26 =	simm.s32 $execute0_lowered;
	[smem:$0x3FD2] =	sst s25  }
0xa6: {  	s4 =	sshll.u32 s26, $0x1;
	_ =	strace $0x8000004C;
	[dreg:$0x1] =	wrdreg $0xFFFFFFFF  }
0xa7: {  	s28 =	simm.s32 $_size_execute0_lowered;
	s2 =	sadd.s32 s2, s4;
	[dreg:$0x0] =	wrdreg $0x0  }
0xa8: {  	s4 =	sshll.u32 s28, $0x1;
	[dreg:$0x2] =	wrdreg s2  }
0xa9: {  	[dreg:$0x3] =	wrdreg s4  }
0xaa: {  	[dreg:$0x4] =	wrdreg $0xC0  }
0xab: {  	_ =	task [dreg:s6], $0x5FFFF  }
0xac: {  	[dreg:$0x1] =	wrdreg $0xFFFFFFFF  }
0xad: {  	[dreg:$0x0] =	wrdreg $0x60  }
0xae: {  	[dreg:$0x2] =	wrdreg s24  }
0xaf: {  	[dreg:$0x3] =	wrdreg $0x9  }
0xb0: {  	_ =	task.clear_ibuf [dreg:s6], $0x4FFFF;
	_ =	strace $0x9000004C  }
0xb1: {  	s29 =	simm.s32 $0x9;
	_ =	strace $0x8000004E  }
0xb2: {  	_ =	swait.ge [sflag:s29], $0x1  }
0xb3: {  	[sflag:s29] =	ssyncadd.s32 $0xFFFFFFFF  }
0xb4: {  	_ =	strace $0x9000004E  }
0xb5: {  	_ =	sfence  }
0xb6: {  	s30 =	sld [smem:$0x0];
	_ =	sdelay $0x2  }
0xb7: {  	s31 =	sshll.u32 s1, $0xD;
	s1 =	sshrl.u32 s1, $0x2  }
0xb8: {  	s3 =	sand.u32 $0x4000, s31;
	s1 =	sadd.s32 s1, s30  }
0xb9: {  	s0 =	sor.u32 s3, s0;
	s1 =	sshll.u32 s1, $0x11  }
0xba: {  	s0 =	sor.u32 s1, s0  }
0xbb: {  	s0 =	sadd.s32 $0x8F2B, s0  }
0xbc: {  	[sflag:s0] =	ssyncadd.remote.s32 $0x1  }
0xbd: {  	_ =	sfence.sel $0xFFFF  }
0xbe: {  	[dreg:$0x0] =	wrdreg $0xFFFFFFFF;
	(pc) =	sbr.abs _section_cstart, $3  }
0xbf: {  	[dreg:$0x1] =	wrdreg $0xFFFFFFFF  }
0xc0: {  	_ =	task.clear_ibuf [dreg:s6], $0x2FFFF;
	_ =	strace $0x9FFFFFFF  }
0xc1: {  	(tm) =	ssettm $0x7FFFFFFF  }
tec
execute0_lowered:
.L_overlay_start_1:
0x0: {  	(tag) =	ssettag $0x1  }
0x1: {  	s0 =	srdreg.scid;
	s7 =	rddreg [dreg:$0x0]  }
0x2: {  	s11 =	simm.s32 $0x400;
	s12 =	simm.s32 $0x6400;
	s13 =	simm.s32 $0x5  }
0x3: {  	s14 =	simm.s32 $0x3200;
	s15 =	simm.s32 $0x1900;
	s16 =	simm.s32 $0x4B00  }
0x4: {  	s17 =	simm.s32 $0x1;
	s18 =	simm.s32 $0x3;
	s3 =	sand.u32 $0x1, s0  }
0x5: {  	s19 =	simm.s32 $0x10400;
	s0 =	stileid.u32;
	s1 =	sshll.u32 s3, $0x4  }
0x6: {  	s20 =	simm.s32 $0x2;
	s21 =	simm.s32 $0x4;
	s2 =	sor.u32 s0, s1  }
0x7: {  	s22 =	simm.s32 $0x0;
	s5 =	sshll.u32 s0, $0x7;
	s4 =	sshrl.u32 s2, $0x3  }
0x8: {  	s31 =	ssub.s32 $0x2, s3;
	s3 =	sadd.s32 $0xAE00, s7;
	s4 =	smul.u32 $0x50000, s4  }
0x9: {  	s1 =	rddreg [dreg:$0x1];
	s5 =	sand.u32 $0x380, s5;
	s8 =	sshrl.u32 s31, $0x1  }
.Ltmp0:
0xa: {  	s2 =	simm.s32 $0x0;
	s4 =	sor.u32 s5, s4;
	(pc) =	sbr.rel .LBB2_1-.Ltmp0, $4  }
0xb: {  	s10 =	ssub.s32 s31, s8;
	[smem:$0x7FF] =	sst s2;
	s6 =	sshrl.u32 s4, $0x3  }
0xc: {  	_ =	strace $0x8000004D;
	s4 =	sadd.s32 $0x1000, s7;
	s9 =	sadd.s32 s6, s7  }
0xd: {  	s6 =	sadd.s32 $0xB120, s7;
	s7 =	sadd.s32 $0x1320, s7;
	s5 =	sadd.s32 $0x14C00, s9  }
0xe: {  	v0 =	vimm.f32 $0.0e+00;
	s8 =	sadd.s32 $0x3CC00, s9;
	s9 =	smax.u32 s10, $0x1;
	s10 =	simm.s32 $0x80  }
.LBB2_10:
0xf: {  	s22 =	sadd.s32 $0x1, s22  }
0x10: {  	p0 =	sne.s32 s22, s9  }
.Ltmp1:
0x11: {  	_ = 	snop;
	(pc) =	sbr.rel @!p0 .LBB2_11-.Ltmp1, $4  }
0x12: {  	[hbm4b:s8+s10] =	stream.strided.scatter [tilespmem:s19], [sflag:$0x5], $0xA000, s11, s10, $0x38;
	[tilespmem:$0x1A400] =	vst v63  }
0x13: {  	_ =	swait.ge [sflag:s13], $0xA000  }
0x14: {  	[sflag:s13] =	ssyncset.done $0x0  }
0x15: {  	[sflag:s13] =	ssyncadd.s32 $0xFFFF6000  }
.LBB2_1:
0x16: {  	[tilespmem:s12], [sflag:$0x5] =	stream.strided.gather [hbm4b:s5+s10], $0xA000, s11, s10, $0x38;
	[tilespmem:$0x1A400] =	vst v63  }
0x17: {  	_ =	swait.ge [sflag:s13], $0xA000  }
0x18: {  	[sflag:s13] =	ssyncset.done $0x0  }
0x19: {  	s24 =	simm.s32 $0x100;
	s23 =	simm.s32 $0x0;
	[sflag:s13] =	ssyncadd.s32 $0xFFFF6000  }
.LBB2_2:
0x1a: {  	p0 =	sne.s32 s24, $0x27F00;
	[tilespmem:s23+$0x10430] =	vst v0;
	s25 =	smov.u32 s24;
	s24 =	sadd.s32 $0x100, s24  }
.Ltmp2:
0x1b: {  	[tilespmem:s23+$0x10420] =	vst v0;
	(pc) =	sbr.rel @p0 .LBB2_2-.Ltmp2, $3  }
0x1c: {  	[tilespmem:s23+$0x10400] =	vst v0  }
0x1d: {  	[tilespmem:s23+$0x10410] =	vst v0;
	_ =	sdelay $0x1  }
0x1e: {  	s23 =	sshra.s32 s25, $0x2  }
0x1f: {  	[tilespmem:s23+$0x10430] =	vst v0  }
0x20: {  	[tilespmem:s23+$0x10420] =	vst v0  }
0x21: {  	[tilespmem:s23+$0x10400] =	vst v0  }
0x22: {  	[tilespmem:s23+$0x10410] =	vst v0;
	s23 =	simm.s32 $0x0  }
0x23: {  	[tilespmem:s23], [sflag:$0x1] =	stream.linear.gather [hbm4b:s3+s23], $0x1900, $0x38;
	[tilespmem:$0x1A400] =	vst v63  }
0x24: {  	_ = 	snop  }
0x25: {  	[tilespmem:s14], [sflag:$0x3] =	stream.linear.gather [hbm4b:s4+s23], $0x1900, $0x38;
	[tilespmem:$0x1A400] =	vst v63  }
0x26: {  	_ = 	snop  }
0x27: {  	[tilespmem:s15], [sflag:$0x2] =	stream.linear.gather [hbm4b:s6+s23], $0x1900, $0x38;
	[tilespmem:$0x1A400] =	vst v63  }
0x28: {  	_ = 	snop  }
0x29: {  	[tilespmem:s16], [sflag:$0x4] =	stream.linear.gather [hbm4b:s7+s23], $0x1900, $0x38;
	[tilespmem:$0x1A400] =	vst v63  }
.LBB2_4:
0x2a: {  	_ =	swait.ge [sflag:s17], $0x1900  }
0x2b: {  	[sflag:s17] =	ssyncset.done $0x0  }
0x2c: {  	[sflag:s17] =	ssyncadd.s32 $0xFFFFE700  }
0x2d: {  	_ =	swait.ge [sflag:s18], $0x1900  }
0x2e: {  	[sflag:s18] =	ssyncset.done $0x0  }
0x2f: {  	s24 =	simm.s32 $0x0;
	[sflag:s18] =	ssyncadd.s32 $0xFFFFE700  }
0x30: {  	v2 =	vld [tilespmem:s24+$0x3270]  }
0x31: {  	v3 =	vld [tilespmem:s24+$0x3260]  }
0x32: {  	v4 =	vld [tilespmem:s24+$0x3250]  }
0x33: {  	v5 =	vld [tilespmem:s24+$0x3240]  }
0x34: {  	v6 =	vld [tilespmem:s24+$0x3210]  }
0x35: {  	v1 =	vld [tilespmem:s24+$0x0]  }
0x36: {  	v7 =	vld [tilespmem:s24+$0x3220]  }
0x37: {  	v8 =	vld [tilespmem:s24+$0x50]  }
0x38: {  	v9 =	vld [tilespmem:s24+$0x70]  }
0x39: {  	v10 =	vld [tilespmem:s24+$0x40]  }
0x3a: {  	v12 =	vld [tilespmem:s24+$0x60]  }
0x3b: {  	v11 =	vld [tilespmem:s24+$0x10]  }
0x3c: {  	v13 =	vld [tilespmem:s24+$0x20]  }
0x3d: {  	v19 =	vld [tilespmem:s24+$0x30]  }
0x3e: {  	v14 =	vld [tilespmem:s24+$0x3230]  }
0x3f: {  	v16 =	vld [tilespmem:s24+$0x3200]  }
0x40: {  	v17 =	vld.idx.msk [tilespmem:v1+s12+$0x0], $0xffff  }
0x41: {  	v21 =	vld.idx.msk [tilespmem:v10+s12+$0x0], $0xffff  }
0x42: {  	v22 =	vld.idx.msk [tilespmem:v12+s12+$0x0], $0xffff  }
0x43: {  	v15 =	vadd.s32 $0x2800, v9;
	v26 =	vld.idx.msk [tilespmem:v9+s12+$0x0], $0xffff  }
0x44: {  	v18 =	vadd.s32 $0x7800, v8;
	v27 =	vld.idx.msk [tilespmem:v11+s12+$0x0], $0xffff  }
0x45: {  	v20 =	vadd.s32 $0x5000, v8;
	v31 =	vld.idx.msk [tilespmem:v19+s12+$0x0], $0xffff  }
0x46: {  	v23 =	vadd.s32 $0x2800, v12;
	v36 =	vld.idx.msk [tilespmem:v13+s12+$0x0], $0xffff  }
0x47: {  	v24 =	vadd.s32 $0x5000, v1;
	v40 =	vadd.s32 $0x2800, v8;
	v8 =	vld.idx.msk [tilespmem:v8+s12+$0x0], $0xffff  }
0x48: {  	v25 =	vadd.s32 $0x7800, v1;
	v15 =	vld.idx.msk [tilespmem:v15+s12+$0x0], $0xffff  }
0x49: {  	v28 =	vadd.s32 $0x7800, v12;
	v18 =	vld.idx.msk [tilespmem:v18+s12+$0x0], $0xffff  }
0x4a: {  	v29 =	vadd.s32 $0x7800, v9;
	v20 =	vld.idx.msk [tilespmem:v20+s12+$0x0], $0xffff  }
0x4b: {  	v30 =	vadd.s32 $0x2800, v10;
	v23 =	vld.idx.msk [tilespmem:v23+s12+$0x0], $0xffff  }
0x4c: {  	v32 =	vadd.s32 $0x2800, v1;
	v24 =	vld.idx.msk [tilespmem:v24+s12+$0x0], $0xffff  }
0x4d: {  	v33 =	vadd.s32 $0x7800, v10;
	v25 =	vld.idx.msk [tilespmem:v25+s12+$0x0], $0xffff  }
0x4e: {  	v49 =	vadd.s32 $0x2800, v11;
	v28 =	vld.idx.msk [tilespmem:v28+s12+$0x0], $0xffff  }
0x4f: {  	v34 =	vadd.s32 $0x7800, v13;
	v1 =	vld.idx.msk [tilespmem:v29+s12+$0x0], $0xffff  }
0x50: {  	v35 =	vadd.s32 $0x7800, v19;
	v30 =	vld.idx.msk [tilespmem:v30+s12+$0x0], $0xffff  }
0x51: {  	v37 =	vadd.s32 $0x5000, v19;
	v32 =	vld.idx.msk [tilespmem:v32+s12+$0x0], $0xffff  }
0x52: {  	v38 =	vadd.s32 $0x5000, v11;
	v33 =	vld.idx.msk [tilespmem:v33+s12+$0x0], $0xffff  }
0x53: {  	v39 =	vadd.s32 $0x5000, v13;
	v29 =	vld.idx.msk [tilespmem:v49+s12+$0x0], $0xffff  }
0x54: {  	v34 =	vld.idx.msk [tilespmem:v34+s12+$0x0], $0xffff  }
0x55: {  	v12 =	vadd.s32 $0x5000, v12;
	v35 =	vld.idx.msk [tilespmem:v35+s12+$0x0], $0xffff  }
0x56: {  	v9 =	vadd.s32 $0x5000, v9;
	v37 =	vld.idx.msk [tilespmem:v37+s12+$0x0], $0xffff  }
0x57: {  	v10 =	vadd.s32 $0x5000, v10;
	v38 =	vld.idx.msk [tilespmem:v38+s12+$0x0], $0xffff  }
0x58: {  	v19 =	vadd.s32 $0x2800, v19;
	v39 =	vld.idx.msk [tilespmem:v39+s12+$0x0], $0xffff  }
0x59: {  	v11 =	vadd.s32 $0x7800, v11;
	v40 =	vld.idx.msk [tilespmem:v40+s12+$0x0], $0xffff  }
0x5a: {  	v13 =	vadd.s32 $0x2800, v13;
	v12 =	vld.idx.msk [tilespmem:v12+s12+$0x0], $0xffff  }
0x5b: {  	v9 =	vld.idx.msk [tilespmem:v9+s12+$0x0], $0xffff  }
0x5c: {  	v41 =	vadd.s32 $0x2800, v16;
	v10 =	vld.idx.msk [tilespmem:v10+s12+$0x0], $0xffff  }
0x5d: {  	v42 =	vadd.s32 $0x5000, v16;
	v19 =	vld.idx.msk [tilespmem:v19+s12+$0x0], $0xffff  }
0x5e: {  	v43 =	vadd.s32 $0x7800, v16;
	v11 =	vld.idx.msk [tilespmem:v11+s12+$0x0], $0xffff  }
0x5f: {  	v13 =	vld.idx.msk [tilespmem:v13+s12+$0x0], $0xffff  }
0x60: {  	v44 =	vadd.s32 $0x2800, v6;
	[tilespmem:v16+s19+$0x0] =	vst.idx.add.f32.msk $0xffff, v17  }
0x61: {  	v50 =	vadd.s32 $0x5000, v6;
	[tilespmem:v41+s19+$0x0] =	vst.idx.add.f32.msk $0xffff, v32  }
0x62: {  	v51 =	vadd.s32 $0x7800, v6;
	[tilespmem:v42+s19+$0x0] =	vst.idx.add.f32.msk $0xffff, v24  }
0x63: {  	[tilespmem:v43+s19+$0x0] =	vst.idx.add.f32.msk $0xffff, v25  }
0x64: {  	v52 =	vadd.s32 $0x2800, v7;
	[tilespmem:v6+s19+$0x0] =	vst.idx.add.f32.msk $0xffff, v27  }
0x65: {  	v53 =	vadd.s32 $0x5000, v7;
	[tilespmem:v44+s19+$0x0] =	vst.idx.add.f32.msk $0xffff, v29  }
0x66: {  	v54 =	vadd.s32 $0x7800, v7;
	[tilespmem:v50+s19+$0x0] =	vst.idx.add.f32.msk $0xffff, v38  }
0x67: {  	[tilespmem:v51+s19+$0x0] =	vst.idx.add.f32.msk $0xffff, v11  }
0x68: {  	v55 =	vadd.s32 $0x2800, v14;
	[tilespmem:v7+s19+$0x0] =	vst.idx.add.f32.msk $0xffff, v36  }
0x69: {  	v56 =	vadd.s32 $0x5000, v14;
	[tilespmem:v52+s19+$0x0] =	vst.idx.add.f32.msk $0xffff, v13  }
0x6a: {  	v57 =	vadd.s32 $0x7800, v14;
	[tilespmem:v53+s19+$0x0] =	vst.idx.add.f32.msk $0xffff, v39  }
0x6b: {  	[tilespmem:v54+s19+$0x0] =	vst.idx.add.f32.msk $0xffff, v34  }
0x6c: {  	v58 =	vadd.s32 $0x2800, v5;
	[tilespmem:v14+s19+$0x0] =	vst.idx.add.f32.msk $0xffff, v31  }
0x6d: {  	v59 =	vadd.s32 $0x5000, v5;
	[tilespmem:v55+s19+$0x0] =	vst.idx.add.f32.msk $0xffff, v19  }
0x6e: {  	v60 =	vadd.s32 $0x7800, v5;
	[tilespmem:v56+s19+$0x0] =	vst.idx.add.f32.msk $0xffff, v37  }
0x6f: {  	[tilespmem:v57+s19+$0x0] =	vst.idx.add.f32.msk $0xffff, v35  }
0x70: {  	[tilespmem:v5+s19+$0x0] =	vst.idx.add.f32.msk $0xffff, v21;
	v5 =	vadd.s32 $0x2800, v4  }
0x71: {  	v61 =	vadd.s32 $0x5000, v4;
	[tilespmem:v58+s19+$0x0] =	vst.idx.add.f32.msk $0xffff, v30  }
0x72: {  	v62 =	vadd.s32 $0x7800, v4;
	[tilespmem:v59+s19+$0x0] =	vst.idx.add.f32.msk $0xffff, v10  }
0x73: {  	[tilespmem:v60+s19+$0x0] =	vst.idx.add.f32.msk $0xffff, v33  }
0x74: {  	[tilespmem:v4+s19+$0x0] =	vst.idx.add.f32.msk $0xffff, v8;
	v4 =	vadd.s32 $0x2800, v3  }
0x75: {  	[tilespmem:v5+s19+$0x0] =	vst.idx.add.f32.msk $0xffff, v40;
	v5 =	vadd.s32 $0x5000, v3  }
0x76: {  	v63 =	vadd.s32 $0x7800, v3;
	[tilespmem:v61+s19+$0x0] =	vst.idx.add.f32.msk $0xffff, v20  }
0x77: {  	[tilespmem:v62+s19+$0x0] =	vst.idx.add.f32.msk $0xffff, v18  }
0x78: {  	[tilespmem:v3+s19+$0x0] =	vst.idx.add.f32.msk $0xffff, v22;
	v3 =	vadd.s32 $0x2800, v2  }
0x79: {  	[tilespmem:v4+s19+$0x0] =	vst.idx.add.f32.msk $0xffff, v23  }
0x7a: {  	[tilespmem:v5+s19+$0x0] =	vst.idx.add.f32.msk $0xffff, v12  }
0x7b: {  	[tilespmem:v63+s19+$0x0] =	vst.idx.add.f32.msk $0xffff, v28  }
0x7c: {  	v4 =	vadd.s32 $0x5000, v2;
	[tilespmem:v2+s19+$0x0] =	vst.idx.add.f32.msk $0xffff, v26  }
0x7d: {  	[tilespmem:v3+s19+$0x0] =	vst.idx.add.f32.msk $0xffff, v15;
	v3 =	vadd.s32 $0x7800, v2;
	_ =	sdelay $0x3  }
0x7e: {  	s24 =	simm.s32 $0x200;
	[tilespmem:v4+s19+$0x0] =	vst.idx.add.f32.msk $0xffff, v9  }
.LBB2_5:
0x7f: {  	s25 =	sshra.s32 s24, $0x2;
	p0 =	sne.s32 s24, $0x6200;
	s24 =	sadd.s32 $0x200, s24;
	[tilespmem:v3+s19+$0x0] =	vst.idx.add.f32.msk $0xffff, v1  }
0x80: {  	v2 =	vld [tilespmem:s25+$0x3270]  }
0x81: {  	v3 =	vld [tilespmem:s25+$0x3260]  }
0x82: {  	v4 =	vld [tilespmem:s25+$0x3250]  }
0x83: {  	v5 =	vld [tilespmem:s25+$0x3240]  }
0x84: {  	v15 =	vld [tilespmem:s25+$0x3210]  }
0x85: {  	v1 =	vld [tilespmem:s25+$0x0]  }
0x86: {  	v11 =	vld [tilespmem:s25+$0x3220]  }
0x87: {  	v16 =	vld [tilespmem:s25+$0x50]  }
0x88: {  	v17 =	vld [tilespmem:s25+$0x70]  }
0x89: {  	v18 =	vld [tilespmem:s25+$0x40]  }
0x8a: {  	v19 =	vld [tilespmem:s25+$0x10]  }
0x8b: {  	v20 =	vld [tilespmem:s25+$0x60]  }
0x8c: {  	v21 =	vld [tilespmem:s25+$0x20]  }
0x8d: {  	v13 =	vld [tilespmem:s25+$0x3230];
	v6 =	vadd.s32 $0x2800, v17  }
0x8e: {  	v22 =	vld [tilespmem:s25+$0x3200]  }
0x8f: {  	v24 =	vadd.s32 $0x2800, v15;
	v7 =	vadd.s32 $0x7800, v16;
	v23 =	vld.idx.msk [tilespmem:v1+s12+$0x0], $0xffff  }
0x90: {  	v10 =	vadd.s32 $0x5000, v16;
	v25 =	vld [tilespmem:s25+$0x30]  }
0x91: {  	v26 =	vadd.s32 $0x2800, v16;
	v14 =	vld.idx.msk [tilespmem:v18+s12+$0x0], $0xffff  }
0x92: {  	v6 =	vld.idx.msk [tilespmem:v6+s12+$0x0], $0xffff  }
0x93: {  	v12 =	vadd.s32 $0x2800, v20;
	v8 =	vld.idx.msk [tilespmem:v20+s12+$0x0], $0xffff  }
0x94: {  	v27 =	vadd.s32 $0x5000, v1;
	v9 =	vld.idx.msk [tilespmem:v7+s12+$0x0], $0xffff  }
0x95: {  	v28 =	vadd.s32 $0x7800, v1;
	v10 =	vld.idx.msk [tilespmem:v10+s12+$0x0], $0xffff  }
0x96: {  	v7 =	vld.idx.msk [tilespmem:v17+s12+$0x0], $0xffff  }
0x97: {  	v30 =	vadd.s32 $0x7800, v20;
	v29 =	vld.idx.msk [tilespmem:v19+s12+$0x0], $0xffff  }
0x98: {  	v32 =	vadd.s32 $0x2800, v18;
	v31 =	vadd.s32 $0x5000, v19;
	v20 =	vadd.s32 $0x5000, v20;
	v12 =	vld.idx.msk [tilespmem:v12+s12+$0x0], $0xffff  }
0x99: {  	v33 =	vadd.s32 $0x5000, v17;
	v17 =	vadd.s32 $0x7800, v17;
	v27 =	vld.idx.msk [tilespmem:v27+s12+$0x0], $0xffff  }
0x9a: {  	v28 =	vld.idx.msk [tilespmem:v28+s12+$0x0], $0xffff  }
0x9b: {  	v34 =	vadd.s32 $0x2800, v1;
	v36 =	vadd.s32 $0x5000, v18;
	v35 =	vld.idx.msk [tilespmem:v25+s12+$0x0], $0xffff  }
0x9c: {  	v18 =	vadd.s32 $0x7800, v18;
	v30 =	vld.idx.msk [tilespmem:v30+s12+$0x0], $0xffff  }
0x9d: {  	v37 =	vadd.s32 $0x7800, v21;
	v20 =	vld.idx.msk [tilespmem:v20+s12+$0x0], $0xffff  }
0x9e: {  	v38 =	vadd.s32 $0x2800, v19;
	v1 =	vld.idx.msk [tilespmem:v17+s12+$0x0], $0xffff  }
0x9f: {  	v17 =	vld.idx.msk [tilespmem:v33+s12+$0x0], $0xffff  }
0xa0: {  	v33 =	vadd.s32 $0x7800, v25;
	v32 =	vld.idx.msk [tilespmem:v32+s12+$0x0], $0xffff  }
0xa1: {  	v40 =	vadd.s32 $0x5000, v25;
	v39 =	vld.idx.msk [tilespmem:v21+s12+$0x0], $0xffff  }
0xa2: {  	v25 =	vadd.s32 $0x2800, v25;
	v34 =	vld.idx.msk [tilespmem:v34+s12+$0x0], $0xffff  }
0xa3: {  	v18 =	vld.idx.msk [tilespmem:v18+s12+$0x0], $0xffff  }
0xa4: {  	v41 =	vadd.s32 $0x5000, v21;
	v19 =	vadd.s32 $0x7800, v19;
	v38 =	vld.idx.msk [tilespmem:v38+s12+$0x0], $0xffff  }
0xa5: {  	v21 =	vadd.s32 $0x2800, v21;
	v37 =	vld.idx.msk [tilespmem:v37+s12+$0x0], $0xffff  }
0xa6: {  	v33 =	vld.idx.msk [tilespmem:v33+s12+$0x0], $0xffff  }
0xa7: {  	v40 =	vld.idx.msk [tilespmem:v40+s12+$0x0], $0xffff  }
0xa8: {  	v36 =	vld.idx.msk [tilespmem:v36+s12+$0x0], $0xffff  }
0xa9: {  	v25 =	vld.idx.msk [tilespmem:v25+s12+$0x0], $0xffff  }
0xaa: {  	v31 =	vld.idx.msk [tilespmem:v31+s12+$0x0], $0xffff  }
0xab: {  	v19 =	vld.idx.msk [tilespmem:v19+s12+$0x0], $0xffff  }
0xac: {  	v42 =	vadd.s32 $0x2800, v22;
	v41 =	vld.idx.msk [tilespmem:v41+s12+$0x0], $0xffff  }
0xad: {  	v43 =	vadd.s32 $0x5000, v22;
	v21 =	vld.idx.msk [tilespmem:v21+s12+$0x0], $0xffff  }
0xae: {  	v44 =	vadd.s32 $0x7800, v22;
	v16 =	vld.idx.msk [tilespmem:v16+s12+$0x0], $0xffff  }
0xaf: {  	v26 =	vld.idx.msk [tilespmem:v26+s12+$0x0], $0xffff  }
0xb0: {  	[tilespmem:v22+s19+$0x0] =	vst.idx.add.f32.msk $0xffff, v23  }
0xb1: {  	v22 =	vadd.s32 $0x5000, v15;
	[tilespmem:v42+s19+$0x0] =	vst.idx.add.f32.msk $0xffff, v34  }
0xb2: {  	v23 =	vadd.s32 $0x7800, v15;
	[tilespmem:v43+s19+$0x0] =	vst.idx.add.f32.msk $0xffff, v27  }
0xb3: {  	[tilespmem:v44+s19+$0x0] =	vst.idx.add.f32.msk $0xffff, v28  }
0xb4: {  	[tilespmem:v15+s19+$0x0] =	vst.idx.add.f32.msk $0xffff, v29;
	v15 =	vadd.s32 $0x2800, v11  }
0xb5: {  	[tilespmem:v24+s19+$0x0] =	vst.idx.add.f32.msk $0xffff, v38;
	v24 =	vadd.s32 $0x5000, v11  }
0xb6: {  	[tilespmem:v22+s19+$0x0] =	vst.idx.add.f32.msk $0xffff, v31;
	v22 =	vadd.s32 $0x7800, v11  }
0xb7: {  	[tilespmem:v23+s19+$0x0] =	vst.idx.add.f32.msk $0xffff, v19  }
0xb8: {  	[tilespmem:v11+s19+$0x0] =	vst.idx.add.f32.msk $0xffff, v39;
	v11 =	vadd.s32 $0x2800, v13  }
0xb9: {  	[tilespmem:v15+s19+$0x0] =	vst.idx.add.f32.msk $0xffff, v21;
	v15 =	vadd.s32 $0x5000, v13  }
0xba: {  	v19 =	vadd.s32 $0x7800, v13;
	[tilespmem:v24+s19+$0x0] =	vst.idx.add.f32.msk $0xffff, v41  }
0xbb: {  	[tilespmem:v22+s19+$0x0] =	vst.idx.add.f32.msk $0xffff, v37  }
0xbc: {  	[tilespmem:v13+s19+$0x0] =	vst.idx.add.f32.msk $0xffff, v35;
	v13 =	vadd.s32 $0x2800, v5  }
0xbd: {  	[tilespmem:v11+s19+$0x0] =	vst.idx.add.f32.msk $0xffff, v25;
	v11 =	vadd.s32 $0x5000, v5  }
0xbe: {  	[tilespmem:v15+s19+$0x0] =	vst.idx.add.f32.msk $0xffff, v40;
	v15 =	vadd.s32 $0x7800, v5  }
0xbf: {  	[tilespmem:v19+s19+$0x0] =	vst.idx.add.f32.msk $0xffff, v33  }
0xc0: {  	[tilespmem:v5+s19+$0x0] =	vst.idx.add.f32.msk $0xffff, v14;
	v5 =	vadd.s32 $0x2800, v4  }
0xc1: {  	[tilespmem:v13+s19+$0x0] =	vst.idx.add.f32.msk $0xffff, v32;
	v13 =	vadd.s32 $0x5000, v4  }
0xc2: {  	[tilespmem:v11+s19+$0x0] =	vst.idx.add.f32.msk $0xffff, v36;
	v11 =	vadd.s32 $0x7800, v4  }
0xc3: {  	[tilespmem:v15+s19+$0x0] =	vst.idx.add.f32.msk $0xffff, v18  }
0xc4: {  	[tilespmem:v4+s19+$0x0] =	vst.idx.add.f32.msk $0xffff, v16;
	v4 =	vadd.s32 $0x2800, v3  }
0xc5: {  	[tilespmem:v5+s19+$0x0] =	vst.idx.add.f32.msk $0xffff, v26;
	v5 =	vadd.s32 $0x5000, v3  }
0xc6: {  	[tilespmem:v13+s19+$0x0] =	vst.idx.add.f32.msk $0xffff, v10;
	v10 =	vadd.s32 $0x7800, v3  }
0xc7: {  	[tilespmem:v11+s19+$0x0] =	vst.idx.add.f32.msk $0xffff, v9  }
0xc8: {  	[tilespmem:v3+s19+$0x0] =	vst.idx.add.f32.msk $0xffff, v8;
	v8 =	vadd.s32 $0x2800, v2  }
0xc9: {  	[tilespmem:v4+s19+$0x0] =	vst.idx.add.f32.msk $0xffff, v12;
	v4 =	vadd.s32 $0x5000, v2  }
.Ltmp3:
0xca: {  	v3 =	vadd.s32 $0x7800, v2;
	[tilespmem:v5+s19+$0x0] =	vst.idx.add.f32.msk $0xffff, v20;
	(pc) =	sbr.rel @p0 .LBB2_5-.Ltmp3, $4  }
0xcb: {  	[tilespmem:v10+s19+$0x0] =	vst.idx.add.f32.msk $0xffff, v30  }
0xcc: {  	[tilespmem:v2+s19+$0x0] =	vst.idx.add.f32.msk $0xffff, v7  }
0xcd: {  	[tilespmem:v8+s19+$0x0] =	vst.idx.add.f32.msk $0xffff, v6  }
0xce: {  	[tilespmem:v4+s19+$0x0] =	vst.idx.add.f32.msk $0xffff, v17  }
0xcf: {  	p0 =	seq.s32 s23, $0x18  }
0xd0: {  	s24 =	smul.u32 @!p0 $0x3200, s23;
	_ =	sdelay $0x1  }
0xd1: {  	s24 =	sshrl.u32 @!p0 s24, $0x3  }
0xd2: {  	s24 =	sadd.s32 @!p0 $0x640, s24  }
0xd3: {  	[tilespmem:v3+s19+$0x0] =	vst.idx.add.f32.msk $0xffff, v1;
	s26 =	simm.s32 @!p0 $0x0;
	s25 =	sadd.s32 @!p0 s3, s24  }
0xd4: {  	[tilespmem:s26], [sflag:$0x1] =	stream.linear.gather @!p0 [hbm4b:s25+s26], $0x1900, $0x38;
	[tilespmem:$0x1A400] =	vst v63  }
0xd5: {  	s24 =	sadd.s32 @!p0 s4, s24;
	s25 =	simm.s32 @!p0 $0x3200  }
0xd6: {  	[tilespmem:s25], [sflag:$0x3] =	stream.linear.gather @!p0 [hbm4b:s24+s26], $0x1900, $0x38;
	[tilespmem:$0x1A400] =	vst v63  }
0xd7: {  	_ =	swait.ge [sflag:s20], $0x1900  }
0xd8: {  	[sflag:s20] =	ssyncset.done $0x0  }
0xd9: {  	[sflag:s20] =	ssyncadd.s32 $0xFFFFE700  }
0xda: {  	_ =	swait.ge [sflag:s21], $0x1900  }
0xdb: {  	[sflag:s21] =	ssyncset.done $0x0  }
0xdc: {  	s31 =	simm.s32 $0x0;
	[sflag:s21] =	ssyncadd.s32 $0xFFFFE700  }
0xdd: {  	v2 =	vld [tilespmem:s31+$0x4B70]  }
0xde: {  	v3 =	vld [tilespmem:s31+$0x4B60]  }
0xdf: {  	v4 =	vld [tilespmem:s31+$0x4B50]  }
0xe0: {  	v5 =	vld [tilespmem:s31+$0x4B40]  }
0xe1: {  	v6 =	vld [tilespmem:s31+$0x4B10]  }
0xe2: {  	v1 =	vld [tilespmem:s31+$0x1900]  }
0xe3: {  	v7 =	vld [tilespmem:s31+$0x4B20]  }
0xe4: {  	v8 =	vld [tilespmem:s31+$0x1950]  }
0xe5: {  	v9 =	vld [tilespmem:s31+$0x1970]  }
0xe6: {  	v10 =	vld [tilespmem:s31+$0x1940]  }
0xe7: {  	v12 =	vld [tilespmem:s31+$0x1960]  }
0xe8: {  	v11 =	vld [tilespmem:s31+$0x1910]  }
0xe9: {  	v13 =	vld [tilespmem:s31+$0x1920]  }
0xea: {  	v19 =	vld [tilespmem:s31+$0x1930]  }
0xeb: {  	v14 =	vld [tilespmem:s31+$0x4B30]  }
0xec: {  	v16 =	vld [tilespmem:s31+$0x4B00]  }
0xed: {  	v17 =	vld.idx.msk [tilespmem:v1+s12+$0x0], $0xffff  }
0xee: {  	v21 =	vld.idx.msk [tilespmem:v10+s12+$0x0], $0xffff  }
0xef: {  	v22 =	vld.idx.msk [tilespmem:v12+s12+$0x0], $0xffff  }
0xf0: {  	v15 =	vadd.s32 $0x2800, v9;
	v26 =	vld.idx.msk [tilespmem:v9+s12+$0x0], $0xffff  }
0xf1: {  	v18 =	vadd.s32 $0x7800, v8;
	v27 =	vld.idx.msk [tilespmem:v11+s12+$0x0], $0xffff  }
0xf2: {  	v20 =	vadd.s32 $0x5000, v8;
	v31 =	vld.idx.msk [tilespmem:v19+s12+$0x0], $0xffff  }
0xf3: {  	v23 =	vadd.s32 $0x2800, v12;
	v36 =	vld.idx.msk [tilespmem:v13+s12+$0x0], $0xffff  }
0xf4: {  	v24 =	vadd.s32 $0x5000, v1;
	v40 =	vadd.s32 $0x2800, v8;
	v8 =	vld.idx.msk [tilespmem:v8+s12+$0x0], $0xffff  }
0xf5: {  	v25 =	vadd.s32 $0x7800, v1;
	v15 =	vld.idx.msk [tilespmem:v15+s12+$0x0], $0xffff  }
0xf6: {  	v28 =	vadd.s32 $0x7800, v12;
	v18 =	vld.idx.msk [tilespmem:v18+s12+$0x0], $0xffff  }
0xf7: {  	v29 =	vadd.s32 $0x7800, v9;
	v20 =	vld.idx.msk [tilespmem:v20+s12+$0x0], $0xffff  }
0xf8: {  	v30 =	vadd.s32 $0x2800, v10;
	v23 =	vld.idx.msk [tilespmem:v23+s12+$0x0], $0xffff  }
0xf9: {  	v32 =	vadd.s32 $0x2800, v1;
	v24 =	vld.idx.msk [tilespmem:v24+s12+$0x0], $0xffff  }
0xfa: {  	v33 =	vadd.s32 $0x7800, v10;
	v25 =	vld.idx.msk [tilespmem:v25+s12+$0x0], $0xffff  }
0xfb: {  	v49 =	vadd.s32 $0x2800, v11;
	v28 =	vld.idx.msk [tilespmem:v28+s12+$0x0], $0xffff  }
0xfc: {  	v34 =	vadd.s32 $0x7800, v13;
	v1 =	vld.idx.msk [tilespmem:v29+s12+$0x0], $0xffff  }
0xfd: {  	v35 =	vadd.s32 $0x7800, v19;
	v30 =	vld.idx.msk [tilespmem:v30+s12+$0x0], $0xffff  }
0xfe: {  	v37 =	vadd.s32 $0x5000, v19;
	v32 =	vld.idx.msk [tilespmem:v32+s12+$0x0], $0xffff  }
0xff: {  	v38 =	vadd.s32 $0x5000, v11;
	v33 =	vld.idx.msk [tilespmem:v33+s12+$0x0], $0xffff  }
0x100: {  	v39 =	vadd.s32 $0x5000, v13;
	v29 =	vld.idx.msk [tilespmem:v49+s12+$0x0], $0xffff  }
0x101: {  	v34 =	vld.idx.msk [tilespmem:v34+s12+$0x0], $0xffff  }
0x102: {  	v12 =	vadd.s32 $0x5000, v12;
	v35 =	vld.idx.msk [tilespmem:v35+s12+$0x0], $0xffff  }
0x103: {  	v9 =	vadd.s32 $0x5000, v9;
	v37 =	vld.idx.msk [tilespmem:v37+s12+$0x0], $0xffff  }
0x104: {  	v10 =	vadd.s32 $0x5000, v10;
	v38 =	vld.idx.msk [tilespmem:v38+s12+$0x0], $0xffff  }
0x105: {  	v19 =	vadd.s32 $0x2800, v19;
	v39 =	vld.idx.msk [tilespmem:v39+s12+$0x0], $0xffff  }
0x106: {  	v11 =	vadd.s32 $0x7800, v11;
	v40 =	vld.idx.msk [tilespmem:v40+s12+$0x0], $0xffff  }
0x107: {  	v13 =	vadd.s32 $0x2800, v13;
	v12 =	vld.idx.msk [tilespmem:v12+s12+$0x0], $0xffff  }
0x108: {  	v9 =	vld.idx.msk [tilespmem:v9+s12+$0x0], $0xffff  }
0x109: {  	v41 =	vadd.s32 $0x2800, v16;
	v10 =	vld.idx.msk [tilespmem:v10+s12+$0x0], $0xffff  }
0x10a: {  	v42 =	vadd.s32 $0x5000, v16;
	v19 =	vld.idx.msk [tilespmem:v19+s12+$0x0], $0xffff  }
0x10b: {  	v43 =	vadd.s32 $0x7800, v16;
	v11 =	vld.idx.msk [tilespmem:v11+s12+$0x0], $0xffff  }
0x10c: {  	v13 =	vld.idx.msk [tilespmem:v13+s12+$0x0], $0xffff  }
0x10d: {  	v44 =	vadd.s32 $0x2800, v6;
	[tilespmem:v16+s19+$0x0] =	vst.idx.add.f32.msk $0xffff, v17  }
0x10e: {  	v50 =	vadd.s32 $0x5000, v6;
	[tilespmem:v41+s19+$0x0] =	vst.idx.add.f32.msk $0xffff, v32  }
0x10f: {  	v51 =	vadd.s32 $0x7800, v6;
	[tilespmem:v42+s19+$0x0] =	vst.idx.add.f32.msk $0xffff, v24  }
0x110: {  	[tilespmem:v43+s19+$0x0] =	vst.idx.add.f32.msk $0xffff, v25  }
0x111: {  	v52 =	vadd.s32 $0x2800, v7;
	[tilespmem:v6+s19+$0x0] =	vst.idx.add.f32.msk $0xffff, v27  }
0x112: {  	v53 =	vadd.s32 $0x5000, v7;
	[tilespmem:v44+s19+$0x0] =	vst.idx.add.f32.msk $0xffff, v29  }
0x113: {  	v54 =	vadd.s32 $0x7800, v7;
	[tilespmem:v50+s19+$0x0] =	vst.idx.add.f32.msk $0xffff, v38  }
0x114: {  	[tilespmem:v51+s19+$0x0] =	vst.idx.add.f32.msk $0xffff, v11  }
0x115: {  	v55 =	vadd.s32 $0x2800, v14;
	[tilespmem:v7+s19+$0x0] =	vst.idx.add.f32.msk $0xffff, v36  }
0x116: {  	v56 =	vadd.s32 $0x5000, v14;
	[tilespmem:v52+s19+$0x0] =	vst.idx.add.f32.msk $0xffff, v13  }
0x117: {  	v57 =	vadd.s32 $0x7800, v14;
	[tilespmem:v53+s19+$0x0] =	vst.idx.add.f32.msk $0xffff, v39  }
0x118: {  	[tilespmem:v54+s19+$0x0] =	vst.idx.add.f32.msk $0xffff, v34  }
0x119: {  	v58 =	vadd.s32 $0x2800, v5;
	[tilespmem:v14+s19+$0x0] =	vst.idx.add.f32.msk $0xffff, v31  }
0x11a: {  	v59 =	vadd.s32 $0x5000, v5;
	[tilespmem:v55+s19+$0x0] =	vst.idx.add.f32.msk $0xffff, v19  }
0x11b: {  	v60 =	vadd.s32 $0x7800, v5;
	[tilespmem:v56+s19+$0x0] =	vst.idx.add.f32.msk $0xffff, v37  }
0x11c: {  	[tilespmem:v57+s19+$0x0] =	vst.idx.add.f32.msk $0xffff, v35  }
0x11d: {  	[tilespmem:v5+s19+$0x0] =	vst.idx.add.f32.msk $0xffff, v21;
	v5 =	vadd.s32 $0x2800, v4  }
0x11e: {  	v61 =	vadd.s32 $0x5000, v4;
	[tilespmem:v58+s19+$0x0] =	vst.idx.add.f32.msk $0xffff, v30  }
0x11f: {  	v62 =	vadd.s32 $0x7800, v4;
	[tilespmem:v59+s19+$0x0] =	vst.idx.add.f32.msk $0xffff, v10  }
0x120: {  	[tilespmem:v60+s19+$0x0] =	vst.idx.add.f32.msk $0xffff, v33  }
0x121: {  	[tilespmem:v4+s19+$0x0] =	vst.idx.add.f32.msk $0xffff, v8;
	v4 =	vadd.s32 $0x2800, v3  }
0x122: {  	[tilespmem:v5+s19+$0x0] =	vst.idx.add.f32.msk $0xffff, v40;
	v5 =	vadd.s32 $0x5000, v3  }
0x123: {  	v63 =	vadd.s32 $0x7800, v3;
	[tilespmem:v61+s19+$0x0] =	vst.idx.add.f32.msk $0xffff, v20  }
0x124: {  	[tilespmem:v62+s19+$0x0] =	vst.idx.add.f32.msk $0xffff, v18  }
0x125: {  	[tilespmem:v3+s19+$0x0] =	vst.idx.add.f32.msk $0xffff, v22;
	v3 =	vadd.s32 $0x2800, v2  }
0x126: {  	[tilespmem:v4+s19+$0x0] =	vst.idx.add.f32.msk $0xffff, v23  }
0x127: {  	[tilespmem:v5+s19+$0x0] =	vst.idx.add.f32.msk $0xffff, v12  }
0x128: {  	[tilespmem:v63+s19+$0x0] =	vst.idx.add.f32.msk $0xffff, v28  }
0x129: {  	v4 =	vadd.s32 $0x5000, v2;
	[tilespmem:v2+s19+$0x0] =	vst.idx.add.f32.msk $0xffff, v26  }
0x12a: {  	[tilespmem:v3+s19+$0x0] =	vst.idx.add.f32.msk $0xffff, v15;
	v3 =	vadd.s32 $0x7800, v2;
	_ =	sdelay $0x3  }
0x12b: {  	s24 =	simm.s32 $0x200;
	[tilespmem:v4+s19+$0x0] =	vst.idx.add.f32.msk $0xffff, v9  }
.LBB2_7:
0x12c: {  	s25 =	sshra.s32 s24, $0x2;
	p1 =	sne.s32 s24, $0x6200;
	s24 =	sadd.s32 $0x200, s24;
	[tilespmem:v3+s19+$0x0] =	vst.idx.add.f32.msk $0xffff, v1  }
0x12d: {  	v2 =	vld [tilespmem:s25+$0x4B70]  }
0x12e: {  	v3 =	vld [tilespmem:s25+$0x4B60]  }
0x12f: {  	v4 =	vld [tilespmem:s25+$0x4B50]  }
0x130: {  	v5 =	vld [tilespmem:s25+$0x4B40]  }
0x131: {  	v15 =	vld [tilespmem:s25+$0x4B10]  }
0x132: {  	v1 =	vld [tilespmem:s25+$0x1900]  }
0x133: {  	v11 =	vld [tilespmem:s25+$0x4B20]  }
0x134: {  	v16 =	vld [tilespmem:s25+$0x1950]  }
0x135: {  	v17 =	vld [tilespmem:s25+$0x1970]  }
0x136: {  	v18 =	vld [tilespmem:s25+$0x1940]  }
0x137: {  	v19 =	vld [tilespmem:s25+$0x1910]  }
0x138: {  	v20 =	vld [tilespmem:s25+$0x1960]  }
0x139: {  	v21 =	vld [tilespmem:s25+$0x1920]  }
0x13a: {  	v13 =	vld [tilespmem:s25+$0x4B30];
	v6 =	vadd.s32 $0x2800, v17  }
0x13b: {  	v22 =	vld [tilespmem:s25+$0x4B00]  }
0x13c: {  	v24 =	vadd.s32 $0x2800, v15;
	v7 =	vadd.s32 $0x7800, v16;
	v23 =	vld.idx.msk [tilespmem:v1+s12+$0x0], $0xffff  }
0x13d: {  	v10 =	vadd.s32 $0x5000, v16;
	v25 =	vld [tilespmem:s25+$0x1930]  }
0x13e: {  	v26 =	vadd.s32 $0x2800, v16;
	v14 =	vld.idx.msk [tilespmem:v18+s12+$0x0], $0xffff  }
0x13f: {  	v6 =	vld.idx.msk [tilespmem:v6+s12+$0x0], $0xffff  }
0x140: {  	v12 =	vadd.s32 $0x2800, v20;
	v8 =	vld.idx.msk [tilespmem:v20+s12+$0x0], $0xffff  }
0x141: {  	v27 =	vadd.s32 $0x5000, v1;
	v9 =	vld.idx.msk [tilespmem:v7+s12+$0x0], $0xffff  }
0x142: {  	v28 =	vadd.s32 $0x7800, v1;
	v10 =	vld.idx.msk [tilespmem:v10+s12+$0x0], $0xffff  }
0x143: {  	v7 =	vld.idx.msk [tilespmem:v17+s12+$0x0], $0xffff  }
0x144: {  	v30 =	vadd.s32 $0x7800, v20;
	v29 =	vld.idx.msk [tilespmem:v19+s12+$0x0], $0xffff  }
0x145: {  	v32 =	vadd.s32 $0x2800, v18;
	v31 =	vadd.s32 $0x5000, v19;
	v20 =	vadd.s32 $0x5000, v20;
	v12 =	vld.idx.msk [tilespmem:v12+s12+$0x0], $0xffff  }
0x146: {  	v33 =	vadd.s32 $0x5000, v17;
	v17 =	vadd.s32 $0x7800, v17;
	v27 =	vld.idx.msk [tilespmem:v27+s12+$0x0], $0xffff  }
0x147: {  	v28 =	vld.idx.msk [tilespmem:v28+s12+$0x0], $0xffff  }
0x148: {  	v34 =	vadd.s32 $0x2800, v1;
	v36 =	vadd.s32 $0x5000, v18;
	v35 =	vld.idx.msk [tilespmem:v25+s12+$0x0], $0xffff  }
0x149: {  	v18 =	vadd.s32 $0x7800, v18;
	v30 =	vld.idx.msk [tilespmem:v30+s12+$0x0], $0xffff  }
0x14a: {  	v37 =	vadd.s32 $0x7800, v21;
	v20 =	vld.idx.msk [tilespmem:v20+s12+$0x0], $0xffff  }
0x14b: {  	v38 =	vadd.s32 $0x2800, v19;
	v1 =	vld.idx.msk [tilespmem:v17+s12+$0x0], $0xffff  }
0x14c: {  	v17 =	vld.idx.msk [tilespmem:v33+s12+$0x0], $0xffff  }
0x14d: {  	v33 =	vadd.s32 $0x7800, v25;
	v32 =	vld.idx.msk [tilespmem:v32+s12+$0x0], $0xffff  }
0x14e: {  	v40 =	vadd.s32 $0x5000, v25;
	v39 =	vld.idx.msk [tilespmem:v21+s12+$0x0], $0xffff  }
0x14f: {  	v25 =	vadd.s32 $0x2800, v25;
	v34 =	vld.idx.msk [tilespmem:v34+s12+$0x0], $0xffff  }
0x150: {  	v18 =	vld.idx.msk [tilespmem:v18+s12+$0x0], $0xffff  }
0x151: {  	v41 =	vadd.s32 $0x5000, v21;
	v19 =	vadd.s32 $0x7800, v19;
	v38 =	vld.idx.msk [tilespmem:v38+s12+$0x0], $0xffff  }
0x152: {  	v21 =	vadd.s32 $0x2800, v21;
	v37 =	vld.idx.msk [tilespmem:v37+s12+$0x0], $0xffff  }
0x153: {  	v33 =	vld.idx.msk [tilespmem:v33+s12+$0x0], $0xffff  }
0x154: {  	v40 =	vld.idx.msk [tilespmem:v40+s12+$0x0], $0xffff  }
0x155: {  	v36 =	vld.idx.msk [tilespmem:v36+s12+$0x0], $0xffff  }
0x156: {  	v25 =	vld.idx.msk [tilespmem:v25+s12+$0x0], $0xffff  }
0x157: {  	v31 =	vld.idx.msk [tilespmem:v31+s12+$0x0], $0xffff  }
0x158: {  	v19 =	vld.idx.msk [tilespmem:v19+s12+$0x0], $0xffff  }
0x159: {  	v42 =	vadd.s32 $0x2800, v22;
	v41 =	vld.idx.msk [tilespmem:v41+s12+$0x0], $0xffff  }
0x15a: {  	v43 =	vadd.s32 $0x5000, v22;
	v21 =	vld.idx.msk [tilespmem:v21+s12+$0x0], $0xffff  }
0x15b: {  	v44 =	vadd.s32 $0x7800, v22;
	v16 =	vld.idx.msk [tilespmem:v16+s12+$0x0], $0xffff  }
0x15c: {  	v26 =	vld.idx.msk [tilespmem:v26+s12+$0x0], $0xffff  }
0x15d: {  	[tilespmem:v22+s19+$0x0] =	vst.idx.add.f32.msk $0xffff, v23  }
0x15e: {  	v22 =	vadd.s32 $0x5000, v15;
	[tilespmem:v42+s19+$0x0] =	vst.idx.add.f32.msk $0xffff, v34  }
0x15f: {  	v23 =	vadd.s32 $0x7800, v15;
	[tilespmem:v43+s19+$0x0] =	vst.idx.add.f32.msk $0xffff, v27  }
0x160: {  	[tilespmem:v44+s19+$0x0] =	vst.idx.add.f32.msk $0xffff, v28  }
0x161: {  	[tilespmem:v15+s19+$0x0] =	vst.idx.add.f32.msk $0xffff, v29;
	v15 =	vadd.s32 $0x2800, v11  }
0x162: {  	[tilespmem:v24+s19+$0x0] =	vst.idx.add.f32.msk $0xffff, v38;
	v24 =	vadd.s32 $0x5000, v11  }
0x163: {  	[tilespmem:v22+s19+$0x0] =	vst.idx.add.f32.msk $0xffff, v31;
	v22 =	vadd.s32 $0x7800, v11  }
0x164: {  	[tilespmem:v23+s19+$0x0] =	vst.idx.add.f32.msk $0xffff, v19  }
0x165: {  	[tilespmem:v11+s19+$0x0] =	vst.idx.add.f32.msk $0xffff, v39;
	v11 =	vadd.s32 $0x2800, v13  }
0x166: {  	[tilespmem:v15+s19+$0x0] =	vst.idx.add.f32.msk $0xffff, v21;
	v15 =	vadd.s32 $0x5000, v13  }
0x167: {  	v19 =	vadd.s32 $0x7800, v13;
	[tilespmem:v24+s19+$0x0] =	vst.idx.add.f32.msk $0xffff, v41  }
0x168: {  	[tilespmem:v22+s19+$0x0] =	vst.idx.add.f32.msk $0xffff, v37  }
0x169: {  	[tilespmem:v13+s19+$0x0] =	vst.idx.add.f32.msk $0xffff, v35;
	v13 =	vadd.s32 $0x2800, v5  }
0x16a: {  	[tilespmem:v11+s19+$0x0] =	vst.idx.add.f32.msk $0xffff, v25;
	v11 =	vadd.s32 $0x5000, v5  }
0x16b: {  	[tilespmem:v15+s19+$0x0] =	vst.idx.add.f32.msk $0xffff, v40;
	v15 =	vadd.s32 $0x7800, v5  }
0x16c: {  	[tilespmem:v19+s19+$0x0] =	vst.idx.add.f32.msk $0xffff, v33  }
0x16d: {  	[tilespmem:v5+s19+$0x0] =	vst.idx.add.f32.msk $0xffff, v14;
	v5 =	vadd.s32 $0x2800, v4  }
0x16e: {  	[tilespmem:v13+s19+$0x0] =	vst.idx.add.f32.msk $0xffff, v32;
	v13 =	vadd.s32 $0x5000, v4  }
0x16f: {  	[tilespmem:v11+s19+$0x0] =	vst.idx.add.f32.msk $0xffff, v36;
	v11 =	vadd.s32 $0x7800, v4  }
0x170: {  	[tilespmem:v15+s19+$0x0] =	vst.idx.add.f32.msk $0xffff, v18  }
0x171: {  	[tilespmem:v4+s19+$0x0] =	vst.idx.add.f32.msk $0xffff, v16;
	v4 =	vadd.s32 $0x2800, v3  }
0x172: {  	[tilespmem:v5+s19+$0x0] =	vst.idx.add.f32.msk $0xffff, v26;
	v5 =	vadd.s32 $0x5000, v3  }
0x173: {  	[tilespmem:v13+s19+$0x0] =	vst.idx.add.f32.msk $0xffff, v10;
	v10 =	vadd.s32 $0x7800, v3  }
0x174: {  	[tilespmem:v11+s19+$0x0] =	vst.idx.add.f32.msk $0xffff, v9  }
0x175: {  	[tilespmem:v3+s19+$0x0] =	vst.idx.add.f32.msk $0xffff, v8;
	v8 =	vadd.s32 $0x2800, v2  }
0x176: {  	[tilespmem:v4+s19+$0x0] =	vst.idx.add.f32.msk $0xffff, v12;
	v4 =	vadd.s32 $0x5000, v2  }
.Ltmp4:
0x177: {  	v3 =	vadd.s32 $0x7800, v2;
	[tilespmem:v5+s19+$0x0] =	vst.idx.add.f32.msk $0xffff, v20;
	(pc) =	sbr.rel @p1 .LBB2_7-.Ltmp4, $4  }
0x178: {  	[tilespmem:v10+s19+$0x0] =	vst.idx.add.f32.msk $0xffff, v30  }
0x179: {  	[tilespmem:v2+s19+$0x0] =	vst.idx.add.f32.msk $0xffff, v7  }
0x17a: {  	[tilespmem:v8+s19+$0x0] =	vst.idx.add.f32.msk $0xffff, v6  }
0x17b: {  	[tilespmem:v4+s19+$0x0] =	vst.idx.add.f32.msk $0xffff, v17  }
.Ltmp5:
0x17c: {  	_ = 	snop;
	(pc) =	sbr.rel @p0 .LBB2_10-.Ltmp5, $2  }
0x17d: {  	_ =	sdelay $0x2  }
0x17e: {  	[tilespmem:v3+s19+$0x0] =	vst.idx.add.f32.msk $0xffff, v1  }
0x17f: {  	s24 =	smul.u32 $0x3200, s23;
	_ =	sdelay $0x1  }
0x180: {  	s24 =	sshrl.u32 s24, $0x3  }
.Ltmp6:
0x181: {  	s24 =	sadd.s32 $0x960, s24;
	(pc) =	sbr.rel .LBB2_4-.Ltmp6, $4  }
0x182: {  	s25 =	sadd.s32 s3, s24  }
0x183: {  	[tilespmem:s15], [sflag:$0x2] =	stream.linear.gather [hbm4b:s25+s2], $0x1900, $0x38;
	[tilespmem:$0x1A400] =	vst v63  }
0x184: {  	s23 =	sadd.s32 $0x1, s23;
	s24 =	sadd.s32 s4, s24  }
0x185: {  	[tilespmem:s16], [sflag:$0x4] =	stream.linear.gather [hbm4b:s24+s2], $0x1900, $0x38;
	[tilespmem:$0x1A400] =	vst v63  }
.LBB2_11:
0x186: {  	_ =	sfence.sel $0x180000  }
0x187: {  	[bflag:$0x0] =	sbarrier.arrive $0xFFFF  }
0x188: {  	p0 =	sne.s32 s0, $0x0;
	_ =	strace $0x9000004D  }
0x189: {  	s0 =	sadd.s32 @!p0 $0x100000, s1;
	[bflag:$0x2] =	sbarrier.arrive $0xFFFF  }
0x18a: {  	[sflag:s0] =	ssyncadd.tile.s32 @!p0 $0x1;
	_ =	shalt  }
.Lfunc_end2:
_tile_overlayer_lowered:
.L_overlay_start_2:
0x18b: {  	(tag) =	ssettag $0x2  }
0x18c: {  	s0 =	rddreg [dreg:$0x0];
	s2 =	stileid.u32  }
0x18d: {  	s1 =	rddreg [dreg:$0x1];
	p0 =	sne.s32 s2, $0x0  }
0x18e: {  	s3 =	rddreg [dreg:$0x2];
	[bflag:$0x3] =	sbarrier.arrive $0xFFFF;
	s2 =	simm.s32 @!p0 $0x1C05  }
0x18f: {  	[timem:s3], [sflag:s2] =	dma.local @!p0 [hbm:s0], s1  }
0x190: {  	s0 =	simm.s32 @!p0 $0x5  }
0x191: {  	_ =	swait.ge @!p0 [sflag:s0], s1  }
0x192: {  	s1 =	ssub.s32 @!p0 $0x0, s1;
	[sflag:s0] =	ssyncset.done @!p0 $0x0  }
0x193: {  	[sflag:s0] =	ssyncadd.s32 @!p0 s1  }
0x194: {  	[bflag:$0x3] =	sbarrier.arrive $0xFFFF  }
0x195: {  	_ =	shalt  }

// kernel: kernel.8.cloned.1.call-start
scs
__scs_entry_jumppad:
0x0: {  	(pc) =	sbr.rel $0x88, $3  }
0x1: {  	(tag) =	ssettag $0x0;
	lr =	simm.s32 $0x1  }
0x2: {  	[smem:$0x3F9B] =	sst lr;
	_ =	strace $0xD0000000  }
0x3: {  	_ = 	snop  }
0x4: {  	_ = 	snop  }
0x5: {  	_ = 	snop  }
0x6: {  	_ = 	snop  }
0x7: {  	_ = 	snop  }
__scs_overlays_trampoline_lowered:
0x8: {  	[smem:$0x3FAA] =	sst s0  }
0x9: {  	[smem:$0x3FAB] =	sst s1  }
0xa: {  	[smem:$0x3FAC] =	sst s2  }
0xb: {  	[smem:$0x3FAD] =	sst s3  }
0xc: {  	[smem:$0x3FAE] =	sst s4  }
0xd: {  	[smem:$0x3FAF] =	sst s5  }
0xe: {  	[smem:$0x3FB0] =	sst s6  }
0xf: {  	[smem:$0x3FB1] =	sst s7  }
0x10: {  	[smem:$0x3FB2] =	sst s8  }
0x11: {  	[smem:$0x3FB3] =	sst s9;
	s0 =	simm.s32 @!p0 $0x0  }
0x12: {  	s1 =	sld [smem:$0x3F99];
	s0 =	simm.s32 @p0 $0x1  }
0x13: {  	[smem:$0x3FB4] =	sst s0;
	s0 =	simm.s32 @!p1 $0x0  }
0x14: {  	s2 =	sld [smem:$0x3F98];
	s0 =	simm.s32 @p1 $0x1  }
0x15: {  	[smem:$0x3FB5] =	sst s0;
	s0 =	simm.s32 @!p2 $0x0  }
0x16: {  	s3 =	sld [smem:$0x3FDB];
	s0 =	simm.s32 @p2 $0x1  }
0x17: {  	s4 =	simm.s32 $0x1BF5;
	[smem:$0x3FB7] =	sst s0  }
0x18: {  	s0 =	sld [smem:$0x3F9A];
	_ =	swait.ge [sflag:s4], $0x0  }
0x19: {  	s7 =	sld [smem:$0x3F9B]  }
0x1a: {  	s8 =	sadd.s32 $0xFFFFE003, lr  }
0x1b: {  	s9 =	sadd.s32 $0xFFFFFEF7, lr;
	s5 =	simm.s32 $0xFFFFFFFF;
	p2 =	slt.u32 s8, $0xFFFFF086  }
0x1c: {  	p1 =	slt.u32 s9, $0xF7A;
	s5 =	simm.s32 @!p2 $0x0  }
0x1d: {  	s5 =	simm.s32 @p1 $0x1;
	p0 =	seq.s32 s7, s2  }
0x1e: {  	s7 =	smul.u32 @!p0 $0xF7A, s2;
	p2 =	seq.s32 @!p0 s5, $0x0  }
0x1f: {  	s9 =	smul.u32 $0xF7A, s1;
	s8 =	simm.s32 @!p0 $0x1BF5;
	p2 =	por !p2, p0  }
0x20: {  	[sflag:s8] =	ssyncset.s32 @!p0 $0xFFFFF086;
	s6 =	sadd.s32 @!p0 s3, s7;
	s7 =	simm.s32 @!p0 $0x108  }
0x21: {  	s3 =	sadd.s32 s3, s9;
	s6 =	sadd.s32 @!p0 $0x88, s6;
	s7 =	simm.s32 @p2 $0x1082  }
0x22: {  	[simem:s7], [sflag:s8] =	dma.local @!p0 [hbm:s6], $0xF7A  }
0x23: {  	s9 =	sor.u32 $0xD0000000, s2;
	s6 =	simm.s32 $0x108;
	_ =	swait.ge @!p0 [sflag:s8], $0x0  }
0x24: {  	s3 =	sadd.s32 $0x88, s3;
	s6 =	simm.s32 @!p1 $0x1082;
	[sflag:s4] =	ssyncset.s32 $0xFFFFF086  }
0x25: {  	[simem:s6], [sflag:s4] =	dma.local [hbm:s3], $0xF7A  }
0x26: {  	[smem:$0x3F9B] =	sst s1;
	(tag) =	ssettag s2;
	_ =	strace s9  }
0x27: {  	s1 =	sld [smem:$0x3FAB]  }
0x28: {  	s2 =	sld [smem:$0x3FAC]  }
0x29: {  	s4 =	sld [smem:$0x3FAE]  }
0x2a: {  	p0 =	seq.s32 s5, $0x0;
	s5 =	sld [smem:$0x3FAF]  }
0x2b: {  	s6 =	sld [smem:$0x3FB0]  }
0x2c: {  	s7 =	sld [smem:$0x3FB1]  }
0x2d: {  	s3 =	simm.s32 $0x108;
	s8 =	sld [smem:$0x3FB2]  }
0x2e: {  	s3 =	simm.s32 @!p0 $0x1082;
	s9 =	sld [smem:$0x3FB3]  }
0x2f: {  	lr =	sadd.s32 s0, s3;
	s0 =	sld [smem:$0x3FAA]  }
0x30: {  	s3 =	sld [smem:$0x3FAD]  }
0x31: {  	[smem:$0x3FB6] =	sst s10  }
0x32: {  	s10 =	sld [smem:$0x3FB4];
	_ =	sdelay $0x3  }
0x33: {  	p0 =	seq.s32 s10, $0x1;
	s10 =	sld [smem:$0x3FB6];
	_ =	sdelay $0x3  }
0x34: {  	[smem:$0x3FB6] =	sst s10  }
0x35: {  	s10 =	sld [smem:$0x3FB5];
	_ =	sdelay $0x3  }
0x36: {  	p1 =	seq.s32 s10, $0x1;
	s10 =	sld [smem:$0x3FB6];
	_ =	sdelay $0x3  }
0x37: {  	[smem:$0x3FB6] =	sst s10  }
0x38: {  	s10 =	sld [smem:$0x3FB7]  }
0x39: {  	_ = 	snop;
	(pc) =	sbr.ind lr, $3  }
0x3a: {  	_ = 	snop  }
0x3b: {  	_ = 	snop  }
0x3c: {  	p2 =	seq.s32 s10, $0x1;
	s10 =	sld [smem:$0x3FB6]  }
0x3d: {  	_ =	shalt  }
0x3e: {  	_ =	shalt  }
0x3f: {  	_ =	shalt  }
0x40: {  	_ =	shalt  }
0x41: {  	_ =	shalt  }
0x42: {  	_ =	shalt  }
0x43: {  	_ =	shalt  }
0x44: {  	_ =	shalt  }
0x45: {  	_ =	shalt  }
0x46: {  	_ =	shalt  }
0x47: {  	_ =	shalt  }
0x48: {  	_ =	shalt  }
0x49: {  	_ =	shalt  }
0x4a: {  	_ =	shalt  }
0x4b: {  	_ =	shalt  }
0x4c: {  	_ =	shalt  }
0x4d: {  	_ =	shalt  }
0x4e: {  	_ =	shalt  }
0x4f: {  	_ =	shalt  }
0x50: {  	_ =	shalt  }
0x51: {  	_ =	shalt  }
0x52: {  	_ =	shalt  }
0x53: {  	_ =	shalt  }
0x54: {  	_ =	shalt  }
0x55: {  	_ =	shalt  }
0x56: {  	_ =	shalt  }
0x57: {  	_ =	shalt  }
0x58: {  	_ =	shalt  }
0x59: {  	_ =	shalt  }
0x5a: {  	_ =	shalt  }
0x5b: {  	_ =	shalt  }
0x5c: {  	_ =	shalt  }
0x5d: {  	_ =	shalt  }
0x5e: {  	_ =	shalt  }
0x5f: {  	_ =	shalt  }
0x60: {  	_ =	shalt  }
0x61: {  	_ =	shalt  }
0x62: {  	_ =	shalt  }
0x63: {  	_ =	shalt  }
0x64: {  	_ =	shalt  }
0x65: {  	_ =	shalt  }
0x66: {  	_ =	shalt  }
0x67: {  	_ =	shalt  }
0x68: {  	_ =	shalt  }
0x69: {  	_ =	shalt  }
0x6a: {  	_ =	shalt  }
0x6b: {  	_ =	shalt  }
0x6c: {  	_ =	shalt  }
0x6d: {  	_ =	shalt  }
0x6e: {  	_ =	shalt  }
0x6f: {  	_ =	shalt  }
0x70: {  	_ =	shalt  }
0x71: {  	_ =	shalt  }
0x72: {  	_ =	shalt  }
0x73: {  	_ =	shalt  }
0x74: {  	_ =	shalt  }
0x75: {  	_ =	shalt  }
0x76: {  	_ =	shalt  }
0x77: {  	_ =	shalt  }
0x78: {  	_ =	shalt  }
0x79: {  	_ =	shalt  }
0x7a: {  	_ =	shalt  }
0x7b: {  	_ =	shalt  }
0x7c: {  	_ =	shalt  }
0x7d: {  	_ =	shalt  }
0x7e: {  	_ =	shalt  }
0x7f: {  	_ =	shalt  }
0x80: {  	_ =	shalt  }
0x81: {  	_ =	shalt  }
0x82: {  	_ =	shalt  }
0x83: {  	_ =	shalt  }
0x84: {  	_ =	shalt  }
0x85: {  	_ =	shalt  }
0x86: {  	_ =	shalt  }
0x87: {  	_ =	shalt  }
.Lfunc_end0:
.L_simem_size_0:
called_computation_lowered:
.L_overlay_start_0:
0x88: {  	s2 =	sld [smem:$0x3FD9]  }
0x89: {  	s3 =	sld [smem:$0x3FFE];
	_ =	sdelay $0x1  }
0x8a: {  	s1 =	srdreg.scid  }
0x8b: {  	s0 =	sand.u32 $0x1, s1  }
0x8c: {  	s17 =	sshll.u32 s0, $0xA;
	s2 =	sadd.s32 s3, s2  }
0x8d: {  	s2 =	sadd.s32 s2, s17  }
0x8e: {  	[smem:$0x3FC2] =	sst s2  }
0x8f: {  	_ = 	snop  }
0x90: {  	s2 =	sld [smem:$0x3FD0];
	(tm) =	ssettm $0x1  }
0x91: {  	s18 =	sld [smem:$0x3FFB];
	_ =	sdelay $0x3  }
0x92: {  	_ =	strace s18  }
0x93: {  	s3 =	sld [smem:$0x3FFC];
	_ =	sdelay $0x3  }
0x94: {  	_ =	strace s3  }
0x95: {  	s3 =	sld [smem:$0x3FFD];
	_ =	sdelay $0x3  }
0x96: {  	_ =	strace s3  }
0x97: {  	_ =	strace $0x8FFFFFFF  }
0x98: {  	s19 =	sld [smem:$0x3FDB];
	_ =	sdelay $0x1  }
0x99: {  	s4 =	simm.s32 $_scs_section_size  }
0x9a: {  	s5 =	simm.s32 $_size__tile_overlayer_lowered;
	s6 =	simm.s32 $_tile_overlayer_lowered  }
0x9b: {  	s22 =	simm.s32 $0x1BFF;
	s21 =	sshll.u32 s6, $0x1;
	s3 =	sadd.s32 s4, s19  }
0x9c: {  	s7 =	simm.s32 $0x0;
	s20 =	sshll.u32 s5, $0x1;
	s5 =	sadd.s32 s21, s3  }
0x9d: {  	[timem:s7], [sflag:s22] =	dma.local [hbm:s5], s20  }
0x9e: {  	_ =	swait.ge [sflag:s22], s20  }
0x9f: {  	s4 =	ssub.s32 $0x0, s20;
	[sflag:s22] =	ssyncset.done $0x0  }
0xa0: {  	[sflag:s22] =	ssyncadd.s32 s4;
	_ =	sdelay $0x1  }
0xa1: {  	s23 =	simm.s32 $0x1B8B  }
0xa2: {  	_ =	swait.ge [sflag:s23], $0x1  }
0xa3: {  	[sflag:s23] =	ssyncset.done $0x0  }
0xa4: {  	s25 =	simm.s32 $0x1B8E;
	s24 =	sld [smem:$0x3FFE];
	[sflag:s23] =	ssyncadd.s32 $0xFFFFFFFF  }
0xa5: {  	s26 =	simm.s32 $execute0_lowered;
	[smem:$0x3FD2] =	sst s25  }
0xa6: {  	s5 =	sshll.u32 s26, $0x1;
	_ =	strace $0x80000046;
	[dreg:$0x1] =	wrdreg $0xFFFFFFFF  }
0xa7: {  	s28 =	simm.s32 $_size_execute0_lowered;
	s3 =	sadd.s32 s3, s5;
	[dreg:$0x0] =	wrdreg $0x0  }
0xa8: {  	s5 =	sshll.u32 s28, $0x1;
	[dreg:$0x2] =	wrdreg s3  }
0xa9: {  	[dreg:$0x3] =	wrdreg s5  }
0xaa: {  	[dreg:$0x4] =	wrdreg $0xC0  }
0xab: {  	_ =	task [dreg:s7], $0x5FFFF  }
0xac: {  	[dreg:$0x1] =	wrdreg $0xFFFFFFFF  }
0xad: {  	[dreg:$0x0] =	wrdreg $0x60  }
0xae: {  	[dreg:$0x2] =	wrdreg s24  }
0xaf: {  	[dreg:$0x3] =	wrdreg s2  }
0xb0: {  	[dreg:$0x4] =	wrdreg $0x9  }
0xb1: {  	_ =	task.clear_ibuf [dreg:s7], $0x5FFFF;
	_ =	strace $0x90000046  }
0xb2: {  	s29 =	simm.s32 $0x9;
	_ =	strace $0x80000048  }
0xb3: {  	_ =	swait.ge [sflag:s29], $0x1  }
0xb4: {  	[sflag:s29] =	ssyncadd.s32 $0xFFFFFFFF  }
0xb5: {  	_ =	strace $0x90000048  }
0xb6: {  	_ =	sfence  }
0xb7: {  	s30 =	sld [smem:$0x0];
	_ =	sdelay $0x2  }
0xb8: {  	s31 =	sshll.u32 s1, $0xD;
	s1 =	sshrl.u32 s1, $0x2  }
0xb9: {  	s3 =	sand.u32 $0x4000, s31;
	s1 =	sadd.s32 s1, s30  }
0xba: {  	s0 =	sor.u32 s3, s0;
	s1 =	sshll.u32 s1, $0x11  }
0xbb: {  	s0 =	sor.u32 s1, s0  }
0xbc: {  	s0 =	sadd.s32 $0x8F2B, s0  }
0xbd: {  	[sflag:s0] =	ssyncadd.remote.s32 $0x1  }
0xbe: {  	_ =	sfence.sel $0xFFFF  }
0xbf: {  	[dreg:$0x0] =	wrdreg $0xFFFFFFFF;
	(pc) =	sbr.abs _section_cstart, $3  }
0xc0: {  	[dreg:$0x1] =	wrdreg $0xFFFFFFFF  }
0xc1: {  	_ =	task.clear_ibuf [dreg:s7], $0x2FFFF;
	_ =	strace $0x9FFFFFFF  }
0xc2: {  	(tm) =	ssettm $0x7FFFFFFF  }
0xc3: {  	_ =	shalt  }
tec
execute0_lowered:
.L_overlay_start_1:
0x0: {  	(tag) =	ssettag $0x1  }
0x1: {  	s0 =	srdreg.scid;
	s3 =	rddreg [dreg:$0x0]  }
0x2: {  	s5 =	rddreg [dreg:$0x1];
	s4 =	sand.u32 $0x1, s0  }
0x3: {  	s1 =	stileid.u32;
	s2 =	simm.s32 $0x0;
	s6 =	sshll.u32 s4, $0x4  }
0x4: {  	s9 =	simm.s32 $0x4F00;
	s10 =	simm.s32 $0x0;
	s6 =	sor.u32 s1, s6  }
0x5: {  	s0 =	rddreg [dreg:$0x2];
	s4 =	ssub.s32 $0x2, s4;
	s7 =	smul.u32 $0x4E2, s6  }
0x6: {  	[smem:$0x7FF] =	sst s2;
	s31 =	sshrl.u32 s4, $0x1;
	s6 =	smul.u32 $0xA00, s6  }
0x7: {  	_ =	strace $0x80000047;
	s8 =	ssub.s32 s4, s31;
	s7 =	sadd.s32 s7, s3  }
0x8: {  	s5 =	sadd.s32 s5, s6;
	s6 =	smax.u32 s8, $0x1;
	s8 =	simm.s32 $0x2780  }
0x9: {  	v0 =	vimm.f32 $0.0e+00;
	v1 =	vimm.f32 $1.000000000e+00;
	s3 =	sadd.s32 $0xAE00, s7;
	s4 =	sadd.s32 $0x1000, s7;
	s7 =	simm.s32 $0x1  }
.LBB2_1:
0xa: {  	[tilespmem:s2], [sflag:$0x1] =	stream.linear.gather [hbm4b:s3+s2], $0x2710, $0x38;
	[tilespmem:$0x9F00] =	vst v63  }
0xb: {  	_ =	swait.ge [sflag:s7], $0x2710  }
0xc: {  	[sflag:s7] =	ssyncset.done $0x0  }
0xd: {  	[sflag:s7] =	ssyncadd.s32 $0xFFFFD8F0  }
0xe: {  	[tilespmem:s8], [sflag:$0x1] =	stream.linear.gather [hbm4b:s4+s2], $0x2710, $0x38;
	[tilespmem:$0x9F00] =	vst v63  }
0xf: {  	_ =	swait.ge [sflag:s7], $0x2710  }
0x10: {  	[sflag:s7] =	ssyncset.done $0x0  }
0x11: {  	s11 =	simm.s32 $0x0;
	s12 =	simm.s32 $0x0;
	[sflag:s7] =	ssyncadd.s32 $0xFFFFD8F0  }
.LBB2_2:
0x12: {  	p0 =	sne.s32 s12, $0x27F0  }
.Ltmp0:
0x13: {  	_ = 	snop;
	(pc) =	sbr.rel @p0 .LBB2_2-.Ltmp0, $4  }
0x14: {  	s13 =	sand.u32 $0x70, s12;
	s14 =	sand.u32 $0x7F00, s11  }
0x15: {  	s13 =	sor.u32 s13, s14  }
0x16: {  	[tilespmem:s13+$0x4F00] =	vst v0  }
0x17: {  	s11 =	sadd.s32 $0x20, s11;
	s12 =	sadd.s32 $0x10, s12;
	[tilespmem:s13+$0x4F80] =	vst v0  }
0x18: {  	s12 =	simm.s32 $0x0  }
0x19: {  	s11 =	simm.s32 $0x40;
	v2 =	vld [tilespmem:s12+$0x0]  }
.LBB2_4:
0x1a: {  	p0 =	sne.s32 s11, $0x9C00;
	v3 =	vld [tilespmem:s12+$0x2780];
	_ =	sdelay $0x4  }
0x1b: {  	v4 =	vand.u32 $0x7F, v2;
	v2 =	vshll.u32 v2, $0x1;
	v5 =	vshll.u32 v3, $0x1  }
0x1c: {  	v2 =	vand.u32 $0xFFFFFF00, v2;
	v3 =	vand.u32 $0x7F, v3;
	v5 =	vand.u32 $0xFFFFFF00, v5  }
0x1d: {  	v2 =	vor.u32 v4, v2;
	v3 =	vor.u32 v5, v3  }
0x1e: {  	v3 =	vor.u32 $0x80, v3;
	_ =	sdelay $0x1  }
.Ltmp1:
0x1f: {  	(pc) =	sbr.rel @p0 .LBB2_4-.Ltmp1, $4  }
0x20: {  	_ = 	snop  }
0x21: {  	[tilespmem:v2+s9+$0x0] =	vst.idx.add.f32.msk $0xffff, v1  }
0x22: {  	s12 =	sshra.s32 s11, $0x2;
	[tilespmem:v3+s9+$0x0] =	vst.idx.add.f32.msk $0xffff, v1  }
0x23: {  	s11 =	sadd.s32 $0x40, s11;
	v2 =	vld [tilespmem:s12+$0x0]  }
0x24: {  	v3 =	vld [tilespmem:s12+$0x2780];
	_ =	sdelay $0x4  }
0x25: {  	v4 =	vand.u32 $0x7F, v2;
	v2 =	vshll.u32 v2, $0x1;
	v5 =	vshll.u32 v3, $0x1  }
0x26: {  	v2 =	vand.u32 $0xFFFFFF00, v2;
	v3 =	vand.u32 $0x7F, v3;
	v5 =	vand.u32 $0xFFFFFF00, v5  }
0x27: {  	v2 =	vor.u32 v4, v2;
	v3 =	vor.u32 v5, v3  }
0x28: {  	v3 =	vor.u32 $0x80, v3;
	_ =	sdelay $0x2  }
0x29: {  	s10 =	sadd.s32 $0x1, s10  }
0x2a: {  	p0 =	sne.s32 s10, s6;
	[tilespmem:v2+s9+$0x0] =	vst.idx.add.f32.msk $0xffff, v1  }
.Ltmp2:
0x2b: {  	[tilespmem:v3+s9+$0x0] =	vst.idx.add.f32.msk $0xffff, v1;
	(pc) =	sbr.rel @p0 .LBB2_1-.Ltmp2, $4  }
0x2c: {  	[hbm4b:s5+s2] =	stream.linear.scatter [tilespmem:s9], [sflag:$0x1], $0x5000, $0x38;
	[tilespmem:$0x9F00] =	vst v63  }
0x2d: {  	_ =	swait.ge [sflag:s7], $0x5000  }
0x2e: {  	[sflag:s7] =	ssyncset.done $0x0  }
0x2f: {  	[sflag:s7] =	ssyncadd.s32 $0xFFFFB000  }
0x30: {  	_ =	sfence.sel $0x180000  }
0x31: {  	[bflag:$0x0] =	sbarrier.arrive $0xFFFF  }
0x32: {  	p0 =	sne.s32 s1, $0x0;
	_ =	strace $0x90000047  }
0x33: {  	s0 =	sadd.s32 @!p0 $0x100000, s0;
	[bflag:$0x2] =	sbarrier.arrive $0xFFFF  }
0x34: {  	[sflag:s0] =	ssyncadd.tile.s32 @!p0 $0x1;
	_ =	shalt  }
.Lfunc_end2:
_tile_overlayer_lowered:
.L_overlay_start_2:
0x35: {  	(tag) =	ssettag $0x2  }
0x36: {  	s0 =	rddreg [dreg:$0x0];
	s2 =	stileid.u32  }
0x37: {  	s1 =	rddreg [dreg:$0x1];
	p0 =	sne.s32 s2, $0x0  }
0x38: {  	s3 =	rddreg [dreg:$0x2];
	[bflag:$0x3] =	sbarrier.arrive $0xFFFF;
	s2 =	simm.s32 @!p0 $0x1C01  }
0x39: {  	[timem:s3], [sflag:s2] =	dma.local @!p0 [hbm:s0], s1  }
0x3a: {  	s0 =	simm.s32 @!p0 $0x1  }
0x3b: {  	_ =	swait.ge @!p0 [sflag:s0], s1  }
0x3c: {  	s1 =	ssub.s32 @!p0 $0x0, s1;
	[sflag:s0] =	ssyncset.done @!p0 $0x0  }
0x3d: {  	[sflag:s0] =	ssyncadd.s32 @!p0 s1  }
0x3e: {  	[bflag:$0x3] =	sbarrier.arrive $0xFFFF  }
0x3f: {  	_ =	shalt  }

</sc_bundles>
